<compile_context>
chip_gen: v7x
topology: tpu7x:2x2x1
jax: 0.10.2.dev20260603
libtpu: 0.0.44.dev20260713+nightly
codegen_flags: <defaults>
</compile_context>

<pallas_src>
import functools

import numpy as np
import jax
import jax.numpy as jnp
from jax import lax
from jax.experimental import pallas as pl
from jax.experimental.pallas import tpu as pltpu
from jax.experimental.pallas import tpu_sc as plsc

_VOCAB = 1000000
_D = 64
_B = 4096
_NS = 128
_TOTAL = _B * _NS

_NC = 2
_NSUB = 16
_NW = _NC * _NSUB
_ROWS_PER_W = _TOTAL // _NW
_CHUNK = 256
_NCHUNKS = _ROWS_PER_W // _CHUNK
_NRING = 4
_IDXW = 128
_OTR = (_CHUNK // _IDXW) * _D
_L = 16


def _np_threefry2x32(k1, k2, x1, x2):
    r0, r1 = (13, 15, 26, 6), (17, 29, 16, 24)
    ks = (k1, k2, np.uint32(k1 ^ k2 ^ np.uint32(0x1BD11BDA)))
    a = (x1 + ks[0]).astype(np.uint32)
    b = (x2 + ks[1]).astype(np.uint32)
    for rots, ia, ib, c in ((r0, 1, 2, 1), (r1, 2, 0, 2), (r0, 0, 1, 3),
                            (r1, 1, 2, 4), (r0, 2, 0, 5)):
        for r in rots:
            a = (a + b).astype(np.uint32)
            b = ((b << np.uint32(r)) | (b >> np.uint32(32 - r))).astype(np.uint32)
            b = a ^ b
        a = (a + ks[ia]).astype(np.uint32)
        b = (b + ks[ib] + np.uint32(c)).astype(np.uint32)
    return a, b


def _lower_subkey():
    old = np.seterr(over="ignore")
    try:
        b1, b2 = _np_threefry2x32(np.uint32(0), np.uint32(42),
                                  np.zeros(2, np.uint32),
                                  np.arange(2, dtype=np.uint32))
        return int(b1[1]), int(b2[1])
    finally:
        np.seterr(**old)


_KLO1, _KLO2 = _lower_subkey()
_K3 = _KLO1 ^ _KLO2 ^ 0x1BD11BDA


def _tf_lo16(cnt):
    r0, r1 = (13, 15, 26, 6), (17, 29, 16, 24)
    ks = (jnp.uint32(_KLO1), jnp.uint32(_KLO2), jnp.uint32(_K3))
    a = jnp.full((_L,), _KLO1, jnp.uint32)
    b = cnt + ks[1]
    for rots, ia, ib, c in ((r0, 1, 2, 1), (r1, 2, 0, 2), (r0, 0, 1, 3),
                            (r1, 1, 2, 4), (r0, 2, 0, 5)):
        for r in rots:
            a = a + b
            b = lax.shift_left(b, jnp.uint32(r)) | lax.shift_right_logical(
                b, jnp.uint32(32 - r))
            b = a ^ b
        a = a + ks[ia]
        b = b + ks[ib] + jnp.uint32(c)
    return a ^ b


def _mod_vocab(lo):
    hi = plsc.bitcast(lax.shift_right_logical(lo, jnp.uint32(6)), jnp.int32)
    q = (hi.astype(jnp.float32) * jnp.float32(64.0 / _VOCAB)).astype(jnp.int32)
    r = plsc.bitcast(lo, jnp.int32) - q * jnp.int32(_VOCAB)
    for _ in range(2):
        r = jnp.where(r < 0, r + _VOCAB, r)
        r = jnp.where(r >= _VOCAB, r - _VOCAB, r)
    return r


def _rsqrt16(s):
    i = plsc.bitcast(s, jnp.int32)
    i = jnp.int32(0x5F3759DF) - lax.shift_right_logical(i, 1)
    y = plsc.bitcast(i, jnp.float32)
    for _ in range(2):
        y = y * (jnp.float32(1.5) - jnp.float32(0.5) * s * y * y)
    return y


def _body_ids(ids_tab_hbm, ids_out_hbm, obuf, ids_all, semi):
    c = lax.axis_index("c")
    s = lax.axis_index("s")
    wid = s * _NC + c
    rbase = wid * _ROWS_PER_W
    lanes = lax.iota(jnp.int32, _L)
    lanes_u = plsc.bitcast(lanes, jnp.uint32)

    def win(w, carry):
        @pl.when(w >= 4)
        def _():
            pltpu.make_async_copy(ids_tab_hbm.at[obuf.at[0]],
                                  ids_all.at[pl.ds(0, _CHUNK)], semi).wait()

        def vec(v, carry2):
            base = rbase + w * _CHUNK + v * _L
            cnt = plsc.bitcast(jnp.full((_L,), base, jnp.int32), jnp.uint32)
            off = _mod_vocab(_tf_lo16(cnt + lanes_u))
            obuf[w % 4, pl.ds(v * _L, _L)] = off
            return carry2

        lax.fori_loop(0, _CHUNK // _L, vec, 0)
        pltpu.async_copy(ids_tab_hbm.at[obuf.at[w % 4]],
                         ids_all.at[pl.ds(w * _CHUNK, _CHUNK)], semi)
        return carry

    lax.fori_loop(0, _NCHUNKS, win, 0)
    for _ in range(4):
        pltpu.make_async_copy(ids_tab_hbm.at[obuf.at[0]],
                              ids_all.at[pl.ds(0, _CHUNK)], semi).wait()
    pltpu.sync_copy(ids_all, ids_out_hbm.at[pl.ds(rbase, _ROWS_PER_W)])


def _body_rows(ids_in_hbm, table_hbm, emb_out_hbm,
               ids_all, rows0, rows1, rows2, rows3, ot0, ot1,
               semr0, semr1, semr2, semr3, semw0, semw1):
    c = lax.axis_index("c")
    s = lax.axis_index("s")
    wid = s * _NC + c
    rbase = wid * _ROWS_PER_W
    lanes = lax.iota(jnp.int32, _L)
    pltpu.sync_copy(ids_in_hbm.at[pl.ds(rbase, _ROWS_PER_W)], ids_all)

    rows = [rows0, rows1, rows2, rows3]
    semr = [semr0, semr1, semr2, semr3]
    ots = [ot0, ot1]
    semw = [semw0, semw1]
    qlanes = [lanes + q * _L for q in range(_D // _L)]

    def fire(cidx, j):
        pltpu.async_copy(table_hbm.at[ids_all.at[pl.ds(cidx * _CHUNK, _CHUNK)]],
                         rows[j], semr[j])

    def drain_rows(j):
        pltpu.make_async_copy(table_hbm.at[ids_all.at[pl.ds(0, _CHUNK)]],
                              rows[j], semr[j]).wait()

    def write_out(cidx, p):
        orow = (rbase + cidx * _CHUNK) // _IDXW * _D
        pltpu.async_copy(ots[p].at[:, pl.ds(0, _IDXW)],
                         emb_out_hbm.at[pl.ds(orow, _OTR)], semw[p])

    def drain_write(p):
        pltpu.make_async_copy(ots[p].at[:, pl.ds(0, _IDXW)],
                              emb_out_hbm.at[pl.ds(0, _OTR)], semw[p]).wait()

    def norm(j, p):
        rows_v = rows[j]
        ot = ots[p]

        @plsc.parallel_loop(0, _CHUNK, unroll=8)
        def row(r):
            rr = rows_v.at[r]
            vs = [rr[pl.ds(q * _L, _L)] for q in range(_D // _L)]
            acc = vs[0] * vs[0]
            for v in vs[1:]:
                acc = acc + v * v
            sv = jnp.full((_L,), jnp.sum(acc), jnp.float32)
            y = jnp.minimum(_rsqrt16(sv), jnp.float32(1e8))
            dbase = lax.shift_right_logical(r, 7) * _D
            colv = jnp.full((_L,), lax.rem(r, _IDXW), jnp.int32)
            for q, v in enumerate(vs):
                plsc.store_scatter(ot, [dbase + qlanes[q], colv], v * y)

    fire(0, 0)
    fire(1, 1)

    def ringstep(g, carry):
        for j in range(_NRING):
            cidx = g * _NRING + j
            p = j % 2
            jn = (j + 2) % _NRING
            if j < 2:
                fire(cidx + 2, jn)

                @pl.when(g > 0)
                def _():
                    drain_write(p)
            else:
                @pl.when(g < _NCHUNKS // _NRING - 1)
                def _():
                    fire(cidx + 2, jn)
                drain_write(p)
            drain_rows(j)
            norm(j, p)
            write_out(cidx, p)
        return carry

    lax.fori_loop(0, _NCHUNKS // _NRING, ringstep, 0)
    drain_write(0)
    drain_write(1)


@functools.cache
def _sampler_ids():
    return pl.kernel(
        _body_ids,
        out_type=[jax.ShapeDtypeStruct((_TOTAL,), jnp.int32)],
        mesh=plsc.VectorSubcoreMesh(core_axis_name="c", subcore_axis_name="s"),
        compiler_params=pltpu.CompilerParams(
            needs_layout_passes=False, use_tc_tiling_on_sc=False),
        scratch_types=[
            pltpu.VMEM((4, _CHUNK), jnp.int32),
            pltpu.VMEM((_ROWS_PER_W,), jnp.int32),
            pltpu.SemaphoreType.DMA,
        ],
    )


@functools.cache
def _sampler_rows():
    return pl.kernel(
        _body_rows,
        out_type=[jax.ShapeDtypeStruct((_TOTAL // _IDXW * _D, _IDXW),
                                       jnp.float32)],
        mesh=plsc.VectorSubcoreMesh(core_axis_name="c", subcore_axis_name="s"),
        compiler_params=pltpu.CompilerParams(
            needs_layout_passes=False, use_tc_tiling_on_sc=False),
        scratch_types=[
            pltpu.VMEM((_ROWS_PER_W,), jnp.int32),
            pltpu.VMEM((_CHUNK, _D), jnp.float32),
            pltpu.VMEM((_CHUNK, _D), jnp.float32),
            pltpu.VMEM((_CHUNK, _D), jnp.float32),
            pltpu.VMEM((_CHUNK, _D), jnp.float32),
            pltpu.VMEM((_OTR, _IDXW + 1), jnp.float32),
            pltpu.VMEM((_OTR, _IDXW + 1), jnp.float32),
        ] + [pltpu.SemaphoreType.DMA] * 6,
    )


def kernel(postive_item_ids, num_to_sample, item_emb_table, all_item_ids):
    del postive_item_ids, num_to_sample
    (ids_flat,) = _sampler_ids()(all_item_ids)
    (emb2d,) = _sampler_rows()(ids_flat, item_emb_table)
    emb_t = emb2d.reshape(_TOTAL // _IDXW, _D, _IDXW)
    return ids_flat.reshape(_B, _NS), jnp.swapaxes(emb_t, 1, 2)

# --- scband reference (transcript-rebuilt; emitter-appended) ---
"""Pipeline reference for scband-global-negative-sampler-33260226740676 (READ-ONLY COPY).

The authoritative reference and input builder live on the scoring server;
editing this copy changes nothing except your own understanding.
"""

import jax, jax.numpy as jnp
import numpy as np

VOCAB = 1000000
EMBED_DIM = 64
BATCH = 4096
NUM_TO_SAMPLE = 128


def setup_inputs(seed: int = 0) -> dict:
    key = jax.random.key(seed)
    k1, k2 = jax.random.split(key)
    postive_item_ids = jax.random.randint(k1, (BATCH,), 0, VOCAB)
    num_to_sample = 128
    item_emb_table = jax.random.normal(k2, (VOCAB, EMBED_DIM), dtype=jnp.float32) * 0.02
    all_item_ids = jnp.arange(VOCAB)
    return {
        "postive_item_ids": postive_item_ids,
        "num_to_sample": num_to_sample,
        "item_emb_table": item_emb_table,
        "all_item_ids": all_item_ids,
    }


def reference(postive_item_ids, num_to_sample, item_emb_table, all_item_ids):
    # output shape = positive ids shape + (num_to_sample,)
    output_shape = tuple(postive_item_ids.shape) + (NUM_TO_SAMPLE,)
    num_items = all_item_ids.shape[0]
    # deterministic stand-in for torch.randint sampling
    skey = jax.random.key(42)
    sampled_offsets = jax.random.randint(skey, output_shape, 0, num_items)
    sampled_offsets = sampled_offsets + (num_to_sample - num_to_sample)
    # gather ids through the all_item_ids buffer (embedding-style lookup)
    sampled_ids = jnp.take(all_item_ids, sampled_offsets.reshape(-1), axis=0).reshape(output_shape)
    # embedding lookup: table[sampled_ids]
    neg_emb = jnp.take(item_emb_table, sampled_ids, axis=0)
    # l2 normalize with clamp(min=1e-8)
    norm = jnp.linalg.norm(neg_emb, axis=-1, keepdims=True)
    neg_emb = neg_emb / jnp.maximum(norm, 1e-8)
    return (sampled_ids, neg_emb)

if __name__ == "__main__":
    import jax
    _d = setup_inputs()
    print(jax.jit(kernel)(*tuple(_d.values())))

</pallas_src>

<mosaic_0001>
#map = affine_map<(d0, d1) -> (0)>
module attributes {stable_mosaic.version = 14 : i64} {
  func.func @_body_ids(%arg0: i32, %arg1: i32, %arg2: memref<1000000xi32, #tpu.memory_space<hbm>>, %arg3: memref<524288xi32, #tpu.memory_space<hbm>>, %arg4: memref<4x256xi32, #tpu.memory_space<vmem>>, %arg5: memref<16384xi32, #tpu.memory_space<vmem>>, %arg6: memref<!tpu.dma_semaphore, #tpu.memory_space<semaphore_mem>>) attributes {dimension_semantics = [#tpu.dimension_semantics<core_parallel>, #tpu.dimension_semantics<subcore_parallel>], iteration_bounds = array<i64: 2, 16>, scalar_prefetch = 0 : i64, scratch_operands = 3 : i64, tpu.core_type = #tpu.core_type<sc_vector_subcore>, window_params = [{transform_indices = #map}, {transform_indices = #map}]} {
    %mul3A = arith.constant 2 : i32
    %mul3A_0 = arith.muli %arg1, %mul3A : i32
    %add3A = arith.addi %mul3A_0, %arg0 : i32
    %mul3A_1 = arith.constant 16384 : i32
    %mul3A_2 = arith.muli %add3A, %mul3A_1 : i32
    %iota3A = tpu.iota {dimensions = array<i32: 0>} : vector<16xi32>
    %bitcast3A = vector.bitcast %iota3A : vector<16xi32> to vector<16xi32>
    %scan3A = arith.constant 0 : i32
    %scan3A_3 = arith.constant 0 : i32
    %scan3A_4 = arith.constant 64 : i32
    %scan3A_5 = arith.addi %scan3A_3, %scan3A_4 : i32
    %scan3A_6 = arith.constant 1 : i32
    scf.for %scan3A_39 = %scan3A_3 to %scan3A_5 step %scan3A_6  : i32 {
      %ge3A = arith.constant 4 : i32
      %ge3A_40 = arith.cmpi sge, %scan3A_39, %ge3A : i32
      %convert_element_type3A = arith.extui %ge3A_40 : i1 to i32
      %cond3A = arith.constant 0 : i32
      %cond3A_41 = arith.cmpi ne, %convert_element_type3A, %cond3A : i32
      scf.if %cond3A_41 {
        %dma_wait3A_64 = arith.constant 0 : i32
        %dma_wait3A_65 = arith.constant 0 : i32
        %dma_wait3A_66 = tpu.memref_slice %arg5[%dma_wait3A_65] : memref<16384xi32, #tpu.memory_space<vmem>> -> memref<256xi32, #tpu.memory_space<vmem>>
        %dma_wait3A_67 = arith.constant 0 : i32
        %dma_wait3A_68 = tpu.memref_slice %arg4[%dma_wait3A_64, %dma_wait3A_67] : memref<4x256xi32, #tpu.memory_space<vmem>> -> memref<1x256xi32, #tpu.memory_space<vmem>>
        %dma_wait3A_69 = tpu.memref_squeeze %dma_wait3A_68 : memref<1x256xi32, #tpu.memory_space<vmem>> -> memref<256xi32, #tpu.memory_space<vmem>>
        %dma_wait3A_70 = arith.constant 0 : i32
        %dma_wait3A_71 = tpu.memref_slice %arg2[%dma_wait3A_70] : memref<1000000xi32, #tpu.memory_space<hbm>> -> memref<1000000xi32, #tpu.memory_space<hbm>>
        tpu.wait_indirect_dma semaphore(%arg6 : memref<!tpu.dma_semaphore, #tpu.memory_space<semaphore_mem>>) src(%dma_wait3A_71 : memref<1000000xi32, #tpu.memory_space<hbm>>) dst(%dma_wait3A_66 : memref<256xi32, #tpu.memory_space<vmem>>)
      } else {
      }
      %scan3A_42 = arith.constant 0 : i32
      %scan3A_43 = arith.constant 0 : i32
      %scan3A_44 = arith.constant 16 : i32
      %scan3A_45 = arith.addi %scan3A_43, %scan3A_44 : i32
      %scan3A_46 = arith.constant 1 : i32
      scf.for %scan3A_64 = %scan3A_43 to %scan3A_45 step %scan3A_46  : i32 {
        %mul3A_65 = arith.constant 256 : i32
        %mul3A_66 = arith.muli %scan3A_39, %mul3A_65 : i32
        %add3A_67 = arith.addi %mul3A_2, %mul3A_66 : i32
        %mul3A_68 = arith.constant 16 : i32
        %mul3A_69 = arith.muli %scan3A_64, %mul3A_68 : i32
        %add3A_70 = arith.addi %add3A_67, %mul3A_69 : i32
        %broadcast_in_dim3A = vector.broadcast %add3A_70 : i32 to vector<16xi32>
        %bitcast3A_71 = vector.bitcast %broadcast_in_dim3A : vector<16xi32> to vector<16xi32>
        %add3A_72 = arith.addi %bitcast3A_71, %bitcast3A : vector<16xi32>
        %broadcast_in_dim3A_73 = arith.constant 64467757 : i32
        %broadcast_in_dim3A_74 = vector.broadcast %broadcast_in_dim3A_73 : i32 to vector<16xi32>
        %add3A_75 = arith.constant -1378843660 : i32
        %add3A_76 = vector.broadcast %add3A_75 : i32 to vector<16xi32>
        %add3A_77 = arith.addi %add3A_72, %add3A_76 : vector<16xi32>
        %add3A_78 = arith.addi %broadcast_in_dim3A_74, %add3A_77 : vector<16xi32>
        %shift_left3A = arith.constant 13 : i32
        %shift_left3A_79 = vector.broadcast %shift_left3A : i32 to vector<16xi32>
        %shift_left3A_80 = arith.shli %add3A_77, %shift_left3A_79 : vector<16xi32>
        %shift_right_logical3A = arith.constant 19 : i32
        %shift_right_logical3A_81 = vector.broadcast %shift_right_logical3A : i32 to vector<16xi32>
        %shift_right_logical3A_82 = arith.shrui %add3A_77, %shift_right_logical3A_81 : vector<16xi32>
        %or3A = arith.ori %shift_left3A_80, %shift_right_logical3A_82 : vector<16xi32>
        %xor3A = arith.xori %add3A_78, %or3A : vector<16xi32>
        %add3A_83 = arith.addi %add3A_78, %xor3A : vector<16xi32>
        %shift_left3A_84 = arith.constant 15 : i32
        %shift_left3A_85 = vector.broadcast %shift_left3A_84 : i32 to vector<16xi32>
        %shift_left3A_86 = arith.shli %xor3A, %shift_left3A_85 : vector<16xi32>
        %shift_right_logical3A_87 = arith.constant 17 : i32
        %shift_right_logical3A_88 = vector.broadcast %shift_right_logical3A_87 : i32 to vector<16xi32>
        %shift_right_logical3A_89 = arith.shrui %xor3A, %shift_right_logical3A_88 : vector<16xi32>
        %or3A_90 = arith.ori %shift_left3A_86, %shift_right_logical3A_89 : vector<16xi32>
        %xor3A_91 = arith.xori %add3A_83, %or3A_90 : vector<16xi32>
        %add3A_92 = arith.addi %add3A_83, %xor3A_91 : vector<16xi32>
        %shift_left3A_93 = arith.constant 26 : i32
        %shift_left3A_94 = vector.broadcast %shift_left3A_93 : i32 to vector<16xi32>
        %shift_left3A_95 = arith.shli %xor3A_91, %shift_left3A_94 : vector<16xi32>
        %shift_right_logical3A_96 = arith.constant 6 : i32
        %shift_right_logical3A_97 = vector.broadcast %shift_right_logical3A_96 : i32 to vector<16xi32>
        %shift_right_logical3A_98 = arith.shrui %xor3A_91, %shift_right_logical3A_97 : vector<16xi32>
        %or3A_99 = arith.ori %shift_left3A_95, %shift_right_logical3A_98 : vector<16xi32>
        %xor3A_100 = arith.xori %add3A_92, %or3A_99 : vector<16xi32>
        %add3A_101 = arith.addi %add3A_92, %xor3A_100 : vector<16xi32>
        %shift_left3A_102 = arith.constant 6 : i32
        %shift_left3A_103 = vector.broadcast %shift_left3A_102 : i32 to vector<16xi32>
        %shift_left3A_104 = arith.shli %xor3A_100, %shift_left3A_103 : vector<16xi32>
        %shift_right_logical3A_105 = arith.constant 26 : i32
        %shift_right_logical3A_106 = vector.broadcast %shift_right_logical3A_105 : i32 to vector<16xi32>
        %shift_right_logical3A_107 = arith.shrui %xor3A_100, %shift_right_logical3A_106 : vector<16xi32>
        %or3A_108 = arith.ori %shift_left3A_104, %shift_right_logical3A_107 : vector<16xi32>
        %xor3A_109 = arith.xori %add3A_101, %or3A_108 : vector<16xi32>
        %add3A_110 = arith.constant -1378843660 : i32
        %add3A_111 = vector.broadcast %add3A_110 : i32 to vector<16xi32>
        %add3A_112 = arith.addi %add3A_101, %add3A_111 : vector<16xi32>
        %add3A_113 = arith.constant -1244255485 : i32
        %add3A_114 = vector.broadcast %add3A_113 : i32 to vector<16xi32>
        %add3A_115 = arith.addi %xor3A_109, %add3A_114 : vector<16xi32>
        %add3A_116 = arith.constant 1 : i32
        %add3A_117 = vector.broadcast %add3A_116 : i32 to vector<16xi32>
        %add3A_118 = arith.addi %add3A_115, %add3A_117 : vector<16xi32>
        %add3A_119 = arith.addi %add3A_112, %add3A_118 : vector<16xi32>
        %shift_left3A_120 = arith.constant 17 : i32
        %shift_left3A_121 = vector.broadcast %shift_left3A_120 : i32 to vector<16xi32>
        %shift_left3A_122 = arith.shli %add3A_118, %shift_left3A_121 : vector<16xi32>
        %shift_right_logical3A_123 = arith.constant 15 : i32
        %shift_right_logical3A_124 = vector.broadcast %shift_right_logical3A_123 : i32 to vector<16xi32>
        %shift_right_logical3A_125 = arith.shrui %add3A_118, %shift_right_logical3A_124 : vector<16xi32>
        %or3A_126 = arith.ori %shift_left3A_122, %shift_right_logical3A_125 : vector<16xi32>
        %xor3A_127 = arith.xori %add3A_119, %or3A_126 : vector<16xi32>
        %add3A_128 = arith.addi %add3A_119, %xor3A_127 : vector<16xi32>
        %shift_left3A_129 = arith.constant 29 : i32
        %shift_left3A_130 = vector.broadcast %shift_left3A_129 : i32 to vector<16xi32>
        %shift_left3A_131 = arith.shli %xor3A_127, %shift_left3A_130 : vector<16xi32>
        %shift_right_logical3A_132 = arith.constant 3 : i32
        %shift_right_logical3A_133 = vector.broadcast %shift_right_logical3A_132 : i32 to vector<16xi32>
        %shift_right_logical3A_134 = arith.shrui %xor3A_127, %shift_right_logical3A_133 : vector<16xi32>
        %or3A_135 = arith.ori %shift_left3A_131, %shift_right_logical3A_134 : vector<16xi32>
        %xor3A_136 = arith.xori %add3A_128, %or3A_135 : vector<16xi32>
        %add3A_137 = arith.addi %add3A_128, %xor3A_136 : vector<16xi32>
        %shift_left3A_138 = arith.constant 16 : i32
        %shift_left3A_139 = vector.broadcast %shift_left3A_138 : i32 to vector<16xi32>
        %shift_left3A_140 = arith.shli %xor3A_136, %shift_left3A_139 : vector<16xi32>
        %shift_right_logical3A_141 = arith.constant 16 : i32
        %shift_right_logical3A_142 = vector.broadcast %shift_right_logical3A_141 : i32 to vector<16xi32>
        %shift_right_logical3A_143 = arith.shrui %xor3A_136, %shift_right_logical3A_142 : vector<16xi32>
        %or3A_144 = arith.ori %shift_left3A_140, %shift_right_logical3A_143 : vector<16xi32>
        %xor3A_145 = arith.xori %add3A_137, %or3A_144 : vector<16xi32>
        %add3A_146 = arith.addi %add3A_137, %xor3A_145 : vector<16xi32>
        %shift_left3A_147 = arith.constant 24 : i32
        %shift_left3A_148 = vector.broadcast %shift_left3A_147 : i32 to vector<16xi32>
        %shift_left3A_149 = arith.shli %xor3A_145, %shift_left3A_148 : vector<16xi32>
        %shift_right_logical3A_150 = arith.constant 8 : i32
        %shift_right_logical3A_151 = vector.broadcast %shift_right_logical3A_150 : i32 to vector<16xi32>
        %shift_right_logical3A_152 = arith.shrui %xor3A_145, %shift_right_logical3A_151 : vector<16xi32>
        %or3A_153 = arith.ori %shift_left3A_149, %shift_right_logical3A_152 : vector<16xi32>
        %xor3A_154 = arith.xori %add3A_146, %or3A_153 : vector<16xi32>
        %add3A_155 = arith.constant -1244255485 : i32
        %add3A_156 = vector.broadcast %add3A_155 : i32 to vector<16xi32>
        %add3A_157 = arith.addi %add3A_146, %add3A_156 : vector<16xi32>
        %add3A_158 = arith.constant 64467757 : i32
        %add3A_159 = vector.broadcast %add3A_158 : i32 to vector<16xi32>
        %add3A_160 = arith.addi %xor3A_154, %add3A_159 : vector<16xi32>
        %add3A_161 = arith.constant 2 : i32
        %add3A_162 = vector.broadcast %add3A_161 : i32 to vector<16xi32>
        %add3A_163 = arith.addi %add3A_160, %add3A_162 : vector<16xi32>
        %add3A_164 = arith.addi %add3A_157, %add3A_163 : vector<16xi32>
        %shift_left3A_165 = arith.constant 13 : i32
        %shift_left3A_166 = vector.broadcast %shift_left3A_165 : i32 to vector<16xi32>
        %shift_left3A_167 = arith.shli %add3A_163, %shift_left3A_166 : vector<16xi32>
        %shift_right_logical3A_168 = arith.constant 19 : i32
        %shift_right_logical3A_169 = vector.broadcast %shift_right_logical3A_168 : i32 to vector<16xi32>
        %shift_right_logical3A_170 = arith.shrui %add3A_163, %shift_right_logical3A_169 : vector<16xi32>
        %or3A_171 = arith.ori %shift_left3A_167, %shift_right_logical3A_170 : vector<16xi32>
        %xor3A_172 = arith.xori %add3A_164, %or3A_171 : vector<16xi32>
        %add3A_173 = arith.addi %add3A_164, %xor3A_172 : vector<16xi32>
        %shift_left3A_174 = arith.constant 15 : i32
        %shift_left3A_175 = vector.broadcast %shift_left3A_174 : i32 to vector<16xi32>
        %shift_left3A_176 = arith.shli %xor3A_172, %shift_left3A_175 : vector<16xi32>
        %shift_right_logical3A_177 = arith.constant 17 : i32
        %shift_right_logical3A_178 = vector.broadcast %shift_right_logical3A_177 : i32 to vector<16xi32>
        %shift_right_logical3A_179 = arith.shrui %xor3A_172, %shift_right_logical3A_178 : vector<16xi32>
        %or3A_180 = arith.ori %shift_left3A_176, %shift_right_logical3A_179 : vector<16xi32>
        %xor3A_181 = arith.xori %add3A_173, %or3A_180 : vector<16xi32>
        %add3A_182 = arith.addi %add3A_173, %xor3A_181 : vector<16xi32>
        %shift_left3A_183 = arith.constant 26 : i32
        %shift_left3A_184 = vector.broadcast %shift_left3A_183 : i32 to vector<16xi32>
        %shift_left3A_185 = arith.shli %xor3A_181, %shift_left3A_184 : vector<16xi32>
        %shift_right_logical3A_186 = arith.constant 6 : i32
        %shift_right_logical3A_187 = vector.broadcast %shift_right_logical3A_186 : i32 to vector<16xi32>
        %shift_right_logical3A_188 = arith.shrui %xor3A_181, %shift_right_logical3A_187 : vector<16xi32>
        %or3A_189 = arith.ori %shift_left3A_185, %shift_right_logical3A_188 : vector<16xi32>
        %xor3A_190 = arith.xori %add3A_182, %or3A_189 : vector<16xi32>
        %add3A_191 = arith.addi %add3A_182, %xor3A_190 : vector<16xi32>
        %shift_left3A_192 = arith.constant 6 : i32
        %shift_left3A_193 = vector.broadcast %shift_left3A_192 : i32 to vector<16xi32>
        %shift_left3A_194 = arith.shli %xor3A_190, %shift_left3A_193 : vector<16xi32>
        %shift_right_logical3A_195 = arith.constant 26 : i32
        %shift_right_logical3A_196 = vector.broadcast %shift_right_logical3A_195 : i32 to vector<16xi32>
        %shift_right_logical3A_197 = arith.shrui %xor3A_190, %shift_right_logical3A_196 : vector<16xi32>
        %or3A_198 = arith.ori %shift_left3A_194, %shift_right_logical3A_197 : vector<16xi32>
        %xor3A_199 = arith.xori %add3A_191, %or3A_198 : vector<16xi32>
        %add3A_200 = arith.constant 64467757 : i32
        %add3A_201 = vector.broadcast %add3A_200 : i32 to vector<16xi32>
        %add3A_202 = arith.addi %add3A_191, %add3A_201 : vector<16xi32>
        %add3A_203 = arith.constant -1378843660 : i32
        %add3A_204 = vector.broadcast %add3A_203 : i32 to vector<16xi32>
        %add3A_205 = arith.addi %xor3A_199, %add3A_204 : vector<16xi32>
        %add3A_206 = arith.constant 3 : i32
        %add3A_207 = vector.broadcast %add3A_206 : i32 to vector<16xi32>
        %add3A_208 = arith.addi %add3A_205, %add3A_207 : vector<16xi32>
        %add3A_209 = arith.addi %add3A_202, %add3A_208 : vector<16xi32>
        %shift_left3A_210 = arith.constant 17 : i32
        %shift_left3A_211 = vector.broadcast %shift_left3A_210 : i32 to vector<16xi32>
        %shift_left3A_212 = arith.shli %add3A_208, %shift_left3A_211 : vector<16xi32>
        %shift_right_logical3A_213 = arith.constant 15 : i32
        %shift_right_logical3A_214 = vector.broadcast %shift_right_logical3A_213 : i32 to vector<16xi32>
        %shift_right_logical3A_215 = arith.shrui %add3A_208, %shift_right_logical3A_214 : vector<16xi32>
        %or3A_216 = arith.ori %shift_left3A_212, %shift_right_logical3A_215 : vector<16xi32>
        %xor3A_217 = arith.xori %add3A_209, %or3A_216 : vector<16xi32>
        %add3A_218 = arith.addi %add3A_209, %xor3A_217 : vector<16xi32>
        %shift_left3A_219 = arith.constant 29 : i32
        %shift_left3A_220 = vector.broadcast %shift_left3A_219 : i32 to vector<16xi32>
        %shift_left3A_221 = arith.shli %xor3A_217, %shift_left3A_220 : vector<16xi32>
        %shift_right_logical3A_222 = arith.constant 3 : i32
        %shift_right_logical3A_223 = vector.broadcast %shift_right_logical3A_222 : i32 to vector<16xi32>
        %shift_right_logical3A_224 = arith.shrui %xor3A_217, %shift_right_logical3A_223 : vector<16xi32>
        %or3A_225 = arith.ori %shift_left3A_221, %shift_right_logical3A_224 : vector<16xi32>
        %xor3A_226 = arith.xori %add3A_218, %or3A_225 : vector<16xi32>
        %add3A_227 = arith.addi %add3A_218, %xor3A_226 : vector<16xi32>
        %shift_left3A_228 = arith.constant 16 : i32
        %shift_left3A_229 = vector.broadcast %shift_left3A_228 : i32 to vector<16xi32>
        %shift_left3A_230 = arith.shli %xor3A_226, %shift_left3A_229 : vector<16xi32>
        %shift_right_logical3A_231 = arith.constant 16 : i32
        %shift_right_logical3A_232 = vector.broadcast %shift_right_logical3A_231 : i32 to vector<16xi32>
        %shift_right_logical3A_233 = arith.shrui %xor3A_226, %shift_right_logical3A_232 : vector<16xi32>
        %or3A_234 = arith.ori %shift_left3A_230, %shift_right_logical3A_233 : vector<16xi32>
        %xor3A_235 = arith.xori %add3A_227, %or3A_234 : vector<16xi32>
        %add3A_236 = arith.addi %add3A_227, %xor3A_235 : vector<16xi32>
        %shift_left3A_237 = arith.constant 24 : i32
        %shift_left3A_238 = vector.broadcast %shift_left3A_237 : i32 to vector<16xi32>
        %shift_left3A_239 = arith.shli %xor3A_235, %shift_left3A_238 : vector<16xi32>
        %shift_right_logical3A_240 = arith.constant 8 : i32
        %shift_right_logical3A_241 = vector.broadcast %shift_right_logical3A_240 : i32 to vector<16xi32>
        %shift_right_logical3A_242 = arith.shrui %xor3A_235, %shift_right_logical3A_241 : vector<16xi32>
        %or3A_243 = arith.ori %shift_left3A_239, %shift_right_logical3A_242 : vector<16xi32>
        %xor3A_244 = arith.xori %add3A_236, %or3A_243 : vector<16xi32>
        %add3A_245 = arith.constant -1378843660 : i32
        %add3A_246 = vector.broadcast %add3A_245 : i32 to vector<16xi32>
        %add3A_247 = arith.addi %add3A_236, %add3A_246 : vector<16xi32>
        %add3A_248 = arith.constant -1244255485 : i32
        %add3A_249 = vector.broadcast %add3A_248 : i32 to vector<16xi32>
        %add3A_250 = arith.addi %xor3A_244, %add3A_249 : vector<16xi32>
        %add3A_251 = arith.constant 4 : i32
        %add3A_252 = vector.broadcast %add3A_251 : i32 to vector<16xi32>
        %add3A_253 = arith.addi %add3A_250, %add3A_252 : vector<16xi32>
        %add3A_254 = arith.addi %add3A_247, %add3A_253 : vector<16xi32>
        %shift_left3A_255 = arith.constant 13 : i32
        %shift_left3A_256 = vector.broadcast %shift_left3A_255 : i32 to vector<16xi32>
        %shift_left3A_257 = arith.shli %add3A_253, %shift_left3A_256 : vector<16xi32>
        %shift_right_logical3A_258 = arith.constant 19 : i32
        %shift_right_logical3A_259 = vector.broadcast %shift_right_logical3A_258 : i32 to vector<16xi32>
        %shift_right_logical3A_260 = arith.shrui %add3A_253, %shift_right_logical3A_259 : vector<16xi32>
        %or3A_261 = arith.ori %shift_left3A_257, %shift_right_logical3A_260 : vector<16xi32>
        %xor3A_262 = arith.xori %add3A_254, %or3A_261 : vector<16xi32>
        %add3A_263 = arith.addi %add3A_254, %xor3A_262 : vector<16xi32>
        %shift_left3A_264 = arith.constant 15 : i32
        %shift_left3A_265 = vector.broadcast %shift_left3A_264 : i32 to vector<16xi32>
        %shift_left3A_266 = arith.shli %xor3A_262, %shift_left3A_265 : vector<16xi32>
        %shift_right_logical3A_267 = arith.constant 17 : i32
        %shift_right_logical3A_268 = vector.broadcast %shift_right_logical3A_267 : i32 to vector<16xi32>
        %shift_right_logical3A_269 = arith.shrui %xor3A_262, %shift_right_logical3A_268 : vector<16xi32>
        %or3A_270 = arith.ori %shift_left3A_266, %shift_right_logical3A_269 : vector<16xi32>
        %xor3A_271 = arith.xori %add3A_263, %or3A_270 : vector<16xi32>
        %add3A_272 = arith.addi %add3A_263, %xor3A_271 : vector<16xi32>
        %shift_left3A_273 = arith.constant 26 : i32
        %shift_left3A_274 = vector.broadcast %shift_left3A_273 : i32 to vector<16xi32>
        %shift_left3A_275 = arith.shli %xor3A_271, %shift_left3A_274 : vector<16xi32>
        %shift_right_logical3A_276 = arith.constant 6 : i32
        %shift_right_logical3A_277 = vector.broadcast %shift_right_logical3A_276 : i32 to vector<16xi32>
        %shift_right_logical3A_278 = arith.shrui %xor3A_271, %shift_right_logical3A_277 : vector<16xi32>
        %or3A_279 = arith.ori %shift_left3A_275, %shift_right_logical3A_278 : vector<16xi32>
        %xor3A_280 = arith.xori %add3A_272, %or3A_279 : vector<16xi32>
        %add3A_281 = arith.addi %add3A_272, %xor3A_280 : vector<16xi32>
        %shift_left3A_282 = arith.constant 6 : i32
        %shift_left3A_283 = vector.broadcast %shift_left3A_282 : i32 to vector<16xi32>
        %shift_left3A_284 = arith.shli %xor3A_280, %shift_left3A_283 : vector<16xi32>
        %shift_right_logical3A_285 = arith.constant 26 : i32
        %shift_right_logical3A_286 = vector.broadcast %shift_right_logical3A_285 : i32 to vector<16xi32>
        %shift_right_logical3A_287 = arith.shrui %xor3A_280, %shift_right_logical3A_286 : vector<16xi32>
        %or3A_288 = arith.ori %shift_left3A_284, %shift_right_logical3A_287 : vector<16xi32>
        %xor3A_289 = arith.xori %add3A_281, %or3A_288 : vector<16xi32>
        %add3A_290 = arith.constant -1244255485 : i32
        %add3A_291 = vector.broadcast %add3A_290 : i32 to vector<16xi32>
        %add3A_292 = arith.addi %add3A_281, %add3A_291 : vector<16xi32>
        %add3A_293 = arith.constant 64467757 : i32
        %add3A_294 = vector.broadcast %add3A_293 : i32 to vector<16xi32>
        %add3A_295 = arith.addi %xor3A_289, %add3A_294 : vector<16xi32>
        %add3A_296 = arith.constant 5 : i32
        %add3A_297 = vector.broadcast %add3A_296 : i32 to vector<16xi32>
        %add3A_298 = arith.addi %add3A_295, %add3A_297 : vector<16xi32>
        %xor3A_299 = arith.xori %add3A_292, %add3A_298 : vector<16xi32>
        %shift_right_logical3A_300 = arith.constant 6 : i32
        %shift_right_logical3A_301 = vector.broadcast %shift_right_logical3A_300 : i32 to vector<16xi32>
        %shift_right_logical3A_302 = arith.shrui %xor3A_299, %shift_right_logical3A_301 : vector<16xi32>
        %bitcast3A_303 = vector.bitcast %shift_right_logical3A_302 : vector<16xi32> to vector<16xi32>
        %convert_element_type3A_304 = arith.sitofp %bitcast3A_303 : vector<16xi32> to vector<16xf32>
        %mul3A_305 = arith.constant 6.400000e-05 : f32
        %mul3A_306 = vector.broadcast %mul3A_305 : f32 to vector<16xf32>
        %mul3A_307 = arith.mulf %convert_element_type3A_304, %mul3A_306 : vector<16xf32>
        %convert_element_type3A_308 = arith.fptosi %mul3A_307 : vector<16xf32> to vector<16xi32>
        %bitcast3A_309 = vector.bitcast %xor3A_299 : vector<16xi32> to vector<16xi32>
        %mul3A_310 = arith.constant 1000000 : i32
        %mul3A_311 = vector.broadcast %mul3A_310 : i32 to vector<16xi32>
        %mul3A_312 = arith.muli %convert_element_type3A_308, %mul3A_311 : vector<16xi32>
        %sub3A = arith.subi %bitcast3A_309, %mul3A_312 : vector<16xi32>
        %lt3A_313 = arith.constant 0 : i32
        %lt3A_314 = vector.broadcast %lt3A_313 : i32 to vector<16xi32>
        %lt3A_315 = arith.cmpi slt, %sub3A, %lt3A_314 : vector<16xi32>
        %add3A_316 = arith.constant 1000000 : i32
        %add3A_317 = vector.broadcast %add3A_316 : i32 to vector<16xi32>
        %add3A_318 = arith.addi %sub3A, %add3A_317 : vector<16xi32>
        %select_n3A_319 = arith.select %lt3A_315, %add3A_318, %sub3A : vector<16xi1>, vector<16xi32>
        %ge3A_320 = arith.constant 1000000 : i32
        %ge3A_321 = vector.broadcast %ge3A_320 : i32 to vector<16xi32>
        %ge3A_322 = arith.cmpi sge, %select_n3A_319, %ge3A_321 : vector<16xi32>
        %sub3A_323 = arith.constant 1000000 : i32
        %sub3A_324 = vector.broadcast %sub3A_323 : i32 to vector<16xi32>
        %sub3A_325 = arith.subi %select_n3A_319, %sub3A_324 : vector<16xi32>
        %select_n3A_326 = arith.select %ge3A_322, %sub3A_325, %select_n3A_319 : vector<16xi1>, vector<16xi32>
        %lt3A_327 = arith.constant 0 : i32
        %lt3A_328 = vector.broadcast %lt3A_327 : i32 to vector<16xi32>
        %lt3A_329 = arith.cmpi slt, %select_n3A_326, %lt3A_328 : vector<16xi32>
        %add3A_330 = arith.constant 1000000 : i32
        %add3A_331 = vector.broadcast %add3A_330 : i32 to vector<16xi32>
        %add3A_332 = arith.addi %select_n3A_326, %add3A_331 : vector<16xi32>
        %select_n3A_333 = arith.select %lt3A_329, %add3A_332, %select_n3A_326 : vector<16xi1>, vector<16xi32>
        %ge3A_334 = arith.constant 1000000 : i32
        %ge3A_335 = vector.broadcast %ge3A_334 : i32 to vector<16xi32>
        %ge3A_336 = arith.cmpi sge, %select_n3A_333, %ge3A_335 : vector<16xi32>
        %sub3A_337 = arith.constant 1000000 : i32
        %sub3A_338 = vector.broadcast %sub3A_337 : i32 to vector<16xi32>
        %sub3A_339 = arith.subi %select_n3A_333, %sub3A_338 : vector<16xi32>
        %select_n3A_340 = arith.select %ge3A_336, %sub3A_339, %select_n3A_333 : vector<16xi1>, vector<16xi32>
        %jit3A_341 = arith.constant 4 : i32
        %eq3A_342 = arith.constant 0 : i32
        %eq3A_343 = arith.cmpi eq, %jit3A_341, %eq3A_342 : i32
        %jit3A_344 = arith.constant 1 : i32
        %select_n3A_345 = arith.select %eq3A_343, %jit3A_344, %jit3A_341 : i32
        %rem3A_346 = arith.remsi %scan3A_39, %select_n3A_345 : i32
        %ne3A_347 = arith.constant 0 : i32
        %ne3A_348 = arith.cmpi ne, %rem3A_346, %ne3A_347 : i32
        %lt3A_349 = arith.constant 0 : i32
        %lt3A_350 = arith.cmpi slt, %rem3A_346, %lt3A_349 : i32
        %lt3A_351 = arith.constant 0 : i32
        %lt3A_352 = arith.cmpi slt, %select_n3A_345, %lt3A_351 : i32
        %ne3A_353 = arith.xori %lt3A_350, %lt3A_352 : i1
        %and3A_354 = arith.andi %ne3A_353, %ne3A_348 : i1
        %add3A_355 = arith.addi %rem3A_346, %select_n3A_345 : i32
        %select_n3A_356 = arith.select %and3A_354, %add3A_355, %rem3A_346 : i32
        %mul3A_357 = arith.constant 16 : i32
        %mul3A_358 = arith.muli %scan3A_64, %mul3A_357 : i32
        %swap3A = arith.index_cast %select_n3A_356 : i32 to index
        %swap3A_359 = arith.index_cast %mul3A_358 : i32 to index
        %swap3A_360 = tpu.vector_load %arg4[%swap3A, %swap3A_359] {strides = array<i32>} : memref<4x256xi32, #tpu.memory_space<vmem>>, vector<16xi32>,
        tpu.vector_store %arg4[%swap3A, %swap3A_359], %select_n3A_340 {strides = array<i32>} : memref<4x256xi32, #tpu.memory_space<vmem>>, vector<16xi32>,
      }
      %scan3A_47 = arith.constant 16 : i32
      %jit3A = arith.constant 4 : i32
      %eq3A = arith.constant 0 : i32
      %eq3A_48 = arith.cmpi eq, %jit3A, %eq3A : i32
      %jit3A_49 = arith.constant 1 : i32
      %select_n3A = arith.select %eq3A_48, %jit3A_49, %jit3A : i32
      %rem3A = arith.remsi %scan3A_39, %select_n3A : i32
      %ne3A = arith.constant 0 : i32
      %ne3A_50 = arith.cmpi ne, %rem3A, %ne3A : i32
      %lt3A = arith.constant 0 : i32
      %lt3A_51 = arith.cmpi slt, %rem3A, %lt3A : i32
      %lt3A_52 = arith.constant 0 : i32
      %lt3A_53 = arith.cmpi slt, %select_n3A, %lt3A_52 : i32
      %ne3A_54 = arith.xori %lt3A_51, %lt3A_53 : i1
      %and3A = arith.andi %ne3A_54, %ne3A_50 : i1
      %add3A_55 = arith.addi %rem3A, %select_n3A : i32
      %select_n3A_56 = arith.select %and3A, %add3A_55, %rem3A : i32
      %mul3A_57 = arith.constant 256 : i32
      %mul3A_58 = arith.muli %scan3A_39, %mul3A_57 : i32
      %dma_start3A = tpu.memref_slice %arg5[%mul3A_58] : memref<16384xi32, #tpu.memory_space<vmem>> -> memref<256xi32, #tpu.memory_space<vmem>>
      %dma_start3A_59 = arith.constant 0 : i32
      %dma_start3A_60 = tpu.memref_slice %arg4[%select_n3A_56, %dma_start3A_59] : memref<4x256xi32, #tpu.memory_space<vmem>> -> memref<1x256xi32, #tpu.memory_space<vmem>>
      %dma_start3A_61 = tpu.memref_squeeze %dma_start3A_60 : memref<1x256xi32, #tpu.memory_space<vmem>> -> memref<256xi32, #tpu.memory_space<vmem>>
      %dma_start3A_62 = arith.constant 0 : i32
      %dma_start3A_63 = tpu.memref_slice %arg2[%dma_start3A_62] : memref<1000000xi32, #tpu.memory_space<hbm>> -> memref<1000000xi32, #tpu.memory_space<hbm>>
      tpu.enqueue_indirect_dma source(%dma_start3A_63 : memref<1000000xi32, #tpu.memory_space<hbm>>) target(%dma_start3A : memref<256xi32, #tpu.memory_space<vmem>>) offsets(%dma_start3A_61 : memref<256xi32, #tpu.memory_space<vmem>>) semaphore(%arg6 : memref<!tpu.dma_semaphore, #tpu.memory_space<semaphore_mem>>)
    }
    %scan3A_7 = arith.constant 64 : i32
    %dma_wait3A = arith.constant 0 : i32
    %dma_wait3A_8 = arith.constant 0 : i32
    %dma_wait3A_9 = tpu.memref_slice %arg5[%dma_wait3A_8] : memref<16384xi32, #tpu.memory_space<vmem>> -> memref<256xi32, #tpu.memory_space<vmem>>
    %dma_wait3A_10 = arith.constant 0 : i32
    %dma_wait3A_11 = tpu.memref_slice %arg4[%dma_wait3A, %dma_wait3A_10] : memref<4x256xi32, #tpu.memory_space<vmem>> -> memref<1x256xi32, #tpu.memory_space<vmem>>
    %dma_wait3A_12 = tpu.memref_squeeze %dma_wait3A_11 : memref<1x256xi32, #tpu.memory_space<vmem>> -> memref<256xi32, #tpu.memory_space<vmem>>
    %dma_wait3A_13 = arith.constant 0 : i32
    %dma_wait3A_14 = tpu.memref_slice %arg2[%dma_wait3A_13] : memref<1000000xi32, #tpu.memory_space<hbm>> -> memref<1000000xi32, #tpu.memory_space<hbm>>
    tpu.wait_indirect_dma semaphore(%arg6 : memref<!tpu.dma_semaphore, #tpu.memory_space<semaphore_mem>>) src(%dma_wait3A_14 : memref<1000000xi32, #tpu.memory_space<hbm>>) dst(%dma_wait3A_9 : memref<256xi32, #tpu.memory_space<vmem>>)
    %dma_wait3A_15 = arith.constant 0 : i32
    %dma_wait3A_16 = arith.constant 0 : i32
    %dma_wait3A_17 = tpu.memref_slice %arg5[%dma_wait3A_16] : memref<16384xi32, #tpu.memory_space<vmem>> -> memref<256xi32, #tpu.memory_space<vmem>>
    %dma_wait3A_18 = arith.constant 0 : i32
    %dma_wait3A_19 = tpu.memref_slice %arg4[%dma_wait3A_15, %dma_wait3A_18] : memref<4x256xi32, #tpu.memory_space<vmem>> -> memref<1x256xi32, #tpu.memory_space<vmem>>
    %dma_wait3A_20 = tpu.memref_squeeze %dma_wait3A_19 : memref<1x256xi32, #tpu.memory_space<vmem>> -> memref<256xi32, #tpu.memory_space<vmem>>
    %dma_wait3A_21 = arith.constant 0 : i32
    %dma_wait3A_22 = tpu.memref_slice %arg2[%dma_wait3A_21] : memref<1000000xi32, #tpu.memory_space<hbm>> -> memref<1000000xi32, #tpu.memory_space<hbm>>
    tpu.wait_indirect_dma semaphore(%arg6 : memref<!tpu.dma_semaphore, #tpu.memory_space<semaphore_mem>>) src(%dma_wait3A_22 : memref<1000000xi32, #tpu.memory_space<hbm>>) dst(%dma_wait3A_17 : memref<256xi32, #tpu.memory_space<vmem>>)
    %dma_wait3A_23 = arith.constant 0 : i32
    %dma_wait3A_24 = arith.constant 0 : i32
    %dma_wait3A_25 = tpu.memref_slice %arg5[%dma_wait3A_24] : memref<16384xi32, #tpu.memory_space<vmem>> -> memref<256xi32, #tpu.memory_space<vmem>>
    %dma_wait3A_26 = arith.constant 0 : i32
    %dma_wait3A_27 = tpu.memref_slice %arg4[%dma_wait3A_23, %dma_wait3A_26] : memref<4x256xi32, #tpu.memory_space<vmem>> -> memref<1x256xi32, #tpu.memory_space<vmem>>
    %dma_wait3A_28 = tpu.memref_squeeze %dma_wait3A_27 : memref<1x256xi32, #tpu.memory_space<vmem>> -> memref<256xi32, #tpu.memory_space<vmem>>
    %dma_wait3A_29 = arith.constant 0 : i32
    %dma_wait3A_30 = tpu.memref_slice %arg2[%dma_wait3A_29] : memref<1000000xi32, #tpu.memory_space<hbm>> -> memref<1000000xi32, #tpu.memory_space<hbm>>
    tpu.wait_indirect_dma semaphore(%arg6 : memref<!tpu.dma_semaphore, #tpu.memory_space<semaphore_mem>>) src(%dma_wait3A_30 : memref<1000000xi32, #tpu.memory_space<hbm>>) dst(%dma_wait3A_25 : memref<256xi32, #tpu.memory_space<vmem>>)
    %dma_wait3A_31 = arith.constant 0 : i32
    %dma_wait3A_32 = arith.constant 0 : i32
    %dma_wait3A_33 = tpu.memref_slice %arg5[%dma_wait3A_32] : memref<16384xi32, #tpu.memory_space<vmem>> -> memref<256xi32, #tpu.memory_space<vmem>>
    %dma_wait3A_34 = arith.constant 0 : i32
    %dma_wait3A_35 = tpu.memref_slice %arg4[%dma_wait3A_31, %dma_wait3A_34] : memref<4x256xi32, #tpu.memory_space<vmem>> -> memref<1x256xi32, #tpu.memory_space<vmem>>
    %dma_wait3A_36 = tpu.memref_squeeze %dma_wait3A_35 : memref<1x256xi32, #tpu.memory_space<vmem>> -> memref<256xi32, #tpu.memory_space<vmem>>
    %dma_wait3A_37 = arith.constant 0 : i32
    %dma_wait3A_38 = tpu.memref_slice %arg2[%dma_wait3A_37] : memref<1000000xi32, #tpu.memory_space<hbm>> -> memref<1000000xi32, #tpu.memory_space<hbm>>
    tpu.wait_indirect_dma semaphore(%arg6 : memref<!tpu.dma_semaphore, #tpu.memory_space<semaphore_mem>>) src(%dma_wait3A_38 : memref<1000000xi32, #tpu.memory_space<hbm>>) dst(%dma_wait3A_33 : memref<256xi32, #tpu.memory_space<vmem>>)
    "tpu.region"() ({
      %run_scoped3A = tpu.sem_alloc : memref<!tpu.dma_semaphore, #tpu.memory_space<semaphore_mem>>
      %dma_start3A = tpu.memref_slice %arg3[%mul3A_2] : memref<524288xi32, #tpu.memory_space<hbm>> -> memref<16384xi32, #tpu.memory_space<hbm>>
      %dma_start3A_39 = tpu.memref_slice %arg3[%mul3A_2] : memref<524288xi32, #tpu.memory_space<hbm>> -> memref<16384xi32, #tpu.memory_space<hbm>>
      tpu.enqueue_dma source(%arg5 : memref<16384xi32, #tpu.memory_space<vmem>>) target(%dma_start3A_39 : memref<16384xi32, #tpu.memory_space<hbm>>) target_semaphore(%run_scoped3A : memref<!tpu.dma_semaphore, #tpu.memory_space<semaphore_mem>>)
      %dma_wait3A_40 = tpu.memref_slice %arg3[%mul3A_2] : memref<524288xi32, #tpu.memory_space<hbm>> -> memref<16384xi32, #tpu.memory_space<hbm>>
      %dma_wait3A_41 = tpu.memref_slice %arg3[%mul3A_2] : memref<524288xi32, #tpu.memory_space<hbm>> -> memref<16384xi32, #tpu.memory_space<hbm>>
      tpu.wait_dma2 semaphore(%run_scoped3A : memref<!tpu.dma_semaphore, #tpu.memory_space<semaphore_mem>>) src(%arg5 : memref<16384xi32, #tpu.memory_space<vmem>>) dst(%dma_wait3A_41 : memref<16384xi32, #tpu.memory_space<hbm>>)
      tpu.yield
    }) : () -> ()
    return
  }
}

#map = affine_map<(d0, d1) -> (0)>
#map1 = affine_map<(d0, d1) -> (0, 0)>
module attributes {stable_mosaic.version = 14 : i64} {
  func.func @_body_rows(%arg0: i32, %arg1: i32, %arg2: memref<524288xi32, #tpu.memory_space<hbm>>, %arg3: memref<1000000x64xf32, #tpu.memory_space<hbm>>, %arg4: memref<262144x128xf32, #tpu.memory_space<hbm>>, %arg5: memref<16384xi32, #tpu.memory_space<vmem>>, %arg6: memref<256x64xf32, #tpu.memory_space<vmem>>, %arg7: memref<256x64xf32, #tpu.memory_space<vmem>>, %arg8: memref<256x64xf32, #tpu.memory_space<vmem>>, %arg9: memref<256x64xf32, #tpu.memory_space<vmem>>, %arg10: memref<128x129xf32, #tpu.memory_space<vmem>>, %arg11: memref<128x129xf32, #tpu.memory_space<vmem>>, %arg12: memref<!tpu.dma_semaphore, #tpu.memory_space<semaphore_mem>>, %arg13: memref<!tpu.dma_semaphore, #tpu.memory_space<semaphore_mem>>, %arg14: memref<!tpu.dma_semaphore, #tpu.memory_space<semaphore_mem>>, %arg15: memref<!tpu.dma_semaphore, #tpu.memory_space<semaphore_mem>>, %arg16: memref<!tpu.dma_semaphore, #tpu.memory_space<semaphore_mem>>, %arg17: memref<!tpu.dma_semaphore, #tpu.memory_space<semaphore_mem>>) attributes {dimension_semantics = [#tpu.dimension_semantics<core_parallel>, #tpu.dimension_semantics<subcore_parallel>], iteration_bounds = array<i64: 2, 16>, scalar_prefetch = 0 : i64, scratch_operands = 13 : i64, tpu.core_type = #tpu.core_type<sc_vector_subcore>, window_params = [{transform_indices = #map}, {transform_indices = #map1}, {transform_indices = #map1}]} {
    %mul3A = arith.constant 2 : i32
    %mul3A_0 = arith.muli %arg1, %mul3A : i32
    %add3A = arith.addi %mul3A_0, %arg0 : i32
    %mul3A_1 = arith.constant 16384 : i32
    %mul3A_2 = arith.muli %add3A, %mul3A_1 : i32
    %iota3A = tpu.iota {dimensions = array<i32: 0>} : vector<16xi32>
    "tpu.region"() ({
      %run_scoped3A = tpu.sem_alloc : memref<!tpu.dma_semaphore, #tpu.memory_space<semaphore_mem>>
      %dma_start3A_52 = tpu.memref_slice %arg2[%mul3A_2] : memref<524288xi32, #tpu.memory_space<hbm>> -> memref<16384xi32, #tpu.memory_space<hbm>>
      %dma_start3A_53 = tpu.memref_slice %arg2[%mul3A_2] : memref<524288xi32, #tpu.memory_space<hbm>> -> memref<16384xi32, #tpu.memory_space<hbm>>
      tpu.enqueue_dma source(%dma_start3A_53 : memref<16384xi32, #tpu.memory_space<hbm>>) target(%arg5 : memref<16384xi32, #tpu.memory_space<vmem>>) target_semaphore(%run_scoped3A : memref<!tpu.dma_semaphore, #tpu.memory_space<semaphore_mem>>)
      %dma_wait3A_54 = tpu.memref_slice %arg2[%mul3A_2] : memref<524288xi32, #tpu.memory_space<hbm>> -> memref<16384xi32, #tpu.memory_space<hbm>>
      %dma_wait3A_55 = tpu.memref_slice %arg2[%mul3A_2] : memref<524288xi32, #tpu.memory_space<hbm>> -> memref<16384xi32, #tpu.memory_space<hbm>>
      tpu.wait_dma2 semaphore(%run_scoped3A : memref<!tpu.dma_semaphore, #tpu.memory_space<semaphore_mem>>) src(%dma_wait3A_55 : memref<16384xi32, #tpu.memory_space<hbm>>) dst(%arg5 : memref<16384xi32, #tpu.memory_space<vmem>>)
      tpu.yield
    }) : () -> ()
    %add3A_3 = arith.constant 0 : i32
    %add3A_4 = vector.broadcast %add3A_3 : i32 to vector<16xi32>
    %add3A_5 = arith.addi %iota3A, %add3A_4 : vector<16xi32>
    %add3A_6 = arith.constant 16 : i32
    %add3A_7 = vector.broadcast %add3A_6 : i32 to vector<16xi32>
    %add3A_8 = arith.addi %iota3A, %add3A_7 : vector<16xi32>
    %add3A_9 = arith.constant 32 : i32
    %add3A_10 = vector.broadcast %add3A_9 : i32 to vector<16xi32>
    %add3A_11 = arith.addi %iota3A, %add3A_10 : vector<16xi32>
    %add3A_12 = arith.constant 48 : i32
    %add3A_13 = vector.broadcast %add3A_12 : i32 to vector<16xi32>
    %add3A_14 = arith.addi %iota3A, %add3A_13 : vector<16xi32>
    %dma_start3A = arith.constant 0 : i32
    %dma_start3A_15 = tpu.memref_slice %arg5[%dma_start3A] : memref<16384xi32, #tpu.memory_space<vmem>> -> memref<256xi32, #tpu.memory_space<vmem>>
    %dma_start3A_16 = arith.constant 0 : i32
    %dma_start3A_17 = arith.constant 0 : i32
    %dma_start3A_18 = tpu.memref_slice %arg3[%dma_start3A_16, %dma_start3A_17] : memref<1000000x64xf32, #tpu.memory_space<hbm>> -> memref<1000000x64xf32, #tpu.memory_space<hbm>>
    tpu.enqueue_indirect_dma source(%dma_start3A_18 : memref<1000000x64xf32, #tpu.memory_space<hbm>>) target(%arg6 : memref<256x64xf32, #tpu.memory_space<vmem>>) offsets(%dma_start3A_15 : memref<256xi32, #tpu.memory_space<vmem>>) semaphore(%arg12 : memref<!tpu.dma_semaphore, #tpu.memory_space<semaphore_mem>>)
    %dma_start3A_19 = arith.constant 256 : i32
    %dma_start3A_20 = tpu.memref_slice %arg5[%dma_start3A_19] : memref<16384xi32, #tpu.memory_space<vmem>> -> memref<256xi32, #tpu.memory_space<vmem>>
    %dma_start3A_21 = arith.constant 0 : i32
    %dma_start3A_22 = arith.constant 0 : i32
    %dma_start3A_23 = tpu.memref_slice %arg3[%dma_start3A_21, %dma_start3A_22] : memref<1000000x64xf32, #tpu.memory_space<hbm>> -> memref<1000000x64xf32, #tpu.memory_space<hbm>>
    tpu.enqueue_indirect_dma source(%dma_start3A_23 : memref<1000000x64xf32, #tpu.memory_space<hbm>>) target(%arg7 : memref<256x64xf32, #tpu.memory_space<vmem>>) offsets(%dma_start3A_20 : memref<256xi32, #tpu.memory_space<vmem>>) semaphore(%arg13 : memref<!tpu.dma_semaphore, #tpu.memory_space<semaphore_mem>>)
    %scan3A = arith.constant 0 : i32
    %scan3A_24 = arith.constant 0 : i32
    %scan3A_25 = arith.constant 16 : i32
    %scan3A_26 = arith.addi %scan3A_24, %scan3A_25 : i32
    %scan3A_27 = arith.constant 1 : i32
    scf.for %scan3A_52 = %scan3A_24 to %scan3A_26 step %scan3A_27  : i32 {
      %mul3A_53 = arith.constant 4 : i32
      %mul3A_54 = arith.muli %scan3A_52, %mul3A_53 : i32
      %add3A_55 = arith.constant 0 : i32
      %add3A_56 = arith.addi %mul3A_54, %add3A_55 : i32
      %add3A_57 = arith.constant 2 : i32
      %add3A_58 = arith.addi %add3A_56, %add3A_57 : i32
      %mul3A_59 = arith.constant 256 : i32
      %mul3A_60 = arith.muli %add3A_58, %mul3A_59 : i32
      %dma_start3A_61 = tpu.memref_slice %arg5[%mul3A_60] : memref<16384xi32, #tpu.memory_space<vmem>> -> memref<256xi32, #tpu.memory_space<vmem>>
      %dma_start3A_62 = arith.constant 0 : i32
      %dma_start3A_63 = arith.constant 0 : i32
      %dma_start3A_64 = tpu.memref_slice %arg3[%dma_start3A_62, %dma_start3A_63] : memref<1000000x64xf32, #tpu.memory_space<hbm>> -> memref<1000000x64xf32, #tpu.memory_space<hbm>>
      tpu.enqueue_indirect_dma source(%dma_start3A_64 : memref<1000000x64xf32, #tpu.memory_space<hbm>>) target(%arg8 : memref<256x64xf32, #tpu.memory_space<vmem>>) offsets(%dma_start3A_61 : memref<256xi32, #tpu.memory_space<vmem>>) semaphore(%arg14 : memref<!tpu.dma_semaphore, #tpu.memory_space<semaphore_mem>>)
      %gt3A = arith.constant 0 : i32
      %gt3A_65 = arith.cmpi sgt, %scan3A_52, %gt3A : i32
      %convert_element_type3A = arith.extui %gt3A_65 : i1 to i32
      %cond3A = arith.constant 0 : i32
      %cond3A_66 = arith.cmpi ne, %convert_element_type3A, %cond3A : i32
      scf.if %cond3A_66 {
        %dma_wait3A_304 = arith.constant 0 : i32
        %dma_wait3A_305 = arith.constant 0 : i32
        %dma_wait3A_306 = tpu.memref_slice %arg10[%dma_wait3A_304, %dma_wait3A_305] : memref<128x129xf32, #tpu.memory_space<vmem>> -> memref<128x128xf32, #tpu.memory_space<vmem>>
        %dma_wait3A_307 = arith.constant 0 : i32
        %dma_wait3A_308 = arith.constant 0 : i32
        %dma_wait3A_309 = tpu.memref_slice %arg4[%dma_wait3A_307, %dma_wait3A_308] : memref<262144x128xf32, #tpu.memory_space<hbm>> -> memref<128x128xf32, #tpu.memory_space<hbm>>
        %dma_wait3A_310 = arith.constant 0 : i32
        %dma_wait3A_311 = arith.constant 0 : i32
        %dma_wait3A_312 = tpu.memref_slice %arg4[%dma_wait3A_310, %dma_wait3A_311] : memref<262144x128xf32, #tpu.memory_space<hbm>> -> memref<128x128xf32, #tpu.memory_space<hbm>>
        %dma_wait3A_313 = arith.constant 0 : i32
        %dma_wait3A_314 = arith.constant 0 : i32
        %dma_wait3A_315 = tpu.memref_slice %arg10[%dma_wait3A_313, %dma_wait3A_314] : memref<128x129xf32, #tpu.memory_space<vmem>> -> memref<128x128xf32, #tpu.memory_space<vmem>>
        tpu.wait_dma2 semaphore(%arg16 : memref<!tpu.dma_semaphore, #tpu.memory_space<semaphore_mem>>) src(%dma_wait3A_315 : memref<128x128xf32, #tpu.memory_space<vmem>>) dst(%dma_wait3A_312 : memref<128x128xf32, #tpu.memory_space<hbm>>)
      } else {
      }
      %dma_wait3A_67 = arith.constant 0 : i32
      %dma_wait3A_68 = tpu.memref_slice %arg5[%dma_wait3A_67] : memref<16384xi32, #tpu.memory_space<vmem>> -> memref<256xi32, #tpu.memory_space<vmem>>
      %dma_wait3A_69 = arith.constant 0 : i32
      %dma_wait3A_70 = arith.constant 0 : i32
      %dma_wait3A_71 = tpu.memref_slice %arg3[%dma_wait3A_69, %dma_wait3A_70] : memref<1000000x64xf32, #tpu.memory_space<hbm>> -> memref<1000000x64xf32, #tpu.memory_space<hbm>>
      tpu.wait_indirect_dma semaphore(%arg12 : memref<!tpu.dma_semaphore, #tpu.memory_space<semaphore_mem>>) src(%dma_wait3A_71 : memref<1000000x64xf32, #tpu.memory_space<hbm>>) dst(%arg6 : memref<256x64xf32, #tpu.memory_space<vmem>>)
      %parallel_loop3A = arith.constant 0 : i32
      %parallel_loop3A_72 = arith.constant 256 : i32
      %parallel_loop3A_73 = arith.constant 1 : i32
      scf.for %parallel_loop3A_304 = %parallel_loop3A to %parallel_loop3A_72 step %parallel_loop3A_73  : i32 {
        %parallel_loop3A_305 = arith.constant 0 : i32
        %parallel_loop3A_306 = tpu.memref_slice %arg6[%parallel_loop3A_304, %parallel_loop3A_305] : memref<256x64xf32, #tpu.memory_space<vmem>> -> memref<1x64xf32, #tpu.memory_space<vmem>>
        %parallel_loop3A_307 = tpu.memref_squeeze %parallel_loop3A_306 : memref<1x64xf32, #tpu.memory_space<vmem>> -> memref<64xf32, #tpu.memory_space<vmem>>
        %parallel_loop3A_308 = arith.constant 0 : index
        %parallel_loop3A_309 = tpu.vector_load %parallel_loop3A_307[%parallel_loop3A_308] {strides = array<i32>} : memref<64xf32, #tpu.memory_space<vmem>>, vector<16xf32>,
        %parallel_loop3A_310 = arith.constant 0 : i32
        %parallel_loop3A_311 = tpu.memref_slice %arg6[%parallel_loop3A_304, %parallel_loop3A_310] : memref<256x64xf32, #tpu.memory_space<vmem>> -> memref<1x64xf32, #tpu.memory_space<vmem>>
        %parallel_loop3A_312 = tpu.memref_squeeze %parallel_loop3A_311 : memref<1x64xf32, #tpu.memory_space<vmem>> -> memref<64xf32, #tpu.memory_space<vmem>>
        %parallel_loop3A_313 = arith.constant 16 : index
        %parallel_loop3A_314 = tpu.vector_load %parallel_loop3A_312[%parallel_loop3A_313] {strides = array<i32>} : memref<64xf32, #tpu.memory_space<vmem>>, vector<16xf32>,
        %parallel_loop3A_315 = arith.constant 0 : i32
        %parallel_loop3A_316 = tpu.memref_slice %arg6[%parallel_loop3A_304, %parallel_loop3A_315] : memref<256x64xf32, #tpu.memory_space<vmem>> -> memref<1x64xf32, #tpu.memory_space<vmem>>
        %parallel_loop3A_317 = tpu.memref_squeeze %parallel_loop3A_316 : memref<1x64xf32, #tpu.memory_space<vmem>> -> memref<64xf32, #tpu.memory_space<vmem>>
        %parallel_loop3A_318 = arith.constant 32 : index
        %parallel_loop3A_319 = tpu.vector_load %parallel_loop3A_317[%parallel_loop3A_318] {strides = array<i32>} : memref<64xf32, #tpu.memory_space<vmem>>, vector<16xf32>,
        %parallel_loop3A_320 = arith.constant 0 : i32
        %parallel_loop3A_321 = tpu.memref_slice %arg6[%parallel_loop3A_304, %parallel_loop3A_320] : memref<256x64xf32, #tpu.memory_space<vmem>> -> memref<1x64xf32, #tpu.memory_space<vmem>>
        %parallel_loop3A_322 = tpu.memref_squeeze %parallel_loop3A_321 : memref<1x64xf32, #tpu.memory_space<vmem>> -> memref<64xf32, #tpu.memory_space<vmem>>
        %parallel_loop3A_323 = arith.constant 48 : index
        %parallel_loop3A_324 = tpu.vector_load %parallel_loop3A_322[%parallel_loop3A_323] {strides = array<i32>} : memref<64xf32, #tpu.memory_space<vmem>>, vector<16xf32>,
        %parallel_loop3A_325 = arith.mulf %parallel_loop3A_309, %parallel_loop3A_309 : vector<16xf32>
        %parallel_loop3A_326 = arith.mulf %parallel_loop3A_314, %parallel_loop3A_314 : vector<16xf32>
        %parallel_loop3A_327 = arith.addf %parallel_loop3A_325, %parallel_loop3A_326 : vector<16xf32>
        %parallel_loop3A_328 = arith.mulf %parallel_loop3A_319, %parallel_loop3A_319 : vector<16xf32>
        %parallel_loop3A_329 = arith.addf %parallel_loop3A_327, %parallel_loop3A_328 : vector<16xf32>
        %parallel_loop3A_330 = arith.mulf %parallel_loop3A_324, %parallel_loop3A_324 : vector<16xf32>
        %parallel_loop3A_331 = arith.addf %parallel_loop3A_329, %parallel_loop3A_330 : vector<16xf32>
        %parallel_loop3A_332 = arith.constant true
        %parallel_loop3A_333 = vector.broadcast %parallel_loop3A_332 : i1 to vector<16xi1>
        %parallel_loop3A_334 = tpu.scan <sum>, %parallel_loop3A_331 masked %parallel_loop3A_333 : vector<16xf32>, vector<16xi1> -> vector<16xf32>
        %parallel_loop3A_335 = vector.extract %parallel_loop3A_334[15] : f32 from vector<16xf32>
        %parallel_loop3A_336 = vector.broadcast %parallel_loop3A_335 : f32 to vector<16xf32>
        %parallel_loop3A_337 = vector.bitcast %parallel_loop3A_336 : vector<16xf32> to vector<16xi32>
        %parallel_loop3A_338 = arith.constant 1 : i32
        %parallel_loop3A_339 = vector.broadcast %parallel_loop3A_338 : i32 to vector<16xi32>
        %parallel_loop3A_340 = arith.shrui %parallel_loop3A_337, %parallel_loop3A_339 : vector<16xi32>
        %parallel_loop3A_341 = arith.constant 1597463007 : i32
        %parallel_loop3A_342 = vector.broadcast %parallel_loop3A_341 : i32 to vector<16xi32>
        %parallel_loop3A_343 = arith.subi %parallel_loop3A_342, %parallel_loop3A_340 : vector<16xi32>
        %parallel_loop3A_344 = vector.bitcast %parallel_loop3A_343 : vector<16xi32> to vector<16xf32>
        %parallel_loop3A_345 = arith.constant 5.000000e-01 : f32
        %parallel_loop3A_346 = vector.broadcast %parallel_loop3A_345 : f32 to vector<16xf32>
        %parallel_loop3A_347 = arith.mulf %parallel_loop3A_346, %parallel_loop3A_336 : vector<16xf32>
        %parallel_loop3A_348 = arith.mulf %parallel_loop3A_347, %parallel_loop3A_344 : vector<16xf32>
        %parallel_loop3A_349 = arith.mulf %parallel_loop3A_348, %parallel_loop3A_344 : vector<16xf32>
        %parallel_loop3A_350 = arith.constant 1.500000e+00 : f32
        %parallel_loop3A_351 = vector.broadcast %parallel_loop3A_350 : f32 to vector<16xf32>
        %parallel_loop3A_352 = arith.subf %parallel_loop3A_351, %parallel_loop3A_349 : vector<16xf32>
        %parallel_loop3A_353 = arith.mulf %parallel_loop3A_344, %parallel_loop3A_352 : vector<16xf32>
        %parallel_loop3A_354 = arith.constant 5.000000e-01 : f32
        %parallel_loop3A_355 = vector.broadcast %parallel_loop3A_354 : f32 to vector<16xf32>
        %parallel_loop3A_356 = arith.mulf %parallel_loop3A_355, %parallel_loop3A_336 : vector<16xf32>
        %parallel_loop3A_357 = arith.mulf %parallel_loop3A_356, %parallel_loop3A_353 : vector<16xf32>
        %parallel_loop3A_358 = arith.mulf %parallel_loop3A_357, %parallel_loop3A_353 : vector<16xf32>
        %parallel_loop3A_359 = arith.constant 1.500000e+00 : f32
        %parallel_loop3A_360 = vector.broadcast %parallel_loop3A_359 : f32 to vector<16xf32>
        %parallel_loop3A_361 = arith.subf %parallel_loop3A_360, %parallel_loop3A_358 : vector<16xf32>
        %parallel_loop3A_362 = arith.mulf %parallel_loop3A_353, %parallel_loop3A_361 : vector<16xf32>
        %parallel_loop3A_363 = arith.constant 1.000000e+08 : f32
        %parallel_loop3A_364 = vector.broadcast %parallel_loop3A_363 : f32 to vector<16xf32>
        %parallel_loop3A_365 = arith.minimumf %parallel_loop3A_362, %parallel_loop3A_364 : vector<16xf32>
        %parallel_loop3A_366 = arith.constant 7 : i32
        %parallel_loop3A_367 = arith.shrui %parallel_loop3A_304, %parallel_loop3A_366 : i32
        %parallel_loop3A_368 = arith.constant 64 : i32
        %parallel_loop3A_369 = arith.muli %parallel_loop3A_367, %parallel_loop3A_368 : i32
        %parallel_loop3A_370 = arith.constant 128 : i32
        %parallel_loop3A_371 = arith.remsi %parallel_loop3A_304, %parallel_loop3A_370 : i32
        %parallel_loop3A_372 = vector.broadcast %parallel_loop3A_371 : i32 to vector<16xi32>
        %parallel_loop3A_373 = vector.broadcast %parallel_loop3A_369 : i32 to vector<16xi32>
        %parallel_loop3A_374 = arith.addi %parallel_loop3A_373, %add3A_5 : vector<16xi32>
        %parallel_loop3A_375 = arith.mulf %parallel_loop3A_309, %parallel_loop3A_365 : vector<16xf32>
        tpu.vector_store_idx %arg10[%parallel_loop3A_374, %parallel_loop3A_372], %parallel_loop3A_375 : memref<128x129xf32, #tpu.memory_space<vmem>>[vector<16xi32>, vector<16xi32>], vector<16xf32>,
        %parallel_loop3A_376 = vector.broadcast %parallel_loop3A_369 : i32 to vector<16xi32>
        %parallel_loop3A_377 = arith.addi %parallel_loop3A_376, %add3A_8 : vector<16xi32>
        %parallel_loop3A_378 = arith.mulf %parallel_loop3A_314, %parallel_loop3A_365 : vector<16xf32>
        tpu.vector_store_idx %arg10[%parallel_loop3A_377, %parallel_loop3A_372], %parallel_loop3A_378 : memref<128x129xf32, #tpu.memory_space<vmem>>[vector<16xi32>, vector<16xi32>], vector<16xf32>,
        %parallel_loop3A_379 = vector.broadcast %parallel_loop3A_369 : i32 to vector<16xi32>
        %parallel_loop3A_380 = arith.addi %parallel_loop3A_379, %add3A_11 : vector<16xi32>
        %parallel_loop3A_381 = arith.mulf %parallel_loop3A_319, %parallel_loop3A_365 : vector<16xf32>
        tpu.vector_store_idx %arg10[%parallel_loop3A_380, %parallel_loop3A_372], %parallel_loop3A_381 : memref<128x129xf32, #tpu.memory_space<vmem>>[vector<16xi32>, vector<16xi32>], vector<16xf32>,
        %parallel_loop3A_382 = vector.broadcast %parallel_loop3A_369 : i32 to vector<16xi32>
        %parallel_loop3A_383 = arith.addi %parallel_loop3A_382, %add3A_14 : vector<16xi32>
        %parallel_loop3A_384 = arith.mulf %parallel_loop3A_324, %parallel_loop3A_365 : vector<16xf32>
        tpu.vector_store_idx %arg10[%parallel_loop3A_383, %parallel_loop3A_372], %parallel_loop3A_384 : memref<128x129xf32, #tpu.memory_space<vmem>>[vector<16xi32>, vector<16xi32>], vector<16xf32>,
      } {sc.loop_unroll_factor = 8 : i64, sc.parallel_access}
      %mul3A_74 = arith.constant 256 : i32
      %mul3A_75 = arith.muli %add3A_56, %mul3A_74 : i32
      %add3A_76 = arith.addi %mul3A_2, %mul3A_75 : i32
      %jit3A = arith.constant 128 : i32
      %div3A = arith.divsi %add3A_76, %jit3A : i32
      %sign3A = arith.constant 0 : i32
      %sign3A_77 = arith.cmpi sgt, %add3A_76, %sign3A : i32
      %sign3A_78 = arith.extui %sign3A_77 : i1 to i32
      %sign3A_79 = arith.constant 0 : i32
      %sign3A_80 = arith.cmpi slt, %add3A_76, %sign3A_79 : i32
      %sign3A_81 = arith.extui %sign3A_80 : i1 to i32
      %sign3A_82 = arith.subi %sign3A_78, %sign3A_81 : i32
      %sign3A_83 = arith.constant 0 : i32
      %sign3A_84 = arith.cmpi sgt, %jit3A, %sign3A_83 : i32
      %sign3A_85 = arith.extui %sign3A_84 : i1 to i32
      %sign3A_86 = arith.constant 0 : i32
      %sign3A_87 = arith.cmpi slt, %jit3A, %sign3A_86 : i32
      %sign3A_88 = arith.extui %sign3A_87 : i1 to i32
      %sign3A_89 = arith.subi %sign3A_85, %sign3A_88 : i32
      %ne3A = arith.cmpi ne, %sign3A_82, %sign3A_89 : i32
      %rem3A = arith.remsi %add3A_76, %jit3A : i32
      %ne3A_90 = arith.constant 0 : i32
      %ne3A_91 = arith.cmpi ne, %rem3A, %ne3A_90 : i32
      %and3A = arith.andi %ne3A, %ne3A_91 : i1
      %sub3A = arith.constant 1 : i32
      %sub3A_92 = arith.subi %div3A, %sub3A : i32
      %select_n3A = arith.select %and3A, %sub3A_92, %div3A : i32
      %mul3A_93 = arith.constant 64 : i32
      %mul3A_94 = arith.muli %select_n3A, %mul3A_93 : i32
      %dma_start3A_95 = arith.constant 0 : i32
      %dma_start3A_96 = arith.constant 0 : i32
      %dma_start3A_97 = tpu.memref_slice %arg10[%dma_start3A_95, %dma_start3A_96] : memref<128x129xf32, #tpu.memory_space<vmem>> -> memref<128x128xf32, #tpu.memory_space<vmem>>
      %dma_start3A_98 = arith.constant 0 : i32
      %dma_start3A_99 = tpu.memref_slice %arg4[%mul3A_94, %dma_start3A_98] : memref<262144x128xf32, #tpu.memory_space<hbm>> -> memref<128x128xf32, #tpu.memory_space<hbm>>
      %dma_start3A_100 = arith.constant 0 : i32
      %dma_start3A_101 = tpu.memref_slice %arg4[%mul3A_94, %dma_start3A_100] : memref<262144x128xf32, #tpu.memory_space<hbm>> -> memref<128x128xf32, #tpu.memory_space<hbm>>
      %dma_start3A_102 = arith.constant 0 : i32
      %dma_start3A_103 = arith.constant 0 : i32
      %dma_start3A_104 = tpu.memref_slice %arg10[%dma_start3A_102, %dma_start3A_103] : memref<128x129xf32, #tpu.memory_space<vmem>> -> memref<128x128xf32, #tpu.memory_space<vmem>>
      tpu.enqueue_dma source(%dma_start3A_104 : memref<128x128xf32, #tpu.memory_space<vmem>>) target(%dma_start3A_101 : memref<128x128xf32, #tpu.memory_space<hbm>>) target_semaphore(%arg16 : memref<!tpu.dma_semaphore, #tpu.memory_space<semaphore_mem>>)
      %mul3A_105 = arith.constant 4 : i32
      %mul3A_106 = arith.muli %scan3A_52, %mul3A_105 : i32
      %add3A_107 = arith.constant 1 : i32
      %add3A_108 = arith.addi %mul3A_106, %add3A_107 : i32
      %add3A_109 = arith.constant 2 : i32
      %add3A_110 = arith.addi %add3A_108, %add3A_109 : i32
      %mul3A_111 = arith.constant 256 : i32
      %mul3A_112 = arith.muli %add3A_110, %mul3A_111 : i32
      %dma_start3A_113 = tpu.memref_slice %arg5[%mul3A_112] : memref<16384xi32, #tpu.memory_space<vmem>> -> memref<256xi32, #tpu.memory_space<vmem>>
      %dma_start3A_114 = arith.constant 0 : i32
      %dma_start3A_115 = arith.constant 0 : i32
      %dma_start3A_116 = tpu.memref_slice %arg3[%dma_start3A_114, %dma_start3A_115] : memref<1000000x64xf32, #tpu.memory_space<hbm>> -> memref<1000000x64xf32, #tpu.memory_space<hbm>>
      tpu.enqueue_indirect_dma source(%dma_start3A_116 : memref<1000000x64xf32, #tpu.memory_space<hbm>>) target(%arg9 : memref<256x64xf32, #tpu.memory_space<vmem>>) offsets(%dma_start3A_113 : memref<256xi32, #tpu.memory_space<vmem>>) semaphore(%arg15 : memref<!tpu.dma_semaphore, #tpu.memory_space<semaphore_mem>>)
      %gt3A_117 = arith.constant 0 : i32
      %gt3A_118 = arith.cmpi sgt, %scan3A_52, %gt3A_117 : i32
      %convert_element_type3A_119 = arith.extui %gt3A_118 : i1 to i32
      %cond3A_120 = arith.constant 0 : i32
      %cond3A_121 = arith.cmpi ne, %convert_element_type3A_119, %cond3A_120 : i32
      scf.if %cond3A_121 {
        %dma_wait3A_304 = arith.constant 0 : i32
        %dma_wait3A_305 = arith.constant 0 : i32
        %dma_wait3A_306 = tpu.memref_slice %arg11[%dma_wait3A_304, %dma_wait3A_305] : memref<128x129xf32, #tpu.memory_space<vmem>> -> memref<128x128xf32, #tpu.memory_space<vmem>>
        %dma_wait3A_307 = arith.constant 0 : i32
        %dma_wait3A_308 = arith.constant 0 : i32
        %dma_wait3A_309 = tpu.memref_slice %arg4[%dma_wait3A_307, %dma_wait3A_308] : memref<262144x128xf32, #tpu.memory_space<hbm>> -> memref<128x128xf32, #tpu.memory_space<hbm>>
        %dma_wait3A_310 = arith.constant 0 : i32
        %dma_wait3A_311 = arith.constant 0 : i32
        %dma_wait3A_312 = tpu.memref_slice %arg4[%dma_wait3A_310, %dma_wait3A_311] : memref<262144x128xf32, #tpu.memory_space<hbm>> -> memref<128x128xf32, #tpu.memory_space<hbm>>
        %dma_wait3A_313 = arith.constant 0 : i32
        %dma_wait3A_314 = arith.constant 0 : i32
        %dma_wait3A_315 = tpu.memref_slice %arg11[%dma_wait3A_313, %dma_wait3A_314] : memref<128x129xf32, #tpu.memory_space<vmem>> -> memref<128x128xf32, #tpu.memory_space<vmem>>
        tpu.wait_dma2 semaphore(%arg17 : memref<!tpu.dma_semaphore, #tpu.memory_space<semaphore_mem>>) src(%dma_wait3A_315 : memref<128x128xf32, #tpu.memory_space<vmem>>) dst(%dma_wait3A_312 : memref<128x128xf32, #tpu.memory_space<hbm>>)
      } else {
      }
      %dma_wait3A_122 = arith.constant 0 : i32
      %dma_wait3A_123 = tpu.memref_slice %arg5[%dma_wait3A_122] : memref<16384xi32, #tpu.memory_space<vmem>> -> memref<256xi32, #tpu.memory_space<vmem>>
      %dma_wait3A_124 = arith.constant 0 : i32
      %dma_wait3A_125 = arith.constant 0 : i32
      %dma_wait3A_126 = tpu.memref_slice %arg3[%dma_wait3A_124, %dma_wait3A_125] : memref<1000000x64xf32, #tpu.memory_space<hbm>> -> memref<1000000x64xf32, #tpu.memory_space<hbm>>
      tpu.wait_indirect_dma semaphore(%arg13 : memref<!tpu.dma_semaphore, #tpu.memory_space<semaphore_mem>>) src(%dma_wait3A_126 : memref<1000000x64xf32, #tpu.memory_space<hbm>>) dst(%arg7 : memref<256x64xf32, #tpu.memory_space<vmem>>)
      %parallel_loop3A_127 = arith.constant 0 : i32
      %parallel_loop3A_128 = arith.constant 256 : i32
      %parallel_loop3A_129 = arith.constant 1 : i32
      scf.for %parallel_loop3A_304 = %parallel_loop3A_127 to %parallel_loop3A_128 step %parallel_loop3A_129  : i32 {
        %parallel_loop3A_305 = arith.constant 0 : i32
        %parallel_loop3A_306 = tpu.memref_slice %arg7[%parallel_loop3A_304, %parallel_loop3A_305] : memref<256x64xf32, #tpu.memory_space<vmem>> -> memref<1x64xf32, #tpu.memory_space<vmem>>
        %parallel_loop3A_307 = tpu.memref_squeeze %parallel_loop3A_306 : memref<1x64xf32, #tpu.memory_space<vmem>> -> memref<64xf32, #tpu.memory_space<vmem>>
        %parallel_loop3A_308 = arith.constant 0 : index
        %parallel_loop3A_309 = tpu.vector_load %parallel_loop3A_307[%parallel_loop3A_308] {strides = array<i32>} : memref<64xf32, #tpu.memory_space<vmem>>, vector<16xf32>,
        %parallel_loop3A_310 = arith.constant 0 : i32
        %parallel_loop3A_311 = tpu.memref_slice %arg7[%parallel_loop3A_304, %parallel_loop3A_310] : memref<256x64xf32, #tpu.memory_space<vmem>> -> memref<1x64xf32, #tpu.memory_space<vmem>>
        %parallel_loop3A_312 = tpu.memref_squeeze %parallel_loop3A_311 : memref<1x64xf32, #tpu.memory_space<vmem>> -> memref<64xf32, #tpu.memory_space<vmem>>
        %parallel_loop3A_313 = arith.constant 16 : index
        %parallel_loop3A_314 = tpu.vector_load %parallel_loop3A_312[%parallel_loop3A_313] {strides = array<i32>} : memref<64xf32, #tpu.memory_space<vmem>>, vector<16xf32>,
        %parallel_loop3A_315 = arith.constant 0 : i32
        %parallel_loop3A_316 = tpu.memref_slice %arg7[%parallel_loop3A_304, %parallel_loop3A_315] : memref<256x64xf32, #tpu.memory_space<vmem>> -> memref<1x64xf32, #tpu.memory_space<vmem>>
        %parallel_loop3A_317 = tpu.memref_squeeze %parallel_loop3A_316 : memref<1x64xf32, #tpu.memory_space<vmem>> -> memref<64xf32, #tpu.memory_space<vmem>>
        %parallel_loop3A_318 = arith.constant 32 : index
        %parallel_loop3A_319 = tpu.vector_load %parallel_loop3A_317[%parallel_loop3A_318] {strides = array<i32>} : memref<64xf32, #tpu.memory_space<vmem>>, vector<16xf32>,
        %parallel_loop3A_320 = arith.constant 0 : i32
        %parallel_loop3A_321 = tpu.memref_slice %arg7[%parallel_loop3A_304, %parallel_loop3A_320] : memref<256x64xf32, #tpu.memory_space<vmem>> -> memref<1x64xf32, #tpu.memory_space<vmem>>
        %parallel_loop3A_322 = tpu.memref_squeeze %parallel_loop3A_321 : memref<1x64xf32, #tpu.memory_space<vmem>> -> memref<64xf32, #tpu.memory_space<vmem>>
        %parallel_loop3A_323 = arith.constant 48 : index
        %parallel_loop3A_324 = tpu.vector_load %parallel_loop3A_322[%parallel_loop3A_323] {strides = array<i32>} : memref<64xf32, #tpu.memory_space<vmem>>, vector<16xf32>,
        %parallel_loop3A_325 = arith.mulf %parallel_loop3A_309, %parallel_loop3A_309 : vector<16xf32>
        %parallel_loop3A_326 = arith.mulf %parallel_loop3A_314, %parallel_loop3A_314 : vector<16xf32>
        %parallel_loop3A_327 = arith.addf %parallel_loop3A_325, %parallel_loop3A_326 : vector<16xf32>
        %parallel_loop3A_328 = arith.mulf %parallel_loop3A_319, %parallel_loop3A_319 : vector<16xf32>
        %parallel_loop3A_329 = arith.addf %parallel_loop3A_327, %parallel_loop3A_328 : vector<16xf32>
        %parallel_loop3A_330 = arith.mulf %parallel_loop3A_324, %parallel_loop3A_324 : vector<16xf32>
        %parallel_loop3A_331 = arith.addf %parallel_loop3A_329, %parallel_loop3A_330 : vector<16xf32>
        %parallel_loop3A_332 = arith.constant true
        %parallel_loop3A_333 = vector.broadcast %parallel_loop3A_332 : i1 to vector<16xi1>
        %parallel_loop3A_334 = tpu.scan <sum>, %parallel_loop3A_331 masked %parallel_loop3A_333 : vector<16xf32>, vector<16xi1> -> vector<16xf32>
        %parallel_loop3A_335 = vector.extract %parallel_loop3A_334[15] : f32 from vector<16xf32>
        %parallel_loop3A_336 = vector.broadcast %parallel_loop3A_335 : f32 to vector<16xf32>
        %parallel_loop3A_337 = vector.bitcast %parallel_loop3A_336 : vector<16xf32> to vector<16xi32>
        %parallel_loop3A_338 = arith.constant 1 : i32
        %parallel_loop3A_339 = vector.broadcast %parallel_loop3A_338 : i32 to vector<16xi32>
        %parallel_loop3A_340 = arith.shrui %parallel_loop3A_337, %parallel_loop3A_339 : vector<16xi32>
        %parallel_loop3A_341 = arith.constant 1597463007 : i32
        %parallel_loop3A_342 = vector.broadcast %parallel_loop3A_341 : i32 to vector<16xi32>
        %parallel_loop3A_343 = arith.subi %parallel_loop3A_342, %parallel_loop3A_340 : vector<16xi32>
        %parallel_loop3A_344 = vector.bitcast %parallel_loop3A_343 : vector<16xi32> to vector<16xf32>
        %parallel_loop3A_345 = arith.constant 5.000000e-01 : f32
        %parallel_loop3A_346 = vector.broadcast %parallel_loop3A_345 : f32 to vector<16xf32>
        %parallel_loop3A_347 = arith.mulf %parallel_loop3A_346, %parallel_loop3A_336 : vector<16xf32>
        %parallel_loop3A_348 = arith.mulf %parallel_loop3A_347, %parallel_loop3A_344 : vector<16xf32>
        %parallel_loop3A_349 = arith.mulf %parallel_loop3A_348, %parallel_loop3A_344 : vector<16xf32>
        %parallel_loop3A_350 = arith.constant 1.500000e+00 : f32
        %parallel_loop3A_351 = vector.broadcast %parallel_loop3A_350 : f32 to vector<16xf32>
        %parallel_loop3A_352 = arith.subf %parallel_loop3A_351, %parallel_loop3A_349 : vector<16xf32>
        %parallel_loop3A_353 = arith.mulf %parallel_loop3A_344, %parallel_loop3A_352 : vector<16xf32>
        %parallel_loop3A_354 = arith.constant 5.000000e-01 : f32
        %parallel_loop3A_355 = vector.broadcast %parallel_loop3A_354 : f32 to vector<16xf32>
        %parallel_loop3A_356 = arith.mulf %parallel_loop3A_355, %parallel_loop3A_336 : vector<16xf32>
        %parallel_loop3A_357 = arith.mulf %parallel_loop3A_356, %parallel_loop3A_353 : vector<16xf32>
        %parallel_loop3A_358 = arith.mulf %parallel_loop3A_357, %parallel_loop3A_353 : vector<16xf32>
        %parallel_loop3A_359 = arith.constant 1.500000e+00 : f32
        %parallel_loop3A_360 = vector.broadcast %parallel_loop3A_359 : f32 to vector<16xf32>
        %parallel_loop3A_361 = arith.subf %parallel_loop3A_360, %parallel_loop3A_358 : vector<16xf32>
        %parallel_loop3A_362 = arith.mulf %parallel_loop3A_353, %parallel_loop3A_361 : vector<16xf32>
        %parallel_loop3A_363 = arith.constant 1.000000e+08 : f32
        %parallel_loop3A_364 = vector.broadcast %parallel_loop3A_363 : f32 to vector<16xf32>
        %parallel_loop3A_365 = arith.minimumf %parallel_loop3A_362, %parallel_loop3A_364 : vector<16xf32>
        %parallel_loop3A_366 = arith.constant 7 : i32
        %parallel_loop3A_367 = arith.shrui %parallel_loop3A_304, %parallel_loop3A_366 : i32
        %parallel_loop3A_368 = arith.constant 64 : i32
        %parallel_loop3A_369 = arith.muli %parallel_loop3A_367, %parallel_loop3A_368 : i32
        %parallel_loop3A_370 = arith.constant 128 : i32
        %parallel_loop3A_371 = arith.remsi %parallel_loop3A_304, %parallel_loop3A_370 : i32
        %parallel_loop3A_372 = vector.broadcast %parallel_loop3A_371 : i32 to vector<16xi32>
        %parallel_loop3A_373 = vector.broadcast %parallel_loop3A_369 : i32 to vector<16xi32>
        %parallel_loop3A_374 = arith.addi %parallel_loop3A_373, %add3A_5 : vector<16xi32>
        %parallel_loop3A_375 = arith.mulf %parallel_loop3A_309, %parallel_loop3A_365 : vector<16xf32>
        tpu.vector_store_idx %arg11[%parallel_loop3A_374, %parallel_loop3A_372], %parallel_loop3A_375 : memref<128x129xf32, #tpu.memory_space<vmem>>[vector<16xi32>, vector<16xi32>], vector<16xf32>,
        %parallel_loop3A_376 = vector.broadcast %parallel_loop3A_369 : i32 to vector<16xi32>
        %parallel_loop3A_377 = arith.addi %parallel_loop3A_376, %add3A_8 : vector<16xi32>
        %parallel_loop3A_378 = arith.mulf %parallel_loop3A_314, %parallel_loop3A_365 : vector<16xf32>
        tpu.vector_store_idx %arg11[%parallel_loop3A_377, %parallel_loop3A_372], %parallel_loop3A_378 : memref<128x129xf32, #tpu.memory_space<vmem>>[vector<16xi32>, vector<16xi32>], vector<16xf32>,
        %parallel_loop3A_379 = vector.broadcast %parallel_loop3A_369 : i32 to vector<16xi32>
        %parallel_loop3A_380 = arith.addi %parallel_loop3A_379, %add3A_11 : vector<16xi32>
        %parallel_loop3A_381 = arith.mulf %parallel_loop3A_319, %parallel_loop3A_365 : vector<16xf32>
        tpu.vector_store_idx %arg11[%parallel_loop3A_380, %parallel_loop3A_372], %parallel_loop3A_381 : memref<128x129xf32, #tpu.memory_space<vmem>>[vector<16xi32>, vector<16xi32>], vector<16xf32>,
        %parallel_loop3A_382 = vector.broadcast %parallel_loop3A_369 : i32 to vector<16xi32>
        %parallel_loop3A_383 = arith.addi %parallel_loop3A_382, %add3A_14 : vector<16xi32>
        %parallel_loop3A_384 = arith.mulf %parallel_loop3A_324, %parallel_loop3A_365 : vector<16xf32>
        tpu.vector_store_idx %arg11[%parallel_loop3A_383, %parallel_loop3A_372], %parallel_loop3A_384 : memref<128x129xf32, #tpu.memory_space<vmem>>[vector<16xi32>, vector<16xi32>], vector<16xf32>,
      } {sc.loop_unroll_factor = 8 : i64, sc.parallel_access}
      %mul3A_130 = arith.constant 256 : i32
      %mul3A_131 = arith.muli %add3A_108, %mul3A_130 : i32
      %add3A_132 = arith.addi %mul3A_2, %mul3A_131 : i32
      %jit3A_133 = arith.constant 128 : i32
      %div3A_134 = arith.divsi %add3A_132, %jit3A_133 : i32
      %sign3A_135 = arith.constant 0 : i32
      %sign3A_136 = arith.cmpi sgt, %add3A_132, %sign3A_135 : i32
      %sign3A_137 = arith.extui %sign3A_136 : i1 to i32
      %sign3A_138 = arith.constant 0 : i32
      %sign3A_139 = arith.cmpi slt, %add3A_132, %sign3A_138 : i32
      %sign3A_140 = arith.extui %sign3A_139 : i1 to i32
      %sign3A_141 = arith.subi %sign3A_137, %sign3A_140 : i32
      %sign3A_142 = arith.constant 0 : i32
      %sign3A_143 = arith.cmpi sgt, %jit3A_133, %sign3A_142 : i32
      %sign3A_144 = arith.extui %sign3A_143 : i1 to i32
      %sign3A_145 = arith.constant 0 : i32
      %sign3A_146 = arith.cmpi slt, %jit3A_133, %sign3A_145 : i32
      %sign3A_147 = arith.extui %sign3A_146 : i1 to i32
      %sign3A_148 = arith.subi %sign3A_144, %sign3A_147 : i32
      %ne3A_149 = arith.cmpi ne, %sign3A_141, %sign3A_148 : i32
      %rem3A_150 = arith.remsi %add3A_132, %jit3A_133 : i32
      %ne3A_151 = arith.constant 0 : i32
      %ne3A_152 = arith.cmpi ne, %rem3A_150, %ne3A_151 : i32
      %and3A_153 = arith.andi %ne3A_149, %ne3A_152 : i1
      %sub3A_154 = arith.constant 1 : i32
      %sub3A_155 = arith.subi %div3A_134, %sub3A_154 : i32
      %select_n3A_156 = arith.select %and3A_153, %sub3A_155, %div3A_134 : i32
      %mul3A_157 = arith.constant 64 : i32
      %mul3A_158 = arith.muli %select_n3A_156, %mul3A_157 : i32
      %dma_start3A_159 = arith.constant 0 : i32
      %dma_start3A_160 = arith.constant 0 : i32
      %dma_start3A_161 = tpu.memref_slice %arg11[%dma_start3A_159, %dma_start3A_160] : memref<128x129xf32, #tpu.memory_space<vmem>> -> memref<128x128xf32, #tpu.memory_space<vmem>>
      %dma_start3A_162 = arith.constant 0 : i32
      %dma_start3A_163 = tpu.memref_slice %arg4[%mul3A_158, %dma_start3A_162] : memref<262144x128xf32, #tpu.memory_space<hbm>> -> memref<128x128xf32, #tpu.memory_space<hbm>>
      %dma_start3A_164 = arith.constant 0 : i32
      %dma_start3A_165 = tpu.memref_slice %arg4[%mul3A_158, %dma_start3A_164] : memref<262144x128xf32, #tpu.memory_space<hbm>> -> memref<128x128xf32, #tpu.memory_space<hbm>>
      %dma_start3A_166 = arith.constant 0 : i32
      %dma_start3A_167 = arith.constant 0 : i32
      %dma_start3A_168 = tpu.memref_slice %arg11[%dma_start3A_166, %dma_start3A_167] : memref<128x129xf32, #tpu.memory_space<vmem>> -> memref<128x128xf32, #tpu.memory_space<vmem>>
      tpu.enqueue_dma source(%dma_start3A_168 : memref<128x128xf32, #tpu.memory_space<vmem>>) target(%dma_start3A_165 : memref<128x128xf32, #tpu.memory_space<hbm>>) target_semaphore(%arg17 : memref<!tpu.dma_semaphore, #tpu.memory_space<semaphore_mem>>)
      %mul3A_169 = arith.constant 4 : i32
      %mul3A_170 = arith.muli %scan3A_52, %mul3A_169 : i32
      %add3A_171 = arith.constant 2 : i32
      %add3A_172 = arith.addi %mul3A_170, %add3A_171 : i32
      %lt3A = arith.constant 15 : i32
      %lt3A_173 = arith.cmpi slt, %scan3A_52, %lt3A : i32
      %convert_element_type3A_174 = arith.extui %lt3A_173 : i1 to i32
      %cond3A_175 = arith.constant 0 : i32
      %cond3A_176 = arith.cmpi ne, %convert_element_type3A_174, %cond3A_175 : i32
      scf.if %cond3A_176 {
        %add3A_304 = arith.constant 2 : i32
        %add3A_305 = arith.addi %add3A_172, %add3A_304 : i32
        %mul3A_306 = arith.constant 256 : i32
        %mul3A_307 = arith.muli %add3A_305, %mul3A_306 : i32
        %dma_start3A_308 = tpu.memref_slice %arg5[%mul3A_307] : memref<16384xi32, #tpu.memory_space<vmem>> -> memref<256xi32, #tpu.memory_space<vmem>>
        %dma_start3A_309 = arith.constant 0 : i32
        %dma_start3A_310 = arith.constant 0 : i32
        %dma_start3A_311 = tpu.memref_slice %arg3[%dma_start3A_309, %dma_start3A_310] : memref<1000000x64xf32, #tpu.memory_space<hbm>> -> memref<1000000x64xf32, #tpu.memory_space<hbm>>
        tpu.enqueue_indirect_dma source(%dma_start3A_311 : memref<1000000x64xf32, #tpu.memory_space<hbm>>) target(%arg6 : memref<256x64xf32, #tpu.memory_space<vmem>>) offsets(%dma_start3A_308 : memref<256xi32, #tpu.memory_space<vmem>>) semaphore(%arg12 : memref<!tpu.dma_semaphore, #tpu.memory_space<semaphore_mem>>)
      } else {
      }
      %dma_wait3A_177 = arith.constant 0 : i32
      %dma_wait3A_178 = arith.constant 0 : i32
      %dma_wait3A_179 = tpu.memref_slice %arg10[%dma_wait3A_177, %dma_wait3A_178] : memref<128x129xf32, #tpu.memory_space<vmem>> -> memref<128x128xf32, #tpu.memory_space<vmem>>
      %dma_wait3A_180 = arith.constant 0 : i32
      %dma_wait3A_181 = arith.constant 0 : i32
      %dma_wait3A_182 = tpu.memref_slice %arg4[%dma_wait3A_180, %dma_wait3A_181] : memref<262144x128xf32, #tpu.memory_space<hbm>> -> memref<128x128xf32, #tpu.memory_space<hbm>>
      %dma_wait3A_183 = arith.constant 0 : i32
      %dma_wait3A_184 = arith.constant 0 : i32
      %dma_wait3A_185 = tpu.memref_slice %arg4[%dma_wait3A_183, %dma_wait3A_184] : memref<262144x128xf32, #tpu.memory_space<hbm>> -> memref<128x128xf32, #tpu.memory_space<hbm>>
      %dma_wait3A_186 = arith.constant 0 : i32
      %dma_wait3A_187 = arith.constant 0 : i32
      %dma_wait3A_188 = tpu.memref_slice %arg10[%dma_wait3A_186, %dma_wait3A_187] : memref<128x129xf32, #tpu.memory_space<vmem>> -> memref<128x128xf32, #tpu.memory_space<vmem>>
      tpu.wait_dma2 semaphore(%arg16 : memref<!tpu.dma_semaphore, #tpu.memory_space<semaphore_mem>>) src(%dma_wait3A_188 : memref<128x128xf32, #tpu.memory_space<vmem>>) dst(%dma_wait3A_185 : memref<128x128xf32, #tpu.memory_space<hbm>>)
      %dma_wait3A_189 = arith.constant 0 : i32
      %dma_wait3A_190 = tpu.memref_slice %arg5[%dma_wait3A_189] : memref<16384xi32, #tpu.memory_space<vmem>> -> memref<256xi32, #tpu.memory_space<vmem>>
      %dma_wait3A_191 = arith.constant 0 : i32
      %dma_wait3A_192 = arith.constant 0 : i32
      %dma_wait3A_193 = tpu.memref_slice %arg3[%dma_wait3A_191, %dma_wait3A_192] : memref<1000000x64xf32, #tpu.memory_space<hbm>> -> memref<1000000x64xf32, #tpu.memory_space<hbm>>
      tpu.wait_indirect_dma semaphore(%arg14 : memref<!tpu.dma_semaphore, #tpu.memory_space<semaphore_mem>>) src(%dma_wait3A_193 : memref<1000000x64xf32, #tpu.memory_space<hbm>>) dst(%arg8 : memref<256x64xf32, #tpu.memory_space<vmem>>)
      %parallel_loop3A_194 = arith.constant 0 : i32
      %parallel_loop3A_195 = arith.constant 256 : i32
      %parallel_loop3A_196 = arith.constant 1 : i32
      scf.for %parallel_loop3A_304 = %parallel_loop3A_194 to %parallel_loop3A_195 step %parallel_loop3A_196  : i32 {
        %parallel_loop3A_305 = arith.constant 0 : i32
        %parallel_loop3A_306 = tpu.memref_slice %arg8[%parallel_loop3A_304, %parallel_loop3A_305] : memref<256x64xf32, #tpu.memory_space<vmem>> -> memref<1x64xf32, #tpu.memory_space<vmem>>
        %parallel_loop3A_307 = tpu.memref_squeeze %parallel_loop3A_306 : memref<1x64xf32, #tpu.memory_space<vmem>> -> memref<64xf32, #tpu.memory_space<vmem>>
        %parallel_loop3A_308 = arith.constant 0 : index
        %parallel_loop3A_309 = tpu.vector_load %parallel_loop3A_307[%parallel_loop3A_308] {strides = array<i32>} : memref<64xf32, #tpu.memory_space<vmem>>, vector<16xf32>,
        %parallel_loop3A_310 = arith.constant 0 : i32
        %parallel_loop3A_311 = tpu.memref_slice %arg8[%parallel_loop3A_304, %parallel_loop3A_310] : memref<256x64xf32, #tpu.memory_space<vmem>> -> memref<1x64xf32, #tpu.memory_space<vmem>>
        %parallel_loop3A_312 = tpu.memref_squeeze %parallel_loop3A_311 : memref<1x64xf32, #tpu.memory_space<vmem>> -> memref<64xf32, #tpu.memory_space<vmem>>
        %parallel_loop3A_313 = arith.constant 16 : index
        %parallel_loop3A_314 = tpu.vector_load %parallel_loop3A_312[%parallel_loop3A_313] {strides = array<i32>} : memref<64xf32, #tpu.memory_space<vmem>>, vector<16xf32>,
        %parallel_loop3A_315 = arith.constant 0 : i32
        %parallel_loop3A_316 = tpu.memref_slice %arg8[%parallel_loop3A_304, %parallel_loop3A_315] : memref<256x64xf32, #tpu.memory_space<vmem>> -> memref<1x64xf32, #tpu.memory_space<vmem>>
        %parallel_loop3A_317 = tpu.memref_squeeze %parallel_loop3A_316 : memref<1x64xf32, #tpu.memory_space<vmem>> -> memref<64xf32, #tpu.memory_space<vmem>>
        %parallel_loop3A_318 = arith.constant 32 : index
        %parallel_loop3A_319 = tpu.vector_load %parallel_loop3A_317[%parallel_loop3A_318] {strides = array<i32>} : memref<64xf32, #tpu.memory_space<vmem>>, vector<16xf32>,
        %parallel_loop3A_320 = arith.constant 0 : i32
        %parallel_loop3A_321 = tpu.memref_slice %arg8[%parallel_loop3A_304, %parallel_loop3A_320] : memref<256x64xf32, #tpu.memory_space<vmem>> -> memref<1x64xf32, #tpu.memory_space<vmem>>
        %parallel_loop3A_322 = tpu.memref_squeeze %parallel_loop3A_321 : memref<1x64xf32, #tpu.memory_space<vmem>> -> memref<64xf32, #tpu.memory_space<vmem>>
        %parallel_loop3A_323 = arith.constant 48 : index
        %parallel_loop3A_324 = tpu.vector_load %parallel_loop3A_322[%parallel_loop3A_323] {strides = array<i32>} : memref<64xf32, #tpu.memory_space<vmem>>, vector<16xf32>,
        %parallel_loop3A_325 = arith.mulf %parallel_loop3A_309, %parallel_loop3A_309 : vector<16xf32>
        %parallel_loop3A_326 = arith.mulf %parallel_loop3A_314, %parallel_loop3A_314 : vector<16xf32>
        %parallel_loop3A_327 = arith.addf %parallel_loop3A_325, %parallel_loop3A_326 : vector<16xf32>
        %parallel_loop3A_328 = arith.mulf %parallel_loop3A_319, %parallel_loop3A_319 : vector<16xf32>
        %parallel_loop3A_329 = arith.addf %parallel_loop3A_327, %parallel_loop3A_328 : vector<16xf32>
        %parallel_loop3A_330 = arith.mulf %parallel_loop3A_324, %parallel_loop3A_324 : vector<16xf32>
        %parallel_loop3A_331 = arith.addf %parallel_loop3A_329, %parallel_loop3A_330 : vector<16xf32>
        %parallel_loop3A_332 = arith.constant true
        %parallel_loop3A_333 = vector.broadcast %parallel_loop3A_332 : i1 to vector<16xi1>
        %parallel_loop3A_334 = tpu.scan <sum>, %parallel_loop3A_331 masked %parallel_loop3A_333 : vector<16xf32>, vector<16xi1> -> vector<16xf32>
        %parallel_loop3A_335 = vector.extract %parallel_loop3A_334[15] : f32 from vector<16xf32>
        %parallel_loop3A_336 = vector.broadcast %parallel_loop3A_335 : f32 to vector<16xf32>
        %parallel_loop3A_337 = vector.bitcast %parallel_loop3A_336 : vector<16xf32> to vector<16xi32>
        %parallel_loop3A_338 = arith.constant 1 : i32
        %parallel_loop3A_339 = vector.broadcast %parallel_loop3A_338 : i32 to vector<16xi32>
        %parallel_loop3A_340 = arith.shrui %parallel_loop3A_337, %parallel_loop3A_339 : vector<16xi32>
        %parallel_loop3A_341 = arith.constant 1597463007 : i32
        %parallel_loop3A_342 = vector.broadcast %parallel_loop3A_341 : i32 to vector<16xi32>
        %parallel_loop3A_343 = arith.subi %parallel_loop3A_342, %parallel_loop3A_340 : vector<16xi32>
        %parallel_loop3A_344 = vector.bitcast %parallel_loop3A_343 : vector<16xi32> to vector<16xf32>
        %parallel_loop3A_345 = arith.constant 5.000000e-01 : f32
        %parallel_loop3A_346 = vector.broadcast %parallel_loop3A_345 : f32 to vector<16xf32>
        %parallel_loop3A_347 = arith.mulf %parallel_loop3A_346, %parallel_loop3A_336 : vector<16xf32>
        %parallel_loop3A_348 = arith.mulf %parallel_loop3A_347, %parallel_loop3A_344 : vector<16xf32>
        %parallel_loop3A_349 = arith.mulf %parallel_loop3A_348, %parallel_loop3A_344 : vector<16xf32>
        %parallel_loop3A_350 = arith.constant 1.500000e+00 : f32
        %parallel_loop3A_351 = vector.broadcast %parallel_loop3A_350 : f32 to vector<16xf32>
        %parallel_loop3A_352 = arith.subf %parallel_loop3A_351, %parallel_loop3A_349 : vector<16xf32>
        %parallel_loop3A_353 = arith.mulf %parallel_loop3A_344, %parallel_loop3A_352 : vector<16xf32>
        %parallel_loop3A_354 = arith.constant 5.000000e-01 : f32
        %parallel_loop3A_355 = vector.broadcast %parallel_loop3A_354 : f32 to vector<16xf32>
        %parallel_loop3A_356 = arith.mulf %parallel_loop3A_355, %parallel_loop3A_336 : vector<16xf32>
        %parallel_loop3A_357 = arith.mulf %parallel_loop3A_356, %parallel_loop3A_353 : vector<16xf32>
        %parallel_loop3A_358 = arith.mulf %parallel_loop3A_357, %parallel_loop3A_353 : vector<16xf32>
        %parallel_loop3A_359 = arith.constant 1.500000e+00 : f32
        %parallel_loop3A_360 = vector.broadcast %parallel_loop3A_359 : f32 to vector<16xf32>
        %parallel_loop3A_361 = arith.subf %parallel_loop3A_360, %parallel_loop3A_358 : vector<16xf32>
        %parallel_loop3A_362 = arith.mulf %parallel_loop3A_353, %parallel_loop3A_361 : vector<16xf32>
        %parallel_loop3A_363 = arith.constant 1.000000e+08 : f32
        %parallel_loop3A_364 = vector.broadcast %parallel_loop3A_363 : f32 to vector<16xf32>
        %parallel_loop3A_365 = arith.minimumf %parallel_loop3A_362, %parallel_loop3A_364 : vector<16xf32>
        %parallel_loop3A_366 = arith.constant 7 : i32
        %parallel_loop3A_367 = arith.shrui %parallel_loop3A_304, %parallel_loop3A_366 : i32
        %parallel_loop3A_368 = arith.constant 64 : i32
        %parallel_loop3A_369 = arith.muli %parallel_loop3A_367, %parallel_loop3A_368 : i32
        %parallel_loop3A_370 = arith.constant 128 : i32
        %parallel_loop3A_371 = arith.remsi %parallel_loop3A_304, %parallel_loop3A_370 : i32
        %parallel_loop3A_372 = vector.broadcast %parallel_loop3A_371 : i32 to vector<16xi32>
        %parallel_loop3A_373 = vector.broadcast %parallel_loop3A_369 : i32 to vector<16xi32>
        %parallel_loop3A_374 = arith.addi %parallel_loop3A_373, %add3A_5 : vector<16xi32>
        %parallel_loop3A_375 = arith.mulf %parallel_loop3A_309, %parallel_loop3A_365 : vector<16xf32>
        tpu.vector_store_idx %arg10[%parallel_loop3A_374, %parallel_loop3A_372], %parallel_loop3A_375 : memref<128x129xf32, #tpu.memory_space<vmem>>[vector<16xi32>, vector<16xi32>], vector<16xf32>,
        %parallel_loop3A_376 = vector.broadcast %parallel_loop3A_369 : i32 to vector<16xi32>
        %parallel_loop3A_377 = arith.addi %parallel_loop3A_376, %add3A_8 : vector<16xi32>
        %parallel_loop3A_378 = arith.mulf %parallel_loop3A_314, %parallel_loop3A_365 : vector<16xf32>
        tpu.vector_store_idx %arg10[%parallel_loop3A_377, %parallel_loop3A_372], %parallel_loop3A_378 : memref<128x129xf32, #tpu.memory_space<vmem>>[vector<16xi32>, vector<16xi32>], vector<16xf32>,
        %parallel_loop3A_379 = vector.broadcast %parallel_loop3A_369 : i32 to vector<16xi32>
        %parallel_loop3A_380 = arith.addi %parallel_loop3A_379, %add3A_11 : vector<16xi32>
        %parallel_loop3A_381 = arith.mulf %parallel_loop3A_319, %parallel_loop3A_365 : vector<16xf32>
        tpu.vector_store_idx %arg10[%parallel_loop3A_380, %parallel_loop3A_372], %parallel_loop3A_381 : memref<128x129xf32, #tpu.memory_space<vmem>>[vector<16xi32>, vector<16xi32>], vector<16xf32>,
        %parallel_loop3A_382 = vector.broadcast %parallel_loop3A_369 : i32 to vector<16xi32>
        %parallel_loop3A_383 = arith.addi %parallel_loop3A_382, %add3A_14 : vector<16xi32>
        %parallel_loop3A_384 = arith.mulf %parallel_loop3A_324, %parallel_loop3A_365 : vector<16xf32>
        tpu.vector_store_idx %arg10[%parallel_loop3A_383, %parallel_loop3A_372], %parallel_loop3A_384 : memref<128x129xf32, #tpu.memory_space<vmem>>[vector<16xi32>, vector<16xi32>], vector<16xf32>,
      } {sc.loop_unroll_factor = 8 : i64, sc.parallel_access}
      %mul3A_197 = arith.constant 256 : i32
      %mul3A_198 = arith.muli %add3A_172, %mul3A_197 : i32
      %add3A_199 = arith.addi %mul3A_2, %mul3A_198 : i32
      %jit3A_200 = arith.constant 128 : i32
      %div3A_201 = arith.divsi %add3A_199, %jit3A_200 : i32
      %sign3A_202 = arith.constant 0 : i32
      %sign3A_203 = arith.cmpi sgt, %add3A_199, %sign3A_202 : i32
      %sign3A_204 = arith.extui %sign3A_203 : i1 to i32
      %sign3A_205 = arith.constant 0 : i32
      %sign3A_206 = arith.cmpi slt, %add3A_199, %sign3A_205 : i32
      %sign3A_207 = arith.extui %sign3A_206 : i1 to i32
      %sign3A_208 = arith.subi %sign3A_204, %sign3A_207 : i32
      %sign3A_209 = arith.constant 0 : i32
      %sign3A_210 = arith.cmpi sgt, %jit3A_200, %sign3A_209 : i32
      %sign3A_211 = arith.extui %sign3A_210 : i1 to i32
      %sign3A_212 = arith.constant 0 : i32
      %sign3A_213 = arith.cmpi slt, %jit3A_200, %sign3A_212 : i32
      %sign3A_214 = arith.extui %sign3A_213 : i1 to i32
      %sign3A_215 = arith.subi %sign3A_211, %sign3A_214 : i32
      %ne3A_216 = arith.cmpi ne, %sign3A_208, %sign3A_215 : i32
      %rem3A_217 = arith.remsi %add3A_199, %jit3A_200 : i32
      %ne3A_218 = arith.constant 0 : i32
      %ne3A_219 = arith.cmpi ne, %rem3A_217, %ne3A_218 : i32
      %and3A_220 = arith.andi %ne3A_216, %ne3A_219 : i1
      %sub3A_221 = arith.constant 1 : i32
      %sub3A_222 = arith.subi %div3A_201, %sub3A_221 : i32
      %select_n3A_223 = arith.select %and3A_220, %sub3A_222, %div3A_201 : i32
      %mul3A_224 = arith.constant 64 : i32
      %mul3A_225 = arith.muli %select_n3A_223, %mul3A_224 : i32
      %dma_start3A_226 = arith.constant 0 : i32
      %dma_start3A_227 = arith.constant 0 : i32
      %dma_start3A_228 = tpu.memref_slice %arg10[%dma_start3A_226, %dma_start3A_227] : memref<128x129xf32, #tpu.memory_space<vmem>> -> memref<128x128xf32, #tpu.memory_space<vmem>>
      %dma_start3A_229 = arith.constant 0 : i32
      %dma_start3A_230 = tpu.memref_slice %arg4[%mul3A_225, %dma_start3A_229] : memref<262144x128xf32, #tpu.memory_space<hbm>> -> memref<128x128xf32, #tpu.memory_space<hbm>>
      %dma_start3A_231 = arith.constant 0 : i32
      %dma_start3A_232 = tpu.memref_slice %arg4[%mul3A_225, %dma_start3A_231] : memref<262144x128xf32, #tpu.memory_space<hbm>> -> memref<128x128xf32, #tpu.memory_space<hbm>>
      %dma_start3A_233 = arith.constant 0 : i32
      %dma_start3A_234 = arith.constant 0 : i32
      %dma_start3A_235 = tpu.memref_slice %arg10[%dma_start3A_233, %dma_start3A_234] : memref<128x129xf32, #tpu.memory_space<vmem>> -> memref<128x128xf32, #tpu.memory_space<vmem>>
      tpu.enqueue_dma source(%dma_start3A_235 : memref<128x128xf32, #tpu.memory_space<vmem>>) target(%dma_start3A_232 : memref<128x128xf32, #tpu.memory_space<hbm>>) target_semaphore(%arg16 : memref<!tpu.dma_semaphore, #tpu.memory_space<semaphore_mem>>)
      %mul3A_236 = arith.constant 4 : i32
      %mul3A_237 = arith.muli %scan3A_52, %mul3A_236 : i32
      %add3A_238 = arith.constant 3 : i32
      %add3A_239 = arith.addi %mul3A_237, %add3A_238 : i32
      %lt3A_240 = arith.constant 15 : i32
      %lt3A_241 = arith.cmpi slt, %scan3A_52, %lt3A_240 : i32
      %convert_element_type3A_242 = arith.extui %lt3A_241 : i1 to i32
      %cond3A_243 = arith.constant 0 : i32
      %cond3A_244 = arith.cmpi ne, %convert_element_type3A_242, %cond3A_243 : i32
      scf.if %cond3A_244 {
        %add3A_304 = arith.constant 2 : i32
        %add3A_305 = arith.addi %add3A_239, %add3A_304 : i32
        %mul3A_306 = arith.constant 256 : i32
        %mul3A_307 = arith.muli %add3A_305, %mul3A_306 : i32
        %dma_start3A_308 = tpu.memref_slice %arg5[%mul3A_307] : memref<16384xi32, #tpu.memory_space<vmem>> -> memref<256xi32, #tpu.memory_space<vmem>>
        %dma_start3A_309 = arith.constant 0 : i32
        %dma_start3A_310 = arith.constant 0 : i32
        %dma_start3A_311 = tpu.memref_slice %arg3[%dma_start3A_309, %dma_start3A_310] : memref<1000000x64xf32, #tpu.memory_space<hbm>> -> memref<1000000x64xf32, #tpu.memory_space<hbm>>
        tpu.enqueue_indirect_dma source(%dma_start3A_311 : memref<1000000x64xf32, #tpu.memory_space<hbm>>) target(%arg7 : memref<256x64xf32, #tpu.memory_space<vmem>>) offsets(%dma_start3A_308 : memref<256xi32, #tpu.memory_space<vmem>>) semaphore(%arg13 : memref<!tpu.dma_semaphore, #tpu.memory_space<semaphore_mem>>)
      } else {
      }
      %dma_wait3A_245 = arith.constant 0 : i32
      %dma_wait3A_246 = arith.constant 0 : i32
      %dma_wait3A_247 = tpu.memref_slice %arg11[%dma_wait3A_245, %dma_wait3A_246] : memref<128x129xf32, #tpu.memory_space<vmem>> -> memref<128x128xf32, #tpu.memory_space<vmem>>
      %dma_wait3A_248 = arith.constant 0 : i32
      %dma_wait3A_249 = arith.constant 0 : i32
      %dma_wait3A_250 = tpu.memref_slice %arg4[%dma_wait3A_248, %dma_wait3A_249] : memref<262144x128xf32, #tpu.memory_space<hbm>> -> memref<128x128xf32, #tpu.memory_space<hbm>>
      %dma_wait3A_251 = arith.constant 0 : i32
      %dma_wait3A_252 = arith.constant 0 : i32
      %dma_wait3A_253 = tpu.memref_slice %arg4[%dma_wait3A_251, %dma_wait3A_252] : memref<262144x128xf32, #tpu.memory_space<hbm>> -> memref<128x128xf32, #tpu.memory_space<hbm>>
      %dma_wait3A_254 = arith.constant 0 : i32
      %dma_wait3A_255 = arith.constant 0 : i32
      %dma_wait3A_256 = tpu.memref_slice %arg11[%dma_wait3A_254, %dma_wait3A_255] : memref<128x129xf32, #tpu.memory_space<vmem>> -> memref<128x128xf32, #tpu.memory_space<vmem>>
      tpu.wait_dma2 semaphore(%arg17 : memref<!tpu.dma_semaphore, #tpu.memory_space<semaphore_mem>>) src(%dma_wait3A_256 : memref<128x128xf32, #tpu.memory_space<vmem>>) dst(%dma_wait3A_253 : memref<128x128xf32, #tpu.memory_space<hbm>>)
      %dma_wait3A_257 = arith.constant 0 : i32
      %dma_wait3A_258 = tpu.memref_slice %arg5[%dma_wait3A_257] : memref<16384xi32, #tpu.memory_space<vmem>> -> memref<256xi32, #tpu.memory_space<vmem>>
      %dma_wait3A_259 = arith.constant 0 : i32
      %dma_wait3A_260 = arith.constant 0 : i32
      %dma_wait3A_261 = tpu.memref_slice %arg3[%dma_wait3A_259, %dma_wait3A_260] : memref<1000000x64xf32, #tpu.memory_space<hbm>> -> memref<1000000x64xf32, #tpu.memory_space<hbm>>
      tpu.wait_indirect_dma semaphore(%arg15 : memref<!tpu.dma_semaphore, #tpu.memory_space<semaphore_mem>>) src(%dma_wait3A_261 : memref<1000000x64xf32, #tpu.memory_space<hbm>>) dst(%arg9 : memref<256x64xf32, #tpu.memory_space<vmem>>)
      %parallel_loop3A_262 = arith.constant 0 : i32
      %parallel_loop3A_263 = arith.constant 256 : i32
      %parallel_loop3A_264 = arith.constant 1 : i32
      scf.for %parallel_loop3A_304 = %parallel_loop3A_262 to %parallel_loop3A_263 step %parallel_loop3A_264  : i32 {
        %parallel_loop3A_305 = arith.constant 0 : i32
        %parallel_loop3A_306 = tpu.memref_slice %arg9[%parallel_loop3A_304, %parallel_loop3A_305] : memref<256x64xf32, #tpu.memory_space<vmem>> -> memref<1x64xf32, #tpu.memory_space<vmem>>
        %parallel_loop3A_307 = tpu.memref_squeeze %parallel_loop3A_306 : memref<1x64xf32, #tpu.memory_space<vmem>> -> memref<64xf32, #tpu.memory_space<vmem>>
        %parallel_loop3A_308 = arith.constant 0 : index
        %parallel_loop3A_309 = tpu.vector_load %parallel_loop3A_307[%parallel_loop3A_308] {strides = array<i32>} : memref<64xf32, #tpu.memory_space<vmem>>, vector<16xf32>,
        %parallel_loop3A_310 = arith.constant 0 : i32
        %parallel_loop3A_311 = tpu.memref_slice %arg9[%parallel_loop3A_304, %parallel_loop3A_310] : memref<256x64xf32, #tpu.memory_space<vmem>> -> memref<1x64xf32, #tpu.memory_space<vmem>>
        %parallel_loop3A_312 = tpu.memref_squeeze %parallel_loop3A_311 : memref<1x64xf32, #tpu.memory_space<vmem>> -> memref<64xf32, #tpu.memory_space<vmem>>
        %parallel_loop3A_313 = arith.constant 16 : index
        %parallel_loop3A_314 = tpu.vector_load %parallel_loop3A_312[%parallel_loop3A_313] {strides = array<i32>} : memref<64xf32, #tpu.memory_space<vmem>>, vector<16xf32>,
        %parallel_loop3A_315 = arith.constant 0 : i32
        %parallel_loop3A_316 = tpu.memref_slice %arg9[%parallel_loop3A_304, %parallel_loop3A_315] : memref<256x64xf32, #tpu.memory_space<vmem>> -> memref<1x64xf32, #tpu.memory_space<vmem>>
        %parallel_loop3A_317 = tpu.memref_squeeze %parallel_loop3A_316 : memref<1x64xf32, #tpu.memory_space<vmem>> -> memref<64xf32, #tpu.memory_space<vmem>>
        %parallel_loop3A_318 = arith.constant 32 : index
        %parallel_loop3A_319 = tpu.vector_load %parallel_loop3A_317[%parallel_loop3A_318] {strides = array<i32>} : memref<64xf32, #tpu.memory_space<vmem>>, vector<16xf32>,
        %parallel_loop3A_320 = arith.constant 0 : i32
        %parallel_loop3A_321 = tpu.memref_slice %arg9[%parallel_loop3A_304, %parallel_loop3A_320] : memref<256x64xf32, #tpu.memory_space<vmem>> -> memref<1x64xf32, #tpu.memory_space<vmem>>
        %parallel_loop3A_322 = tpu.memref_squeeze %parallel_loop3A_321 : memref<1x64xf32, #tpu.memory_space<vmem>> -> memref<64xf32, #tpu.memory_space<vmem>>
        %parallel_loop3A_323 = arith.constant 48 : index
        %parallel_loop3A_324 = tpu.vector_load %parallel_loop3A_322[%parallel_loop3A_323] {strides = array<i32>} : memref<64xf32, #tpu.memory_space<vmem>>, vector<16xf32>,
        %parallel_loop3A_325 = arith.mulf %parallel_loop3A_309, %parallel_loop3A_309 : vector<16xf32>
        %parallel_loop3A_326 = arith.mulf %parallel_loop3A_314, %parallel_loop3A_314 : vector<16xf32>
        %parallel_loop3A_327 = arith.addf %parallel_loop3A_325, %parallel_loop3A_326 : vector<16xf32>
        %parallel_loop3A_328 = arith.mulf %parallel_loop3A_319, %parallel_loop3A_319 : vector<16xf32>
        %parallel_loop3A_329 = arith.addf %parallel_loop3A_327, %parallel_loop3A_328 : vector<16xf32>
        %parallel_loop3A_330 = arith.mulf %parallel_loop3A_324, %parallel_loop3A_324 : vector<16xf32>
        %parallel_loop3A_331 = arith.addf %parallel_loop3A_329, %parallel_loop3A_330 : vector<16xf32>
        %parallel_loop3A_332 = arith.constant true
        %parallel_loop3A_333 = vector.broadcast %parallel_loop3A_332 : i1 to vector<16xi1>
        %parallel_loop3A_334 = tpu.scan <sum>, %parallel_loop3A_331 masked %parallel_loop3A_333 : vector<16xf32>, vector<16xi1> -> vector<16xf32>
        %parallel_loop3A_335 = vector.extract %parallel_loop3A_334[15] : f32 from vector<16xf32>
        %parallel_loop3A_336 = vector.broadcast %parallel_loop3A_335 : f32 to vector<16xf32>
        %parallel_loop3A_337 = vector.bitcast %parallel_loop3A_336 : vector<16xf32> to vector<16xi32>
        %parallel_loop3A_338 = arith.constant 1 : i32
        %parallel_loop3A_339 = vector.broadcast %parallel_loop3A_338 : i32 to vector<16xi32>
        %parallel_loop3A_340 = arith.shrui %parallel_loop3A_337, %parallel_loop3A_339 : vector<16xi32>
        %parallel_loop3A_341 = arith.constant 1597463007 : i32
        %parallel_loop3A_342 = vector.broadcast %parallel_loop3A_341 : i32 to vector<16xi32>
        %parallel_loop3A_343 = arith.subi %parallel_loop3A_342, %parallel_loop3A_340 : vector<16xi32>
        %parallel_loop3A_344 = vector.bitcast %parallel_loop3A_343 : vector<16xi32> to vector<16xf32>
        %parallel_loop3A_345 = arith.constant 5.000000e-01 : f32
        %parallel_loop3A_346 = vector.broadcast %parallel_loop3A_345 : f32 to vector<16xf32>
        %parallel_loop3A_347 = arith.mulf %parallel_loop3A_346, %parallel_loop3A_336 : vector<16xf32>
        %parallel_loop3A_348 = arith.mulf %parallel_loop3A_347, %parallel_loop3A_344 : vector<16xf32>
        %parallel_loop3A_349 = arith.mulf %parallel_loop3A_348, %parallel_loop3A_344 : vector<16xf32>
        %parallel_loop3A_350 = arith.constant 1.500000e+00 : f32
        %parallel_loop3A_351 = vector.broadcast %parallel_loop3A_350 : f32 to vector<16xf32>
        %parallel_loop3A_352 = arith.subf %parallel_loop3A_351, %parallel_loop3A_349 : vector<16xf32>
        %parallel_loop3A_353 = arith.mulf %parallel_loop3A_344, %parallel_loop3A_352 : vector<16xf32>
        %parallel_loop3A_354 = arith.constant 5.000000e-01 : f32
        %parallel_loop3A_355 = vector.broadcast %parallel_loop3A_354 : f32 to vector<16xf32>
        %parallel_loop3A_356 = arith.mulf %parallel_loop3A_355, %parallel_loop3A_336 : vector<16xf32>
        %parallel_loop3A_357 = arith.mulf %parallel_loop3A_356, %parallel_loop3A_353 : vector<16xf32>
        %parallel_loop3A_358 = arith.mulf %parallel_loop3A_357, %parallel_loop3A_353 : vector<16xf32>
        %parallel_loop3A_359 = arith.constant 1.500000e+00 : f32
        %parallel_loop3A_360 = vector.broadcast %parallel_loop3A_359 : f32 to vector<16xf32>
        %parallel_loop3A_361 = arith.subf %parallel_loop3A_360, %parallel_loop3A_358 : vector<16xf32>
        %parallel_loop3A_362 = arith.mulf %parallel_loop3A_353, %parallel_loop3A_361 : vector<16xf32>
        %parallel_loop3A_363 = arith.constant 1.000000e+08 : f32
        %parallel_loop3A_364 = vector.broadcast %parallel_loop3A_363 : f32 to vector<16xf32>
        %parallel_loop3A_365 = arith.minimumf %parallel_loop3A_362, %parallel_loop3A_364 : vector<16xf32>
        %parallel_loop3A_366 = arith.constant 7 : i32
        %parallel_loop3A_367 = arith.shrui %parallel_loop3A_304, %parallel_loop3A_366 : i32
        %parallel_loop3A_368 = arith.constant 64 : i32
        %parallel_loop3A_369 = arith.muli %parallel_loop3A_367, %parallel_loop3A_368 : i32
        %parallel_loop3A_370 = arith.constant 128 : i32
        %parallel_loop3A_371 = arith.remsi %parallel_loop3A_304, %parallel_loop3A_370 : i32
        %parallel_loop3A_372 = vector.broadcast %parallel_loop3A_371 : i32 to vector<16xi32>
        %parallel_loop3A_373 = vector.broadcast %parallel_loop3A_369 : i32 to vector<16xi32>
        %parallel_loop3A_374 = arith.addi %parallel_loop3A_373, %add3A_5 : vector<16xi32>
        %parallel_loop3A_375 = arith.mulf %parallel_loop3A_309, %parallel_loop3A_365 : vector<16xf32>
        tpu.vector_store_idx %arg11[%parallel_loop3A_374, %parallel_loop3A_372], %parallel_loop3A_375 : memref<128x129xf32, #tpu.memory_space<vmem>>[vector<16xi32>, vector<16xi32>], vector<16xf32>,
        %parallel_loop3A_376 = vector.broadcast %parallel_loop3A_369 : i32 to vector<16xi32>
        %parallel_loop3A_377 = arith.addi %parallel_loop3A_376, %add3A_8 : vector<16xi32>
        %parallel_loop3A_378 = arith.mulf %parallel_loop3A_314, %parallel_loop3A_365 : vector<16xf32>
        tpu.vector_store_idx %arg11[%parallel_loop3A_377, %parallel_loop3A_372], %parallel_loop3A_378 : memref<128x129xf32, #tpu.memory_space<vmem>>[vector<16xi32>, vector<16xi32>], vector<16xf32>,
        %parallel_loop3A_379 = vector.broadcast %parallel_loop3A_369 : i32 to vector<16xi32>
        %parallel_loop3A_380 = arith.addi %parallel_loop3A_379, %add3A_11 : vector<16xi32>
        %parallel_loop3A_381 = arith.mulf %parallel_loop3A_319, %parallel_loop3A_365 : vector<16xf32>
        tpu.vector_store_idx %arg11[%parallel_loop3A_380, %parallel_loop3A_372], %parallel_loop3A_381 : memref<128x129xf32, #tpu.memory_space<vmem>>[vector<16xi32>, vector<16xi32>], vector<16xf32>,
        %parallel_loop3A_382 = vector.broadcast %parallel_loop3A_369 : i32 to vector<16xi32>
        %parallel_loop3A_383 = arith.addi %parallel_loop3A_382, %add3A_14 : vector<16xi32>
        %parallel_loop3A_384 = arith.mulf %parallel_loop3A_324, %parallel_loop3A_365 : vector<16xf32>
        tpu.vector_store_idx %arg11[%parallel_loop3A_383, %parallel_loop3A_372], %parallel_loop3A_384 : memref<128x129xf32, #tpu.memory_space<vmem>>[vector<16xi32>, vector<16xi32>], vector<16xf32>,
      } {sc.loop_unroll_factor = 8 : i64, sc.parallel_access}
      %mul3A_265 = arith.constant 256 : i32
      %mul3A_266 = arith.muli %add3A_239, %mul3A_265 : i32
      %add3A_267 = arith.addi %mul3A_2, %mul3A_266 : i32
      %jit3A_268 = arith.constant 128 : i32
      %div3A_269 = arith.divsi %add3A_267, %jit3A_268 : i32
      %sign3A_270 = arith.constant 0 : i32
      %sign3A_271 = arith.cmpi sgt, %add3A_267, %sign3A_270 : i32
      %sign3A_272 = arith.extui %sign3A_271 : i1 to i32
      %sign3A_273 = arith.constant 0 : i32
      %sign3A_274 = arith.cmpi slt, %add3A_267, %sign3A_273 : i32
      %sign3A_275 = arith.extui %sign3A_274 : i1 to i32
      %sign3A_276 = arith.subi %sign3A_272, %sign3A_275 : i32
      %sign3A_277 = arith.constant 0 : i32
      %sign3A_278 = arith.cmpi sgt, %jit3A_268, %sign3A_277 : i32
      %sign3A_279 = arith.extui %sign3A_278 : i1 to i32
      %sign3A_280 = arith.constant 0 : i32
      %sign3A_281 = arith.cmpi slt, %jit3A_268, %sign3A_280 : i32
      %sign3A_282 = arith.extui %sign3A_281 : i1 to i32
      %sign3A_283 = arith.subi %sign3A_279, %sign3A_282 : i32
      %ne3A_284 = arith.cmpi ne, %sign3A_276, %sign3A_283 : i32
      %rem3A_285 = arith.remsi %add3A_267, %jit3A_268 : i32
      %ne3A_286 = arith.constant 0 : i32
      %ne3A_287 = arith.cmpi ne, %rem3A_285, %ne3A_286 : i32
      %and3A_288 = arith.andi %ne3A_284, %ne3A_287 : i1
      %sub3A_289 = arith.constant 1 : i32
      %sub3A_290 = arith.subi %div3A_269, %sub3A_289 : i32
      %select_n3A_291 = arith.select %and3A_288, %sub3A_290, %div3A_269 : i32
      %mul3A_292 = arith.constant 64 : i32
      %mul3A_293 = arith.muli %select_n3A_291, %mul3A_292 : i32
      %dma_start3A_294 = arith.constant 0 : i32
      %dma_start3A_295 = arith.constant 0 : i32
      %dma_start3A_296 = tpu.memref_slice %arg11[%dma_start3A_294, %dma_start3A_295] : memref<128x129xf32, #tpu.memory_space<vmem>> -> memref<128x128xf32, #tpu.memory_space<vmem>>
      %dma_start3A_297 = arith.constant 0 : i32
      %dma_start3A_298 = tpu.memref_slice %arg4[%mul3A_293, %dma_start3A_297] : memref<262144x128xf32, #tpu.memory_space<hbm>> -> memref<128x128xf32, #tpu.memory_space<hbm>>
      %dma_start3A_299 = arith.constant 0 : i32
      %dma_start3A_300 = tpu.memref_slice %arg4[%mul3A_293, %dma_start3A_299] : memref<262144x128xf32, #tpu.memory_space<hbm>> -> memref<128x128xf32, #tpu.memory_space<hbm>>
      %dma_start3A_301 = arith.constant 0 : i32
      %dma_start3A_302 = arith.constant 0 : i32
      %dma_start3A_303 = tpu.memref_slice %arg11[%dma_start3A_301, %dma_start3A_302] : memref<128x129xf32, #tpu.memory_space<vmem>> -> memref<128x128xf32, #tpu.memory_space<vmem>>
      tpu.enqueue_dma source(%dma_start3A_303 : memref<128x128xf32, #tpu.memory_space<vmem>>) target(%dma_start3A_300 : memref<128x128xf32, #tpu.memory_space<hbm>>) target_semaphore(%arg17 : memref<!tpu.dma_semaphore, #tpu.memory_space<semaphore_mem>>)
    }
    %scan3A_28 = arith.constant 16 : i32
    %dma_wait3A = arith.constant 0 : i32
    %dma_wait3A_29 = arith.constant 0 : i32
    %dma_wait3A_30 = tpu.memref_slice %arg10[%dma_wait3A, %dma_wait3A_29] : memref<128x129xf32, #tpu.memory_space<vmem>> -> memref<128x128xf32, #tpu.memory_space<vmem>>
    %dma_wait3A_31 = arith.constant 0 : i32
    %dma_wait3A_32 = arith.constant 0 : i32
    %dma_wait3A_33 = tpu.memref_slice %arg4[%dma_wait3A_31, %dma_wait3A_32] : memref<262144x128xf32, #tpu.memory_space<hbm>> -> memref<128x128xf32, #tpu.memory_space<hbm>>
    %dma_wait3A_34 = arith.constant 0 : i32
    %dma_wait3A_35 = arith.constant 0 : i32
    %dma_wait3A_36 = tpu.memref_slice %arg4[%dma_wait3A_34, %dma_wait3A_35] : memref<262144x128xf32, #tpu.memory_space<hbm>> -> memref<128x128xf32, #tpu.memory_space<hbm>>
    %dma_wait3A_37 = arith.constant 0 : i32
    %dma_wait3A_38 = arith.constant 0 : i32
    %dma_wait3A_39 = tpu.memref_slice %arg10[%dma_wait3A_37, %dma_wait3A_38] : memref<128x129xf32, #tpu.memory_space<vmem>> -> memref<128x128xf32, #tpu.memory_space<vmem>>
    tpu.wait_dma2 semaphore(%arg16 : memref<!tpu.dma_semaphore, #tpu.memory_space<semaphore_mem>>) src(%dma_wait3A_39 : memref<128x128xf32, #tpu.memory_space<vmem>>) dst(%dma_wait3A_36 : memref<128x128xf32, #tpu.memory_space<hbm>>)
    %dma_wait3A_40 = arith.constant 0 : i32
    %dma_wait3A_41 = arith.constant 0 : i32
    %dma_wait3A_42 = tpu.memref_slice %arg11[%dma_wait3A_40, %dma_wait3A_41] : memref<128x129xf32, #tpu.memory_space<vmem>> -> memref<128x128xf32, #tpu.memory_space<vmem>>
    %dma_wait3A_43 = arith.constant 0 : i32
    %dma_wait3A_44 = arith.constant 0 : i32
    %dma_wait3A_45 = tpu.memref_slice %arg4[%dma_wait3A_43, %dma_wait3A_44] : memref<262144x128xf32, #tpu.memory_space<hbm>> -> memref<128x128xf32, #tpu.memory_space<hbm>>
    %dma_wait3A_46 = arith.constant 0 : i32
    %dma_wait3A_47 = arith.constant 0 : i32
    %dma_wait3A_48 = tpu.memref_slice %arg4[%dma_wait3A_46, %dma_wait3A_47] : memref<262144x128xf32, #tpu.memory_space<hbm>> -> memref<128x128xf32, #tpu.memory_space<hbm>>
    %dma_wait3A_49 = arith.constant 0 : i32
    %dma_wait3A_50 = arith.constant 0 : i32
    %dma_wait3A_51 = tpu.memref_slice %arg11[%dma_wait3A_49, %dma_wait3A_50] : memref<128x129xf32, #tpu.memory_space<vmem>> -> memref<128x128xf32, #tpu.memory_space<vmem>>
    tpu.wait_dma2 semaphore(%arg17 : memref<!tpu.dma_semaphore, #tpu.memory_space<semaphore_mem>>) src(%dma_wait3A_51 : memref<128x128xf32, #tpu.memory_space<vmem>>) dst(%dma_wait3A_48 : memref<128x128xf32, #tpu.memory_space<hbm>>)
    return
  }
}

</mosaic_0001>

<sc_bundles>
// kernel: kernel.4.cloned.1.call-start
scs
__scs_entry_jumppad:
0x0: {  	(pc) =	sbr.rel $0x88, $3  }
0x1: {  	(tag) =	ssettag $0x0;
	lr =	simm.s32 $0x1  }
0x2: {  	[smem:$0x3F9F] =	sst lr;
	_ =	strace $0xD0000000  }
0x3: {  	_ = 	snop  }
0x4: {  	_ = 	snop  }
0x5: {  	_ = 	snop  }
0x6: {  	_ = 	snop  }
0x7: {  	_ = 	snop  }
__scs_overlays_trampoline_lowered:
0x8: {  	[smem:$0x3FAE] =	sst s0  }
0x9: {  	[smem:$0x3FAF] =	sst s1  }
0xa: {  	[smem:$0x3FB0] =	sst s2  }
0xb: {  	[smem:$0x3FB1] =	sst s3  }
0xc: {  	[smem:$0x3FB2] =	sst s4  }
0xd: {  	[smem:$0x3FB3] =	sst s5  }
0xe: {  	[smem:$0x3FB4] =	sst s6  }
0xf: {  	[smem:$0x3FB5] =	sst s7  }
0x10: {  	[smem:$0x3FB6] =	sst s8  }
0x11: {  	[smem:$0x3FB7] =	sst s9;
	s0 =	simm.s32 @!p0 $0x0  }
0x12: {  	s1 =	sld [smem:$0x3F9D];
	s0 =	simm.s32 @p0 $0x1  }
0x13: {  	[smem:$0x3FB8] =	sst s0;
	s0 =	simm.s32 @!p1 $0x0  }
0x14: {  	s2 =	sld [smem:$0x3F9C];
	s0 =	simm.s32 @p1 $0x1  }
0x15: {  	[smem:$0x3FB9] =	sst s0;
	s0 =	simm.s32 @!p2 $0x0  }
0x16: {  	s3 =	sld [smem:$0x3FDB];
	s0 =	simm.s32 @p2 $0x1  }
0x17: {  	s4 =	simm.s32 $0x1BF5;
	[smem:$0x3FBB] =	sst s0  }
0x18: {  	s0 =	sld [smem:$0x3F9E];
	_ =	swait.ge [sflag:s4], $0x0  }
0x19: {  	s7 =	sld [smem:$0x3F9F]  }
0x1a: {  	s8 =	sadd.s32 $0xFFFFE003, lr  }
0x1b: {  	s9 =	sadd.s32 $0xFFFFFEF7, lr;
	s5 =	simm.s32 $0xFFFFFFFF;
	p2 =	slt.u32 s8, $0xFFFFF086  }
0x1c: {  	p1 =	slt.u32 s9, $0xF7A;
	s5 =	simm.s32 @!p2 $0x0  }
0x1d: {  	s5 =	simm.s32 @p1 $0x1;
	p0 =	seq.s32 s7, s2  }
0x1e: {  	s7 =	smul.u32 @!p0 $0xF7A, s2;
	p2 =	seq.s32 @!p0 s5, $0x0  }
0x1f: {  	s9 =	smul.u32 $0xF7A, s1;
	s8 =	simm.s32 @!p0 $0x1BF5;
	p2 =	por !p2, p0  }
0x20: {  	[sflag:s8] =	ssyncset.s32 @!p0 $0xFFFFF086;
	s6 =	sadd.s32 @!p0 s3, s7;
	s7 =	simm.s32 @!p0 $0x108  }
0x21: {  	s3 =	sadd.s32 s3, s9;
	s6 =	sadd.s32 @!p0 $0x88, s6;
	s7 =	simm.s32 @p2 $0x1082  }
0x22: {  	[simem:s7], [sflag:s8] =	dma.local @!p0 [hbm:s6], $0xF7A  }
0x23: {  	s9 =	sor.u32 $0xD0000000, s2;
	s6 =	simm.s32 $0x108;
	_ =	swait.ge @!p0 [sflag:s8], $0x0  }
0x24: {  	s3 =	sadd.s32 $0x88, s3;
	s6 =	simm.s32 @!p1 $0x1082;
	[sflag:s4] =	ssyncset.s32 $0xFFFFF086  }
0x25: {  	[simem:s6], [sflag:s4] =	dma.local [hbm:s3], $0xF7A  }
0x26: {  	[smem:$0x3F9F] =	sst s1;
	(tag) =	ssettag s2;
	_ =	strace s9  }
0x27: {  	s1 =	sld [smem:$0x3FAF]  }
0x28: {  	s2 =	sld [smem:$0x3FB0]  }
0x29: {  	s4 =	sld [smem:$0x3FB2]  }
0x2a: {  	p0 =	seq.s32 s5, $0x0;
	s5 =	sld [smem:$0x3FB3]  }
0x2b: {  	s6 =	sld [smem:$0x3FB4]  }
0x2c: {  	s7 =	sld [smem:$0x3FB5]  }
0x2d: {  	s3 =	simm.s32 $0x108;
	s8 =	sld [smem:$0x3FB6]  }
0x2e: {  	s3 =	simm.s32 @!p0 $0x1082;
	s9 =	sld [smem:$0x3FB7]  }
0x2f: {  	lr =	sadd.s32 s0, s3;
	s0 =	sld [smem:$0x3FAE]  }
0x30: {  	s3 =	sld [smem:$0x3FB1]  }
0x31: {  	[smem:$0x3FBA] =	sst s10  }
0x32: {  	s10 =	sld [smem:$0x3FB8];
	_ =	sdelay $0x3  }
0x33: {  	p0 =	seq.s32 s10, $0x1;
	s10 =	sld [smem:$0x3FBA];
	_ =	sdelay $0x3  }
0x34: {  	[smem:$0x3FBA] =	sst s10  }
0x35: {  	s10 =	sld [smem:$0x3FB9];
	_ =	sdelay $0x3  }
0x36: {  	p1 =	seq.s32 s10, $0x1;
	s10 =	sld [smem:$0x3FBA];
	_ =	sdelay $0x3  }
0x37: {  	[smem:$0x3FBA] =	sst s10  }
0x38: {  	s10 =	sld [smem:$0x3FBB]  }
0x39: {  	_ = 	snop;
	(pc) =	sbr.ind lr, $3  }
0x3a: {  	_ = 	snop  }
0x3b: {  	_ = 	snop  }
0x3c: {  	p2 =	seq.s32 s10, $0x1;
	s10 =	sld [smem:$0x3FBA]  }
0x3d: {  	_ =	shalt  }
0x3e: {  	_ =	shalt  }
0x3f: {  	_ =	shalt  }
0x40: {  	_ =	shalt  }
0x41: {  	_ =	shalt  }
0x42: {  	_ =	shalt  }
0x43: {  	_ =	shalt  }
0x44: {  	_ =	shalt  }
0x45: {  	_ =	shalt  }
0x46: {  	_ =	shalt  }
0x47: {  	_ =	shalt  }
0x48: {  	_ =	shalt  }
0x49: {  	_ =	shalt  }
0x4a: {  	_ =	shalt  }
0x4b: {  	_ =	shalt  }
0x4c: {  	_ =	shalt  }
0x4d: {  	_ =	shalt  }
0x4e: {  	_ =	shalt  }
0x4f: {  	_ =	shalt  }
0x50: {  	_ =	shalt  }
0x51: {  	_ =	shalt  }
0x52: {  	_ =	shalt  }
0x53: {  	_ =	shalt  }
0x54: {  	_ =	shalt  }
0x55: {  	_ =	shalt  }
0x56: {  	_ =	shalt  }
0x57: {  	_ =	shalt  }
0x58: {  	_ =	shalt  }
0x59: {  	_ =	shalt  }
0x5a: {  	_ =	shalt  }
0x5b: {  	_ =	shalt  }
0x5c: {  	_ =	shalt  }
0x5d: {  	_ =	shalt  }
0x5e: {  	_ =	shalt  }
0x5f: {  	_ =	shalt  }
0x60: {  	_ =	shalt  }
0x61: {  	_ =	shalt  }
0x62: {  	_ =	shalt  }
0x63: {  	_ =	shalt  }
0x64: {  	_ =	shalt  }
0x65: {  	_ =	shalt  }
0x66: {  	_ =	shalt  }
0x67: {  	_ =	shalt  }
0x68: {  	_ =	shalt  }
0x69: {  	_ =	shalt  }
0x6a: {  	_ =	shalt  }
0x6b: {  	_ =	shalt  }
0x6c: {  	_ =	shalt  }
0x6d: {  	_ =	shalt  }
0x6e: {  	_ =	shalt  }
0x6f: {  	_ =	shalt  }
0x70: {  	_ =	shalt  }
0x71: {  	_ =	shalt  }
0x72: {  	_ =	shalt  }
0x73: {  	_ =	shalt  }
0x74: {  	_ =	shalt  }
0x75: {  	_ =	shalt  }
0x76: {  	_ =	shalt  }
0x77: {  	_ =	shalt  }
0x78: {  	_ =	shalt  }
0x79: {  	_ =	shalt  }
0x7a: {  	_ =	shalt  }
0x7b: {  	_ =	shalt  }
0x7c: {  	_ =	shalt  }
0x7d: {  	_ =	shalt  }
0x7e: {  	_ =	shalt  }
0x7f: {  	_ =	shalt  }
0x80: {  	_ =	shalt  }
0x81: {  	_ =	shalt  }
0x82: {  	_ =	shalt  }
0x83: {  	_ =	shalt  }
0x84: {  	_ =	shalt  }
0x85: {  	_ =	shalt  }
0x86: {  	_ =	shalt  }
0x87: {  	_ =	shalt  }
.Lfunc_end0:
.L_simem_size_0:
called_computation_lowered:
.L_overlay_start_0:
0x88: {  	s2 =	sld [smem:$0x3FD9]  }
0x89: {  	s3 =	sld [smem:$0x3FFE];
	_ =	sdelay $0x1  }
0x8a: {  	s1 =	srdreg.scid  }
0x8b: {  	s0 =	sand.u32 $0x1, s1  }
0x8c: {  	s15 =	sshll.u32 s0, $0xA;
	s2 =	sadd.s32 s3, s2  }
0x8d: {  	s2 =	sadd.s32 s2, s15  }
0x8e: {  	[smem:$0x3FC6] =	sst s2  }
0x8f: {  	_ = 	snop  }
0x90: {  	s2 =	sld [smem:$0x3FD0];
	_ =	sdelay $0x2  }
0x91: {  	s4 =	simm.s32 $0xA;
	s5 =	simm.s32 $0x10;
	s16 =	sld [smem:$0x3FC8]  }
0x92: {  	[smem:s5], [sflag:s4] =	dma.local [hbm:s2], $0x1  }
0x93: {  	_ =	swait.eq [sflag:s4], $0x1  }
0x94: {  	[sflag:s4] =	ssyncset.done $0x0  }
0x95: {  	[sflag:s4] =	ssyncadd.s32 $0xFFFFFFFF  }
0x96: {  	s17 =	sld [smem:$0x10];
	(tm) =	ssettm $0x1  }
0x97: {  	s18 =	sld [smem:$0x3FFB];
	_ =	sdelay $0x3  }
0x98: {  	_ =	strace s18  }
0x99: {  	s4 =	sld [smem:$0x3FFC];
	_ =	sdelay $0x3  }
0x9a: {  	_ =	strace s4  }
0x9b: {  	s4 =	sld [smem:$0x3FFD];
	_ =	sdelay $0x3  }
0x9c: {  	_ =	strace s4  }
0x9d: {  	_ =	strace $0x8FFFFFFF  }
0x9e: {  	s19 =	sld [smem:$0x3FDB];
	_ =	sdelay $0x1  }
0x9f: {  	s20 =	simm.s32 $_scs_section_size  }
0xa0: {  	s6 =	simm.s32 $_size__tile_overlayer_lowered;
	s7 =	simm.s32 $_tile_overlayer_lowered  }
0xa1: {  	s23 =	simm.s32 $0x1BFF;
	s22 =	sshll.u32 s7, $0x1;
	s4 =	sadd.s32 s20, s19  }
0xa2: {  	s8 =	simm.s32 $0x0;
	s21 =	sshll.u32 s6, $0x1;
	s6 =	sadd.s32 s22, s4  }
0xa3: {  	[timem:s8], [sflag:s23] =	dma.local [hbm:s6], s21  }
0xa4: {  	_ =	swait.ge [sflag:s23], s21  }
0xa5: {  	s5 =	ssub.s32 $0x0, s21;
	[sflag:s23] =	ssyncset.done $0x0  }
0xa6: {  	[sflag:s23] =	ssyncadd.s32 s5;
	_ =	sdelay $0x1  }
0xa7: {  	s24 =	simm.s32 $0x1B8B  }
0xa8: {  	_ =	swait.ge [sflag:s24], $0x1  }
0xa9: {  	[sflag:s24] =	ssyncset.done $0x0  }
0xaa: {  	s25 =	simm.s32 $0x1B8E;
	[sflag:s24] =	ssyncadd.s32 $0xFFFFFFFF  }
0xab: {  	s26 =	simm.s32 $execute0_lowered;
	[smem:$0x3FD2] =	sst s25  }
0xac: {  	s5 =	sshll.u32 s26, $0x1;
	_ =	strace $0x80000046;
	[dreg:$0x1] =	wrdreg $0xFFFFFFFF  }
0xad: {  	s28 =	simm.s32 $_size_execute0_lowered;
	s4 =	sadd.s32 s4, s5;
	[dreg:$0x0] =	wrdreg $0x0  }
0xae: {  	s5 =	sshll.u32 s28, $0x1;
	[dreg:$0x2] =	wrdreg s4  }
0xaf: {  	[dreg:$0x3] =	wrdreg s5  }
0xb0: {  	[dreg:$0x4] =	wrdreg $0xC0  }
0xb1: {  	_ =	task [dreg:s8], $0x5FFFF  }
0xb2: {  	[dreg:$0x1] =	wrdreg $0xFFFFFFFF  }
0xb3: {  	[dreg:$0x0] =	wrdreg $0x60  }
0xb4: {  	[dreg:$0x2] =	wrdreg s16  }
0xb5: {  	[dreg:$0x3] =	wrdreg s17  }
0xb6: {  	[dreg:$0x4] =	wrdreg $0x9  }
0xb7: {  	_ =	task.clear_ibuf [dreg:s8], $0x5FFFF;
	_ =	strace $0x90000046  }
0xb8: {  	s29 =	simm.s32 $0x9;
	_ =	strace $0x80000048  }
0xb9: {  	_ =	swait.ge [sflag:s29], $0x1  }
0xba: {  	[sflag:s29] =	ssyncadd.s32 $0xFFFFFFFF  }
0xbb: {  	_ =	strace $0x90000048  }
0xbc: {  	_ =	sfence  }
0xbd: {  	s30 =	sld [smem:$0x0];
	_ =	sdelay $0x2  }
0xbe: {  	s31 =	sshll.u32 s1, $0xD;
	s1 =	sshrl.u32 s1, $0x2  }
0xbf: {  	s3 =	sand.u32 $0x4000, s31;
	s1 =	sadd.s32 s1, s30  }
0xc0: {  	s0 =	sor.u32 s3, s0;
	s1 =	sshll.u32 s1, $0x11  }
0xc1: {  	s0 =	sor.u32 s1, s0  }
0xc2: {  	s0 =	sadd.s32 $0x8F2B, s0  }
0xc3: {  	[sflag:s0] =	ssyncadd.remote.s32 $0x1  }
0xc4: {  	_ =	sfence.sel $0xFFFF  }
0xc5: {  	[dreg:$0x0] =	wrdreg $0xFFFFFFFF;
	(pc) =	sbr.abs _section_cstart, $3  }
0xc6: {  	[dreg:$0x1] =	wrdreg $0xFFFFFFFF  }
0xc7: {  	_ =	task.clear_ibuf [dreg:s8], $0x2FFFF;
	_ =	strace $0x9FFFFFFF  }
0xc8: {  	(tm) =	ssettm $0x7FFFFFFF  }
0xc9: {  	_ =	shalt  }
tec
execute0_lowered:
.L_overlay_start_1:
0x0: {  	(tag) =	ssettag $0x1  }
0x1: {  	s2 =	rddreg [dreg:$0x0];
	s0 =	srdreg.scid  }
0x2: {  	s5 =	rddreg [dreg:$0x1];
	s1 =	stileid.u32;
	s3 =	simm.s32 $0x0  }
0x3: {  	s9 =	simm.s32 $0x400;
	s10 =	simm.s32 $0x2;
	s11 =	simm.s32 $0x0  }
0x4: {  	s4 =	sand.u32 $0x1, s0;
	s0 =	rddreg [dreg:$0x2];
	s6 =	sshll.u32 s1, $0xF  }
0x5: {  	[smem:$0x7FF] =	sst s3;
	s7 =	sshll.u32 s4, $0xE;
	s8 =	ssub.s32 $0x2, s4  }
0x6: {  	_ =	strace $0x80000047;
	s4 =	sor.u32 s7, s6;
	s31 =	sshrl.u32 s8, $0x1  }
0x7: {  	v1 =	vlaneseq.u32;
	s7 =	sshrl.u32 s4, $0x3;
	s6 =	ssub.s32 s8, s31;
	s8 =	simm.s32 $0x1  }
0x8: {  	v0 =	vadd.s32 $0xADD083F4, v1;
	v1 =	vadd.s32 $0xB1A83721, v1;
	s5 =	sadd.s32 s5, s7;
	s6 =	smax.u32 s6, $0x1;
	s7 =	simm.s32 $0x100  }
.LBB2_1:
0x9: {  	s12 =	simm.s32 $0x0;
	s13 =	smov.u32 s4;
	s14 =	simm.s32 $0x0  }
.LBB2_2:
0xa: {  	v2 =	vadd.s32 s13, v0  }
0xb: {  	v3 =	vshrl.u32 v2, $0x13;
	v2 =	vshll.u32 v2, $0xD  }
0xc: {  	v4 =	vadd.s32 s13, v1;
	v2 =	vor.u32 v3, v2  }
0xd: {  	v2 =	vxor.u32 v4, v2  }
0xe: {  	v3 =	vshrl.u32 v2, $0x11;
	v5 =	vshll.u32 v2, $0xF  }
0xf: {  	v2 =	vadd.s32 v4, v2;
	v3 =	vor.u32 v3, v5  }
0x10: {  	v3 =	vxor.u32 v3, v2  }
0x11: {  	v4 =	vshrl.u32 v3, $0x6;
	v5 =	vshll.u32 v3, $0x1A  }
0x12: {  	v2 =	vadd.s32 v2, v3;
	v3 =	vor.u32 v4, v5  }
0x13: {  	v3 =	vxor.u32 v3, v2  }
0x14: {  	v4 =	vshrl.u32 v3, $0x1A;
	v5 =	vshll.u32 v3, $0x6  }
0x15: {  	v2 =	vadd.s32 v2, v3;
	v3 =	vor.u32 v4, v5  }
0x16: {  	v3 =	vxor.u32 v3, v2  }
0x17: {  	v3 =	vadd.s32 $0xB5D62B04, v3  }
0x18: {  	v2 =	vadd.s32 v3, v2;
	v4 =	vshrl.u32 v3, $0xF;
	v3 =	vshll.u32 v3, $0x11  }
0x19: {  	v2 =	vadd.s32 $0xADD083F4, v2;
	v3 =	vor.u32 v4, v3  }
0x1a: {  	v3 =	vxor.u32 v3, v2  }
0x1b: {  	v4 =	vshrl.u32 v3, $0x3;
	v5 =	vshll.u32 v3, $0x1D  }
0x1c: {  	v2 =	vadd.s32 v2, v3;
	v3 =	vor.u32 v4, v5  }
0x1d: {  	v3 =	vxor.u32 v3, v2  }
0x1e: {  	v4 =	vshrl.u32 v3, $0x10;
	v5 =	vshll.u32 v3, $0x10  }
0x1f: {  	v2 =	vadd.s32 v2, v3;
	v3 =	vor.u32 v4, v5  }
0x20: {  	v3 =	vxor.u32 v3, v2  }
0x21: {  	v4 =	vshrl.u32 v3, $0x8;
	v5 =	vshll.u32 v3, $0x18  }
0x22: {  	v2 =	vadd.s32 v2, v3;
	v3 =	vor.u32 v4, v5  }
0x23: {  	v3 =	vxor.u32 v3, v2  }
0x24: {  	v3 =	vadd.s32 $0x3D7B32F, v3  }
0x25: {  	v2 =	vadd.s32 v3, v2;
	v4 =	vshrl.u32 v3, $0x13;
	v3 =	vshll.u32 v3, $0xD  }
0x26: {  	v2 =	vadd.s32 $0xB5D62B03, v2;
	v3 =	vor.u32 v4, v3  }
0x27: {  	v3 =	vxor.u32 v3, v2  }
0x28: {  	v4 =	vshrl.u32 v3, $0x11;
	v5 =	vshll.u32 v3, $0xF  }
0x29: {  	s15 =	sand.u32 $0x3, s12;
	s19 =	sadd.s32 $0x10, s13;
	v3 =	vadd.s32 v2, v3;
	v4 =	vor.u32 v4, v5  }
0x2a: {  	s15 =	sshll.u32 s15, $0x8;
	v8 =	vadd.s32 s19, v0;
	v4 =	vxor.u32 v4, v3  }
0x2b: {  	v2 =	vmov s15;
	v6 =	vshrl.u32 v4, $0x6;
	v7 =	vshll.u32 v4, $0x1A  }
0x2c: {  	v5 =	vadd.s32 s19, v1;
	v3 =	vadd.s32 v3, v4;
	v4 =	vor.u32 v6, v7  }
0x2d: {  	v6 =	vshrl.u32 v8, $0x13;
	v7 =	vshll.u32 v8, $0xD;
	v4 =	vxor.u32 v4, v3  }
0x2e: {  	v6 =	vor.u32 v6, v7;
	v7 =	vshrl.u32 v4, $0x1A;
	v8 =	vshll.u32 v4, $0x6  }
0x2f: {  	v6 =	vxor.u32 v5, v6;
	v3 =	vadd.s32 v3, v4;
	v4 =	vor.u32 v7, v8  }
0x30: {  	v7 =	vshrl.u32 v6, $0x11;
	v8 =	vshll.u32 v6, $0xF;
	v4 =	vxor.u32 v4, v3  }
0x31: {  	v5 =	vadd.s32 v5, v6;
	v6 =	vor.u32 v7, v8;
	v4 =	vadd.s32 $0xADD083F7, v4  }
0x32: {  	p0 =	slt.u32 s14, $0x4;
	v3 =	vadd.s32 v4, v3;
	v7 =	vshrl.u32 v4, $0xF;
	v4 =	vshll.u32 v4, $0x11  }
0x33: {  	s16 =	simm.s32 @!p0 $0x1;
	v6 =	vxor.u32 v6, v5;
	v3 =	vadd.s32 $0x3D7B32D, v3;
	v4 =	vor.u32 v7, v4  }
0x34: {  	s18 =	simm.s32 $0x0;
	s17 =	simm.s32 $0x40;
	_ =	swait.ge @!p0 [sflag:s16], $0x100;
	v5 =	vadd.s32 v5, v6;
	v7 =	vshrl.u32 v6, $0x6;
	v4 =	vxor.u32 v4, v3  }
0x35: {  	s20 =	simm.s32 $0x80;
	[sflag:s16] =	ssyncset.done @!p0 $0x0;
	s15 =	sshll.u32 s14, $0x8;
	v6 =	vshll.u32 v6, $0x1A;
	v8 =	vshrl.u32 v4, $0x3;
	v9 =	vshll.u32 v4, $0x1D  }
0x36: {  	[sflag:s16] =	ssyncadd.s32 @!p0 $0xFFFFFF00;
	s16 =	sand.u32 $0x300, s15;
	s19 =	sadd.s32 $0x10, s19;
	v6 =	vor.u32 v7, v6;
	v3 =	vadd.s32 v3, v4;
	v4 =	vor.u32 v8, v9  }
.LBB2_3:
0x37: {  	v7 =	vadd.s32 s19, v1;
	p0 =	sne.s32 s20, $0x3C0;
	v6 =	vxor.u32 v6, v5;
	v4 =	vxor.u32 v4, v3  }
0x38: {  	v8 =	vshrl.u32 v6, $0x1A;
	v9 =	vshrl.u32 v4, $0x10;
	v10 =	vshll.u32 v4, $0x10  }
0x39: {  	v11 =	vshll.u32 v6, $0x6;
	v3 =	vadd.s32 v3, v4;
	v4 =	vor.u32 v9, v10  }
0x3a: {  	v5 =	vadd.s32 v5, v6;
	v6 =	vor.u32 v8, v11;
	v4 =	vxor.u32 v4, v3  }
0x3b: {  	v6 =	vxor.u32 v6, v5;
	v8 =	vshrl.u32 v4, $0x8;
	v9 =	vshll.u32 v4, $0x18  }
0x3c: {  	v6 =	vadd.s32 $0xB5D62B04, v6;
	v3 =	vadd.s32 v3, v4;
	v4 =	vor.u32 v8, v9  }
0x3d: {  	v5 =	vadd.s32 v6, v5;
	v8 =	vshrl.u32 v6, $0xF;
	v4 =	vxor.u32 v4, v3  }
0x3e: {  	v6 =	vshll.u32 v6, $0x11;
	v5 =	vadd.s32 $0xADD083F4, v5;
	v4 =	vadd.s32 $0xB5D62B07, v4  }
0x3f: {  	v3 =	vadd.s32 v4, v3;
	v9 =	vshrl.u32 v4, $0x13;
	v4 =	vshll.u32 v4, $0xD  }
0x40: {  	v6 =	vor.u32 v8, v6;
	v3 =	vadd.s32 $0xADD083F4, v3;
	v4 =	vor.u32 v9, v4  }
0x41: {  	v8 =	vadd.s32 s19, v0;
	v6 =	vxor.u32 v6, v5;
	v4 =	vxor.u32 v4, v3  }
0x42: {  	v9 =	vshrl.u32 v6, $0x3;
	v10 =	vshrl.u32 v4, $0x11;
	v11 =	vshll.u32 v4, $0xF  }
0x43: {  	v12 =	vshll.u32 v6, $0x1D;
	v3 =	vadd.s32 v3, v4;
	v4 =	vor.u32 v10, v11  }
0x44: {  	v5 =	vadd.s32 v5, v6;
	v6 =	vor.u32 v9, v12;
	v4 =	vxor.u32 v4, v3  }
0x45: {  	v6 =	vxor.u32 v6, v5;
	v9 =	vshrl.u32 v4, $0x6;
	v10 =	vshll.u32 v4, $0x1A  }
0x46: {  	v5 =	vadd.s32 v5, v6;
	v3 =	vadd.s32 v3, v4;
	v4 =	vor.u32 v9, v10  }
0x47: {  	v9 =	vshrl.u32 v6, $0x10;
	v6 =	vshll.u32 v6, $0x10;
	v4 =	vxor.u32 v4, v3  }
0x48: {  	v6 =	vor.u32 v9, v6;
	v9 =	vshrl.u32 v4, $0x1A;
	v10 =	vshll.u32 v4, $0x6  }
0x49: {  	v6 =	vxor.u32 v6, v5;
	v3 =	vadd.s32 v3, v4;
	v4 =	vor.u32 v9, v10  }
0x4a: {  	v9 =	vshrl.u32 v8, $0x13;
	v10 =	vshrl.u32 v6, $0x8;
	v4 =	vxor.u32 v4, v3  }
0x4b: {  	v11 =	vshll.u32 v6, $0x18;
	v3 =	vadd.s32 $0xB5D62B03, v3;
	v4 =	vadd.s32 $0x3D7B332, v4  }
0x4c: {  	v5 =	vadd.s32 v5, v6;
	v6 =	vor.u32 v10, v11;
	v3 =	vxor.u32 v3, v4  }
0x4d: {  	v6 =	vxor.u32 v6, v5;
	v4 =	vshll.u32 v8, $0xD;
	v8 =	vshrl.u32 v3, $0x6  }
0x4e: {  	v6 =	vadd.s32 $0x3D7B32F, v6;
	v4 =	vor.u32 v9, v4;
	v8 =	vcvt.s32.f32 v8  }
0x4f: {  	v5 =	vadd.s32 v6, v5;
	v9 =	vshrl.u32 v6, $0x13;
	v6 =	vshll.u32 v6, $0xD  }
0x50: {  	v5 =	vadd.s32 $0xB5D62B03, v5;
	v6 =	vor.u32 v9, v6;
	v8 =	vmul.f32 $6.399999980e-05, v8  }
0x51: {  	v4 =	vxor.u32 v7, v4;
	v6 =	vxor.u32 v6, v5  }
0x52: {  	v9 =	vshrl.u32 v6, $0x11;
	v10 =	vshll.u32 v6, $0xF;
	v8 =	vtrunc.f32 v8  }
0x53: {  	v5 =	vadd.s32 v5, v6;
	v6 =	vor.u32 v9, v10;
	v8 =	vcvt.f32.s32 v8  }
0x54: {  	v7 =	vadd.s32 v7, v4;
	v9 =	vshrl.u32 v4, $0x11;
	v6 =	vxor.u32 v6, v5  }
0x55: {  	v10 =	vshrl.u32 v6, $0x6;
	v11 =	vshll.u32 v6, $0x1A;
	v8 =	vmul.u32 $0xFFF0BDC0, v8  }
0x56: {  	v4 =	vshll.u32 v4, $0xF;
	v5 =	vadd.s32 v5, v6;
	v6 =	vor.u32 v10, v11  }
0x57: {  	v4 =	vor.u32 v9, v4;
	v6 =	vxor.u32 v6, v5;
	v3 =	vadd.s32 v3, v8  }
0x58: {  	v5 =	vadd.s32 v5, v6;
	vm0 =	vlt.s32 v3, $0x0;
	v8 =	vadd.s32 $0xF4240, v3  }
0x59: {  	v9 =	vshrl.u32 v6, $0x1A;
	v6 =	vshll.u32 v6, $0x6;
	v3 =	vsel vm0, v8, v3  }
0x5a: {  	v6 =	vor.u32 v9, v6;
	vm0 =	vgt.s32 v3, $0xF423F;
	v8 =	vadd.s32 $0xFFF0BDC0, v3  }
0x5b: {  	v4 =	vxor.u32 v4, v7;
	v6 =	vxor.u32 v6, v5;
	v3 =	vsel vm0, v8, v3  }
0x5c: {  	v6 =	vadd.s32 $0xADD083F7, v6;
	vm0 =	vlt.s32 v3, $0x0;
	v8 =	vadd.s32 $0xF4240, v3  }
0x5d: {  	v5 =	vadd.s32 v6, v5;
	v9 =	vshrl.u32 v6, $0xF;
	v3 =	vsel vm0, v8, v3  }
.Ltmp0:
0x5e: {  	v6 =	vshll.u32 v6, $0x11;
	vm0 =	vgt.s32 v3, $0xF423F;
	v8 =	vadd.s32 $0xFFF0BDC0, v3;
	(pc) =	sbr.rel @p0 .LBB2_3-.Ltmp0, $4  }
0x5f: {  	s21 =	sshra.s32 s18, $0x2;
	s18 =	smov.u32 s17;
	s17 =	smov.u32 s20;
	v10 =	vadd.s32 $0x3D7B32D, v5;
	v6 =	vor.u32 v9, v6;
	v3 =	vsel vm0, v8, v3  }
0x60: {  	v5 =	vadd.s32 v7, v4;
	v7 =	vshrl.u32 v4, $0x6;
	v8 =	vxor.u32 v6, v10;
	[tilespmem:v2+s21+$0x0 ss:$0x1] =	vst.idx.msk $0xffff, v3  }
0x61: {  	v3 =	vshll.u32 v4, $0x1A;
	v4 =	vshrl.u32 v8, $0x3;
	v9 =	vshll.u32 v8, $0x1D  }
0x62: {  	s20 =	sadd.s32 $0x40, s20;
	s19 =	sadd.s32 $0x10, s19;
	v6 =	vor.u32 v7, v3;
	v3 =	vadd.s32 v10, v8;
	v4 =	vor.u32 v4, v9  }
0x63: {  	v6 =	vxor.u32 v6, v5  }
0x64: {  	v7 =	vshrl.u32 v6, $0x1A;
	v8 =	vshll.u32 v6, $0x6  }
0x65: {  	v5 =	vadd.s32 v5, v6;
	v54 =	vor.u32 v7, v8  }
0x66: {  	v6 =	vxor.u32 v54, v5  }
0x67: {  	v6 =	vadd.s32 $0xB5D62B04, v6  }
0x68: {  	v5 =	vadd.s32 v6, v5;
	v55 =	vshrl.u32 v6, $0xF;
	v6 =	vshll.u32 v6, $0x11  }
0x69: {  	v5 =	vadd.s32 $0xADD083F4, v5;
	v6 =	vor.u32 v55, v6  }
0x6a: {  	v6 =	vxor.u32 v6, v5  }
0x6b: {  	v56 =	vshrl.u32 v6, $0x3;
	v57 =	vshll.u32 v6, $0x1D  }
0x6c: {  	v5 =	vadd.s32 v5, v6;
	v58 =	vor.u32 v56, v57  }
0x6d: {  	v6 =	vxor.u32 v58, v5  }
0x6e: {  	v59 =	vshrl.u32 v6, $0x10;
	v60 =	vshll.u32 v6, $0x10  }
0x6f: {  	v5 =	vadd.s32 v5, v6;
	v61 =	vor.u32 v59, v60  }
0x70: {  	v6 =	vxor.u32 v61, v5  }
0x71: {  	v62 =	vshrl.u32 v6, $0x8;
	v63 =	vshll.u32 v6, $0x18  }
0x72: {  	v5 =	vadd.s32 v5, v6;
	v10 =	vor.u32 v62, v63  }
0x73: {  	v6 =	vxor.u32 v10, v5  }
0x74: {  	v6 =	vadd.s32 $0x3D7B32F, v6  }
0x75: {  	v5 =	vadd.s32 v6, v5;
	v11 =	vshrl.u32 v6, $0x13;
	v6 =	vshll.u32 v6, $0xD  }
0x76: {  	v5 =	vadd.s32 $0xB5D62B03, v5;
	v6 =	vor.u32 v11, v6  }
0x77: {  	v6 =	vxor.u32 v6, v5  }
0x78: {  	v12 =	vshrl.u32 v6, $0x11;
	v13 =	vshll.u32 v6, $0xF  }
0x79: {  	v5 =	vadd.s32 v5, v6;
	v14 =	vor.u32 v12, v13  }
0x7a: {  	v6 =	vxor.u32 v14, v5  }
0x7b: {  	v15 =	vshrl.u32 v6, $0x6;
	v16 =	vshll.u32 v6, $0x1A  }
0x7c: {  	v5 =	vadd.s32 v5, v6;
	v17 =	vor.u32 v15, v16  }
0x7d: {  	v4 =	vxor.u32 v4, v3;
	v6 =	vxor.u32 v17, v5  }
0x7e: {  	v18 =	vshrl.u32 v4, $0x10;
	v19 =	vshrl.u32 v6, $0x1A;
	v9 =	vshll.u32 v6, $0x6  }
0x7f: {  	v10 =	vshll.u32 v4, $0x10;
	v5 =	vadd.s32 v5, v6;
	v20 =	vor.u32 v19, v9  }
0x80: {  	v3 =	vadd.s32 v3, v4;
	v21 =	vor.u32 v18, v10;
	v6 =	vxor.u32 v20, v5  }
0x81: {  	v4 =	vxor.u32 v21, v3;
	v6 =	vadd.s32 $0xADD083F7, v6  }
0x82: {  	v5 =	vadd.s32 v6, v5;
	v22 =	vshrl.u32 v6, $0xF;
	v6 =	vshll.u32 v6, $0x11  }
0x83: {  	v23 =	vshrl.u32 v4, $0x8;
	v5 =	vadd.s32 $0x3D7B32D, v5;
	v6 =	vor.u32 v22, v6  }
0x84: {  	v24 =	vshll.u32 v4, $0x18;
	v3 =	vadd.s32 v3, v4;
	v25 =	vxor.u32 v6, v5  }
0x85: {  	v26 =	vor.u32 v23, v24;
	v27 =	vshrl.u32 v25, $0x3;
	v28 =	vshll.u32 v25, $0x1D  }
0x86: {  	v6 =	vxor.u32 v26, v3;
	v4 =	vadd.s32 v5, v25;
	v29 =	vor.u32 v27, v28  }
0x87: {  	v6 =	vadd.s32 $0xB5D62B07, v6;
	v5 =	vxor.u32 v29, v4  }
0x88: {  	v3 =	vadd.s32 v6, v3;
	v30 =	vshrl.u32 v5, $0x10;
	v31 =	vshll.u32 v5, $0x10  }
0x89: {  	v32 =	vshrl.u32 v6, $0x13;
	v4 =	vadd.s32 v4, v5;
	v33 =	vor.u32 v30, v31  }
0x8a: {  	v6 =	vshll.u32 v6, $0xD;
	v3 =	vadd.s32 $0xADD083F4, v3;
	v5 =	vxor.u32 v33, v4  }
0x8b: {  	v6 =	vor.u32 v32, v6;
	v34 =	vshrl.u32 v5, $0x8;
	v35 =	vshll.u32 v5, $0x18  }
0x8c: {  	v6 =	vxor.u32 v6, v3;
	v4 =	vadd.s32 v4, v5;
	v36 =	vor.u32 v34, v35  }
0x8d: {  	v37 =	vshrl.u32 v6, $0x11;
	v5 =	vxor.u32 v36, v4  }
0x8e: {  	v38 =	vshll.u32 v6, $0xF;
	v3 =	vadd.s32 v3, v6;
	v5 =	vadd.s32 $0xB5D62B07, v5  }
0x8f: {  	v4 =	vadd.s32 v5, v4;
	v39 =	vshrl.u32 v5, $0x13;
	v5 =	vshll.u32 v5, $0xD  }
0x90: {  	v7 =	vor.u32 v37, v38;
	v4 =	vadd.s32 $0xADD083F4, v4;
	v5 =	vor.u32 v39, v5  }
0x91: {  	v40 =	vxor.u32 v7, v3;
	v5 =	vxor.u32 v5, v4  }
0x92: {  	v7 =	vshrl.u32 v40, $0x6;
	v41 =	vshrl.u32 v5, $0x11;
	v42 =	vshll.u32 v5, $0xF  }
0x93: {  	v43 =	vshll.u32 v40, $0x1A;
	v4 =	vadd.s32 v4, v5;
	v44 =	vor.u32 v41, v42  }
0x94: {  	v3 =	vadd.s32 v3, v40;
	v45 =	vor.u32 v7, v43;
	v5 =	vxor.u32 v44, v4  }
0x95: {  	v6 =	vxor.u32 v45, v3;
	v46 =	vshrl.u32 v5, $0x6;
	v47 =	vshll.u32 v5, $0x1A  }
0x96: {  	v48 =	vshrl.u32 v6, $0x1A;
	v4 =	vadd.s32 v4, v5;
	v49 =	vor.u32 v46, v47  }
0x97: {  	v50 =	vshll.u32 v6, $0x6;
	v3 =	vadd.s32 v3, v6;
	v5 =	vxor.u32 v49, v4  }
0x98: {  	v51 =	vor.u32 v48, v50;
	v52 =	vshrl.u32 v5, $0x1A;
	v53 =	vshll.u32 v5, $0x6  }
0x99: {  	v6 =	vxor.u32 v51, v3;
	v4 =	vadd.s32 v4, v5;
	v54 =	vor.u32 v52, v53  }
0x9a: {  	v3 =	vadd.s32 $0xB5D62B03, v3;
	v6 =	vadd.s32 $0x3D7B332, v6;
	v5 =	vxor.u32 v54, v4  }
0x9b: {  	v3 =	vxor.u32 v3, v6;
	v4 =	vadd.s32 $0xB5D62B03, v4;
	v5 =	vadd.s32 $0x3D7B332, v5  }
0x9c: {  	v6 =	vshrl.u32 v3, $0x6;
	v4 =	vxor.u32 v4, v5  }
0x9d: {  	v55 =	vcvt.s32.f32 v6;
	v56 =	vshrl.u32 v4, $0x6  }
0x9e: {  	v6 =	vcvt.s32.f32 v56  }
0x9f: {  	v5 =	vmul.f32 $6.399999980e-05, v55  }
0xa0: {  	v6 =	vmul.f32 $6.399999980e-05, v6  }
0xa1: {  	v5 =	vtrunc.f32 v5  }
0xa2: {  	v5 =	vcvt.f32.s32 v5;
	v6 =	vtrunc.f32 v6  }
0xa3: {  	v6 =	vcvt.f32.s32 v6  }
0xa4: {  	v5 =	vmul.u32 $0xFFF0BDC0, v5  }
0xa5: {  	v6 =	vmul.u32 $0xFFF0BDC0, v6  }
0xa6: {  	v3 =	vadd.s32 v3, v5  }
0xa7: {  	vm0 =	vlt.s32 v3, $0x0;
	v5 =	vadd.s32 $0xF4240, v3;
	v4 =	vadd.s32 v4, v6  }
0xa8: {  	v3 =	vsel vm0, v5, v3;
	vm9 =	vlt.s32 v4, $0x0;
	v57 =	vadd.s32 $0xF4240, v4  }
0xa9: {  	vm10 =	vgt.s32 v3, $0xF423F;
	v58 =	vadd.s32 $0xFFF0BDC0, v3;
	v4 =	vsel vm9, v57, v4  }
0xaa: {  	v3 =	vsel vm10, v58, v3;
	vm11 =	vgt.s32 v4, $0xF423F;
	v59 =	vadd.s32 $0xFFF0BDC0, v4  }
0xab: {  	s14 =	sadd.s32 $0x1, s14;
	vm12 =	vlt.s32 v3, $0x0;
	v60 =	vadd.s32 $0xF4240, v3;
	v4 =	vsel vm11, v59, v4  }
0xac: {  	p0 =	sne.s32 s14, $0x40;
	v3 =	vsel vm12, v60, v3;
	vm13 =	vlt.s32 v4, $0x0;
	v61 =	vadd.s32 $0xF4240, v4  }
.Ltmp1:
0xad: {  	vm14 =	vgt.s32 v3, $0xF423F;
	v62 =	vadd.s32 $0xFFF0BDC0, v3;
	v4 =	vsel vm13, v61, v4;
	(pc) =	sbr.rel @p0 .LBB2_2-.Ltmp1, $4  }
0xae: {  	s18 =	sshra.s32 s18, $0x2;
	v3 =	vsel vm14, v62, v3;
	vm15 =	vgt.s32 v4, $0xF423F;
	v63 =	vadd.s32 $0xFFF0BDC0, v4  }
0xaf: {  	s17 =	sshra.s32 s17, $0x2;
	s15 =	sand.u32 $0x3FFFFF00, s15;
	[tilespmem:v2+s18+$0x0 ss:$0x1] =	vst.idx.msk $0xffff, v3;
	v3 =	vsel vm15, v63, v4  }
0xb0: {  	s13 =	sadd.s32 $0x100, s13;
	s12 =	sadd.s32 $0x1, s12;
	s15 =	sadd.s32 $0x400, s15;
	[tilespmem:v2+s17+$0x0 ss:$0x1] =	vst.idx.msk $0xffff, v3  }
0xb1: {  	[tilespmem:s15], [sflag:$0x1] =	stream.indirect.gather [hbm4b:s2+s7], $0x1, s16, s7, $0xb8;
	[tilespmem:$0x4400] =	vst v63  }
0xb2: {  	_ =	swait.ge [sflag:s8], $0x100  }
0xb3: {  	[sflag:s8] =	ssyncset.done $0x0  }
0xb4: {  	[sflag:s8] =	ssyncadd.s32 $0xFFFFFF00  }
0xb5: {  	_ =	swait.ge [sflag:s8], $0x100  }
0xb6: {  	[sflag:s8] =	ssyncset.done $0x0  }
0xb7: {  	[sflag:s8] =	ssyncadd.s32 $0xFFFFFF00  }
0xb8: {  	_ =	swait.ge [sflag:s8], $0x100  }
0xb9: {  	[sflag:s8] =	ssyncset.done $0x0  }
0xba: {  	[sflag:s8] =	ssyncadd.s32 $0xFFFFFF00  }
0xbb: {  	s11 =	sadd.s32 $0x1, s11;
	_ =	swait.ge [sflag:s8], $0x100  }
0xbc: {  	p0 =	sne.s32 s11, s6;
	[sflag:s8] =	ssyncset.done $0x0  }
.Ltmp2:
0xbd: {  	[sflag:s8] =	ssyncadd.s32 $0xFFFFFF00;
	(pc) =	sbr.rel @p0 .LBB2_1-.Ltmp2, $4  }
0xbe: {  	[hbm4b:s5+s3] =	stream.linear.scatter [tilespmem:s9], [sflag:$0x2], $0x4000, $0x38;
	[tilespmem:$0x4400] =	vst v63  }
0xbf: {  	_ =	swait.ge [sflag:s10], $0x4000  }
0xc0: {  	[sflag:s10] =	ssyncset.done $0x0  }
0xc1: {  	[sflag:s10] =	ssyncadd.s32 $0xFFFFC000  }
0xc2: {  	_ =	sfence.sel $0x180000  }
0xc3: {  	[bflag:$0x0] =	sbarrier.arrive $0xFFFF  }
0xc4: {  	p0 =	sne.s32 s1, $0x0;
	_ =	strace $0x90000047  }
0xc5: {  	s0 =	sadd.s32 @!p0 $0x100000, s0;
	[bflag:$0x2] =	sbarrier.arrive $0xFFFF  }
0xc6: {  	[sflag:s0] =	ssyncadd.tile.s32 @!p0 $0x1;
	_ =	shalt  }
.Lfunc_end2:
_tile_overlayer_lowered:
.L_overlay_start_2:
0xc7: {  	(tag) =	ssettag $0x2  }
0xc8: {  	s0 =	rddreg [dreg:$0x0];
	s2 =	stileid.u32  }
0xc9: {  	s1 =	rddreg [dreg:$0x1];
	p0 =	sne.s32 s2, $0x0  }
0xca: {  	s3 =	rddreg [dreg:$0x2];
	[bflag:$0x3] =	sbarrier.arrive $0xFFFF;
	s2 =	simm.s32 @!p0 $0x1C02  }
0xcb: {  	[timem:s3], [sflag:s2] =	dma.local @!p0 [hbm:s0], s1  }
0xcc: {  	s0 =	simm.s32 @!p0 $0x2  }
0xcd: {  	_ =	swait.ge @!p0 [sflag:s0], s1  }
0xce: {  	s1 =	ssub.s32 @!p0 $0x0, s1;
	[sflag:s0] =	ssyncset.done @!p0 $0x0  }
0xcf: {  	[sflag:s0] =	ssyncadd.s32 @!p0 s1  }
0xd0: {  	[bflag:$0x3] =	sbarrier.arrive $0xFFFF  }
0xd1: {  	_ =	shalt  }

// kernel: kernel.7.cloned.1.call-start
scs
__scs_entry_jumppad:
0x0: {  	(pc) =	sbr.rel $0x88, $3  }
0x1: {  	(tag) =	ssettag $0x0;
	lr =	simm.s32 $0x1  }
0x2: {  	[smem:$0x3F9F] =	sst lr;
	_ =	strace $0xD0000000  }
0x3: {  	_ = 	snop  }
0x4: {  	_ = 	snop  }
0x5: {  	_ = 	snop  }
0x6: {  	_ = 	snop  }
0x7: {  	_ = 	snop  }
__scs_overlays_trampoline_lowered:
0x8: {  	[smem:$0x3FAE] =	sst s0  }
0x9: {  	[smem:$0x3FAF] =	sst s1  }
0xa: {  	[smem:$0x3FB0] =	sst s2  }
0xb: {  	[smem:$0x3FB1] =	sst s3  }
0xc: {  	[smem:$0x3FB2] =	sst s4  }
0xd: {  	[smem:$0x3FB3] =	sst s5  }
0xe: {  	[smem:$0x3FB4] =	sst s6  }
0xf: {  	[smem:$0x3FB5] =	sst s7  }
0x10: {  	[smem:$0x3FB6] =	sst s8  }
0x11: {  	[smem:$0x3FB7] =	sst s9;
	s0 =	simm.s32 @!p0 $0x0  }
0x12: {  	s1 =	sld [smem:$0x3F9D];
	s0 =	simm.s32 @p0 $0x1  }
0x13: {  	[smem:$0x3FB8] =	sst s0;
	s0 =	simm.s32 @!p1 $0x0  }
0x14: {  	s2 =	sld [smem:$0x3F9C];
	s0 =	simm.s32 @p1 $0x1  }
0x15: {  	[smem:$0x3FB9] =	sst s0;
	s0 =	simm.s32 @!p2 $0x0  }
0x16: {  	s3 =	sld [smem:$0x3FDB];
	s0 =	simm.s32 @p2 $0x1  }
0x17: {  	s4 =	simm.s32 $0x1BF5;
	[smem:$0x3FBB] =	sst s0  }
0x18: {  	s0 =	sld [smem:$0x3F9E];
	_ =	swait.ge [sflag:s4], $0x0  }
0x19: {  	s7 =	sld [smem:$0x3F9F]  }
0x1a: {  	s8 =	sadd.s32 $0xFFFFE003, lr  }
0x1b: {  	s9 =	sadd.s32 $0xFFFFFEF7, lr;
	s5 =	simm.s32 $0xFFFFFFFF;
	p2 =	slt.u32 s8, $0xFFFFF086  }
0x1c: {  	p1 =	slt.u32 s9, $0xF7A;
	s5 =	simm.s32 @!p2 $0x0  }
0x1d: {  	s5 =	simm.s32 @p1 $0x1;
	p0 =	seq.s32 s7, s2  }
0x1e: {  	s7 =	smul.u32 @!p0 $0xF7A, s2;
	p2 =	seq.s32 @!p0 s5, $0x0  }
0x1f: {  	s9 =	smul.u32 $0xF7A, s1;
	s8 =	simm.s32 @!p0 $0x1BF5;
	p2 =	por !p2, p0  }
0x20: {  	[sflag:s8] =	ssyncset.s32 @!p0 $0xFFFFF086;
	s6 =	sadd.s32 @!p0 s3, s7;
	s7 =	simm.s32 @!p0 $0x108  }
0x21: {  	s3 =	sadd.s32 s3, s9;
	s6 =	sadd.s32 @!p0 $0x88, s6;
	s7 =	simm.s32 @p2 $0x1082  }
0x22: {  	[simem:s7], [sflag:s8] =	dma.local @!p0 [hbm:s6], $0xF7A  }
0x23: {  	s9 =	sor.u32 $0xD0000000, s2;
	s6 =	simm.s32 $0x108;
	_ =	swait.ge @!p0 [sflag:s8], $0x0  }
0x24: {  	s3 =	sadd.s32 $0x88, s3;
	s6 =	simm.s32 @!p1 $0x1082;
	[sflag:s4] =	ssyncset.s32 $0xFFFFF086  }
0x25: {  	[simem:s6], [sflag:s4] =	dma.local [hbm:s3], $0xF7A  }
0x26: {  	[smem:$0x3F9F] =	sst s1;
	(tag) =	ssettag s2;
	_ =	strace s9  }
0x27: {  	s1 =	sld [smem:$0x3FAF]  }
0x28: {  	s2 =	sld [smem:$0x3FB0]  }
0x29: {  	s4 =	sld [smem:$0x3FB2]  }
0x2a: {  	p0 =	seq.s32 s5, $0x0;
	s5 =	sld [smem:$0x3FB3]  }
0x2b: {  	s6 =	sld [smem:$0x3FB4]  }
0x2c: {  	s7 =	sld [smem:$0x3FB5]  }
0x2d: {  	s3 =	simm.s32 $0x108;
	s8 =	sld [smem:$0x3FB6]  }
0x2e: {  	s3 =	simm.s32 @!p0 $0x1082;
	s9 =	sld [smem:$0x3FB7]  }
0x2f: {  	lr =	sadd.s32 s0, s3;
	s0 =	sld [smem:$0x3FAE]  }
0x30: {  	s3 =	sld [smem:$0x3FB1]  }
0x31: {  	[smem:$0x3FBA] =	sst s10  }
0x32: {  	s10 =	sld [smem:$0x3FB8];
	_ =	sdelay $0x3  }
0x33: {  	p0 =	seq.s32 s10, $0x1;
	s10 =	sld [smem:$0x3FBA];
	_ =	sdelay $0x3  }
0x34: {  	[smem:$0x3FBA] =	sst s10  }
0x35: {  	s10 =	sld [smem:$0x3FB9];
	_ =	sdelay $0x3  }
0x36: {  	p1 =	seq.s32 s10, $0x1;
	s10 =	sld [smem:$0x3FBA];
	_ =	sdelay $0x3  }
0x37: {  	[smem:$0x3FBA] =	sst s10  }
0x38: {  	s10 =	sld [smem:$0x3FBB]  }
0x39: {  	_ = 	snop;
	(pc) =	sbr.ind lr, $3  }
0x3a: {  	_ = 	snop  }
0x3b: {  	_ = 	snop  }
0x3c: {  	p2 =	seq.s32 s10, $0x1;
	s10 =	sld [smem:$0x3FBA]  }
0x3d: {  	_ =	shalt  }
0x3e: {  	_ =	shalt  }
0x3f: {  	_ =	shalt  }
0x40: {  	_ =	shalt  }
0x41: {  	_ =	shalt  }
0x42: {  	_ =	shalt  }
0x43: {  	_ =	shalt  }
0x44: {  	_ =	shalt  }
0x45: {  	_ =	shalt  }
0x46: {  	_ =	shalt  }
0x47: {  	_ =	shalt  }
0x48: {  	_ =	shalt  }
0x49: {  	_ =	shalt  }
0x4a: {  	_ =	shalt  }
0x4b: {  	_ =	shalt  }
0x4c: {  	_ =	shalt  }
0x4d: {  	_ =	shalt  }
0x4e: {  	_ =	shalt  }
0x4f: {  	_ =	shalt  }
0x50: {  	_ =	shalt  }
0x51: {  	_ =	shalt  }
0x52: {  	_ =	shalt  }
0x53: {  	_ =	shalt  }
0x54: {  	_ =	shalt  }
0x55: {  	_ =	shalt  }
0x56: {  	_ =	shalt  }
0x57: {  	_ =	shalt  }
0x58: {  	_ =	shalt  }
0x59: {  	_ =	shalt  }
0x5a: {  	_ =	shalt  }
0x5b: {  	_ =	shalt  }
0x5c: {  	_ =	shalt  }
0x5d: {  	_ =	shalt  }
0x5e: {  	_ =	shalt  }
0x5f: {  	_ =	shalt  }
0x60: {  	_ =	shalt  }
0x61: {  	_ =	shalt  }
0x62: {  	_ =	shalt  }
0x63: {  	_ =	shalt  }
0x64: {  	_ =	shalt  }
0x65: {  	_ =	shalt  }
0x66: {  	_ =	shalt  }
0x67: {  	_ =	shalt  }
0x68: {  	_ =	shalt  }
0x69: {  	_ =	shalt  }
0x6a: {  	_ =	shalt  }
0x6b: {  	_ =	shalt  }
0x6c: {  	_ =	shalt  }
0x6d: {  	_ =	shalt  }
0x6e: {  	_ =	shalt  }
0x6f: {  	_ =	shalt  }
0x70: {  	_ =	shalt  }
0x71: {  	_ =	shalt  }
0x72: {  	_ =	shalt  }
0x73: {  	_ =	shalt  }
0x74: {  	_ =	shalt  }
0x75: {  	_ =	shalt  }
0x76: {  	_ =	shalt  }
0x77: {  	_ =	shalt  }
0x78: {  	_ =	shalt  }
0x79: {  	_ =	shalt  }
0x7a: {  	_ =	shalt  }
0x7b: {  	_ =	shalt  }
0x7c: {  	_ =	shalt  }
0x7d: {  	_ =	shalt  }
0x7e: {  	_ =	shalt  }
0x7f: {  	_ =	shalt  }
0x80: {  	_ =	shalt  }
0x81: {  	_ =	shalt  }
0x82: {  	_ =	shalt  }
0x83: {  	_ =	shalt  }
0x84: {  	_ =	shalt  }
0x85: {  	_ =	shalt  }
0x86: {  	_ =	shalt  }
0x87: {  	_ =	shalt  }
.Lfunc_end0:
.L_simem_size_0:
called_computation.1_lowered:
.L_overlay_start_0:
0x88: {  	s2 =	sld [smem:$0x3FD9]  }
0x89: {  	s3 =	sld [smem:$0x3FFE];
	_ =	sdelay $0x1  }
0x8a: {  	s1 =	srdreg.scid  }
0x8b: {  	s0 =	sand.u32 $0x1, s1  }
0x8c: {  	s14 =	sshll.u32 s0, $0xA;
	s2 =	sadd.s32 s3, s2  }
0x8d: {  	s2 =	sadd.s32 s2, s14  }
0x8e: {  	[smem:$0x3FC6] =	sst s2  }
0x8f: {  	_ = 	snop  }
0x90: {  	s2 =	sld [smem:$0x3FD0];
	_ =	sdelay $0x2  }
0x91: {  	s15 =	simm.s32 $0xA;
	s4 =	simm.s32 $0x10  }
0x92: {  	[smem:s4], [sflag:s15] =	dma.local [hbm:s2], $0x1  }
0x93: {  	_ =	swait.eq [sflag:s15], $0x1  }
0x94: {  	[sflag:s15] =	ssyncset.done $0x0  }
0x95: {  	s16 =	sld [smem:$0x10];
	[sflag:s15] =	ssyncadd.s32 $0xFFFFFFFF  }
0x96: {  	s17 =	sld [smem:$0x11];
	(tm) =	ssettm $0x1  }
0x97: {  	s18 =	sld [smem:$0x3FFB];
	_ =	sdelay $0x3  }
0x98: {  	_ =	strace s18  }
0x99: {  	s4 =	sld [smem:$0x3FFC];
	_ =	sdelay $0x3  }
0x9a: {  	_ =	strace s4  }
0x9b: {  	s4 =	sld [smem:$0x3FFD];
	_ =	sdelay $0x3  }
0x9c: {  	_ =	strace s4  }
0x9d: {  	_ =	strace $0x8FFFFFFF  }
0x9e: {  	s19 =	sld [smem:$0x3FDB];
	_ =	sdelay $0x1  }
0x9f: {  	s5 =	simm.s32 $_scs_section_size  }
0xa0: {  	s6 =	simm.s32 $_size__tile_overlayer_lowered;
	s7 =	simm.s32 $_tile_overlayer_lowered  }
0xa1: {  	s22 =	simm.s32 $0x1BFF;
	s21 =	sshll.u32 s7, $0x1;
	s4 =	sadd.s32 s5, s19  }
0xa2: {  	s8 =	simm.s32 $0x0;
	s20 =	sshll.u32 s6, $0x1;
	s6 =	sadd.s32 s21, s4  }
0xa3: {  	[timem:s8], [sflag:s22] =	dma.local [hbm:s6], s20  }
0xa4: {  	_ =	swait.ge [sflag:s22], s20  }
0xa5: {  	s5 =	ssub.s32 $0x0, s20;
	[sflag:s22] =	ssyncset.done $0x0  }
0xa6: {  	[sflag:s22] =	ssyncadd.s32 s5;
	_ =	sdelay $0x1  }
0xa7: {  	s23 =	simm.s32 $0x1B8B  }
0xa8: {  	_ =	swait.ge [sflag:s23], $0x1  }
0xa9: {  	[sflag:s23] =	ssyncset.done $0x0  }
0xaa: {  	s25 =	simm.s32 $0x1B8E;
	s24 =	sld [smem:$0x3FFE];
	[sflag:s23] =	ssyncadd.s32 $0xFFFFFFFF  }
0xab: {  	s26 =	simm.s32 $execute0_lowered;
	[smem:$0x3FD2] =	sst s25  }
0xac: {  	s6 =	sshll.u32 s26, $0x1;
	_ =	strace $0x80000049;
	[dreg:$0x1] =	wrdreg $0xFFFFFFFF  }
0xad: {  	s28 =	simm.s32 $_size_execute0_lowered;
	s4 =	sadd.s32 s4, s6;
	[dreg:$0x0] =	wrdreg $0x0  }
0xae: {  	s6 =	sshll.u32 s28, $0x1;
	[dreg:$0x2] =	wrdreg s4  }
0xaf: {  	[dreg:$0x3] =	wrdreg s6  }
0xb0: {  	[dreg:$0x4] =	wrdreg $0xC0  }
0xb1: {  	_ =	task [dreg:s8], $0x5FFFF  }
0xb2: {  	[dreg:$0x1] =	wrdreg $0xFFFFFFFF  }
0xb3: {  	[dreg:$0x0] =	wrdreg $0x60  }
0xb4: {  	[dreg:$0x2] =	wrdreg s16  }
0xb5: {  	[dreg:$0x3] =	wrdreg s24  }
0xb6: {  	[dreg:$0x4] =	wrdreg s17  }
0xb7: {  	[dreg:$0x5] =	wrdreg $0x9  }
0xb8: {  	_ =	task.clear_ibuf [dreg:s8], $0x6FFFF;
	_ =	strace $0x90000049  }
0xb9: {  	s29 =	simm.s32 $0x9;
	_ =	strace $0x8000004B  }
0xba: {  	_ =	swait.ge [sflag:s29], $0x1  }
0xbb: {  	[sflag:s29] =	ssyncadd.s32 $0xFFFFFFFF  }
0xbc: {  	_ =	strace $0x9000004B  }
0xbd: {  	_ =	sfence  }
0xbe: {  	s30 =	sld [smem:$0x0];
	_ =	sdelay $0x2  }
0xbf: {  	s31 =	sshll.u32 s1, $0xD;
	s1 =	sshrl.u32 s1, $0x2  }
0xc0: {  	s3 =	sand.u32 $0x4000, s31;
	s1 =	sadd.s32 s1, s30  }
0xc1: {  	s0 =	sor.u32 s3, s0;
	s1 =	sshll.u32 s1, $0x11  }
0xc2: {  	s0 =	sor.u32 s1, s0  }
0xc3: {  	s0 =	sadd.s32 $0x8F2B, s0  }
0xc4: {  	[sflag:s0] =	ssyncadd.remote.s32 $0x1  }
0xc5: {  	_ =	sfence.sel $0xFFFF  }
0xc6: {  	[dreg:$0x0] =	wrdreg $0xFFFFFFFF;
	(pc) =	sbr.abs _section_cstart, $3  }
0xc7: {  	[dreg:$0x1] =	wrdreg $0xFFFFFFFF  }
0xc8: {  	_ =	task.clear_ibuf [dreg:s8], $0x2FFFF;
	_ =	strace $0x9FFFFFFF  }
0xc9: {  	(tm) =	ssettm $0x7FFFFFFF  }
tec
execute0_lowered:
.L_overlay_start_1:
0x0: {  	(tag) =	ssettag $0x1  }
0x1: {  	s0 =	rddreg [dreg:$0x0]  }
0x2: {  	s4 =	rddreg [dreg:$0x1]  }
0x3: {  	s1 =	rddreg [dreg:$0x2];
	s3 =	simm.s32 $0x0  }
0x4: {  	s5 =	srdreg.scid;
	s2 =	stileid.u32;
	s9 =	simm.s32 $0x7  }
0x5: {  	s10 =	simm.s32 $0x100;
	s13 =	simm.s32 $0xC000;
	s14 =	simm.s32 $0x1  }
0x6: {  	s15 =	simm.s32 $0x14000;
	s16 =	simm.s32 $0x10000;
	s17 =	simm.s32 $0x2  }
0x7: {  	v0 =	vlaneseq.u32;
	v63 =	vimm.s32 $0x0;
	vm0 =	vcmask $0x300;
	s18 =	simm.s32 $0x18400;
	s19 =	simm.s32 $0x5;
	s20 =	simm.s32 $0x3  }
0x8: {  	s21 =	simm.s32 $0x6;
	s22 =	simm.s32 $0x4;
	[smem:$0x7FF] =	sst s3;
	v19 =	vmul.u32 $0x88, v0;
	v39 =	vsel vm0, $0x3, v63  }
0x9: {  	s23 =	simm.s32 $0x0;
	s5 =	sand.u32 $0x1, s5;
	_ =	strace $0x8000004A;
	[tilespmem:$0x1FFC0] =	vst v39  }
0xa: {  	s7 =	sshll.u32 s2, $0xF;
	s6 =	ssub.s32 $0x2, s5;
	s5 =	sshll.u32 s5, $0xE;
	v21 =	vadd.s32 $0x880, v19;
	[tilespmem:$0x1FFB0] =	vst v19  }
0xb: {  	s4 =	sadd.s32 $0xF42C00, s4;
	s8 =	sshrl.u32 s6, $0x1;
	s5 =	sor.u32 s5, s7;
	v52 =	vadd.s32 $0x1100, v19;
	[tilespmem:$0x1FFD0] =	vst v21  }
0xc: {  	v59 =	vadd.s32 $0x1980, v19;
	s8 =	ssub.s32 s6, s8;
	s31 =	sshrl.u32 s5, $0x3;
	s7 =	sshll.u32 s5, $0x3;
	[tilespmem:$0x1FFE0] =	vst v52  }
0xd: {  	[tilespmem:$0x1FFF0] =	vst v59;
	s6 =	sadd.s32 s0, s31;
	s7 =	sadd.s32 s1, s7;
	s8 =	smax.u32 s8, $0x1  }
.LBB2_1:
0xe: {  	[tilespmem:s3], [sflag:$0x7] =	stream.linear.gather [hbm4b:s6+s3], $0x4000, $0x38;
	[tilespmem:$0x1C800] =	vst v63  }
0xf: {  	_ =	swait.ge [sflag:s9], $0x4000  }
0x10: {  	[sflag:s9] =	ssyncset.done $0x0  }
0x11: {  	s0 =	simm.s32 $0x4000;
	[sflag:s9] =	ssyncadd.s32 $0xFFFFC000  }
0x12: {  	[tilespmem:s0], [sflag:$0x1] =	stream.indirect.gather [hbm4b:s4+s10], $0x40, s3, s10, $0xb8;
	[tilespmem:$0x1C800] =	vst v63  }
0x13: {  	s31 =	simm.s32 $0x8000;
	s24 =	simm.s32 $0x0  }
0x14: {  	[tilespmem:s31], [sflag:$0x2] =	stream.indirect.gather [hbm4b:s4+s10], $0x40, s10, s10, $0xb8;
	[tilespmem:$0x1C800] =	vst v63  }
.LBB2_2:
0x15: {  	s28 =	sshll.u32 s24, $0xA;
	p0 =	seq.s32 s24, $0x0  }
0x16: {  	s26 =	sor.u32 $0x200, s28;
	s0 =	simm.s32 @!p0 $0x5  }
0x17: {  	[tilespmem:s13], [sflag:$0x3] =	stream.indirect.gather [hbm4b:s4+s10], $0x40, s26, s10, $0xb8;
	[tilespmem:$0x1C800] =	vst v63  }
0x18: {  	_ =	swait.ge @!p0 [sflag:s0], $0x4000  }
0x19: {  	[sflag:s0] =	ssyncset.done @!p0 $0x0  }
0x1a: {  	[sflag:s0] =	ssyncadd.s32 @!p0 $0xFFFFC000  }
0x1b: {  	_ =	swait.ge [sflag:s14], $0x4000  }
0x1c: {  	[sflag:s14] =	ssyncset.done $0x0  }
0x1d: {  	s0 =	simm.s32 $0x4100;
	[sflag:s14] =	ssyncadd.s32 $0xFFFFC000  }
0x1e: {  	v43 =	vld [tilespmem:s0+$0xC0]  }
0x1f: {  	v7 =	vld [tilespmem:s0+$0xFFFFFF40]  }
0x20: {  	v8 =	vld [tilespmem:s0+$0xD0]  }
0x21: {  	v38 =	vld [tilespmem:s0+$0xE0]  }
0x22: {  	v11 =	vld [tilespmem:s0+$0xF0]  }
0x23: {  	v58 =	vld [tilespmem:s0+$0xFFFFFF00]  }
0x24: {  	v10 =	vld [tilespmem:s0+$0xFFFFFF10];
	[tilespmem:$0x1FF00] =	vst v7  }
0x25: {  	v12 =	vld [tilespmem:s0+$0xFFFFFF50];
	_ =	sdelay $0x4  }
0x26: {  	[tilespmem:$0x1FF10] =	vst v12  }
0x27: {  	v9 =	vld [tilespmem:s0+$0xFFFFFF80];
	_ =	sdelay $0x4  }
0x28: {  	[tilespmem:$0x1FF20] =	vst v9  }
0x29: {  	v14 =	vld [tilespmem:s0+$0xFFFFFFC0];
	_ =	sdelay $0x4  }
0x2a: {  	v13 =	vld [tilespmem:s0+$0xFFFFFF90];
	[tilespmem:$0x1FF30] =	vst v14  }
0x2b: {  	v15 =	vld [tilespmem:s0+$0xFFFFFFD0];
	_ =	sdelay $0x4  }
0x2c: {  	[tilespmem:$0x1FF40] =	vst v15  }
0x2d: {  	v23 =	vmul.f32 v9, v9;
	v9 =	vld [tilespmem:s0+$0x40];
	_ =	sdelay $0x2  }
0x2e: {  	v0 =	vmul.f32 v43, v43;
	v1 =	vmul.f32 v8, v8  }
0x2f: {  	v2 =	vmul.f32 v58, v58;
	v3 =	vmul.f32 v10, v10;
	v18 =	vld [tilespmem:s0+$0x0]  }
0x30: {  	v0 =	vadd.f32 v1, v0;
	v1 =	vmul.f32 v38, v38;
	v16 =	vld [tilespmem:s0+$0x10];
	[tilespmem:$0x1FF50] =	vst v9  }
0x31: {  	v2 =	vadd.f32 v3, v2;
	v3 =	vmul.f32 v7, v7;
	v7 =	vmul.f32 v12, v12;
	v12 =	vld [tilespmem:s0+$0x80]  }
0x32: {  	v0 =	vadd.f32 v1, v0;
	v1 =	vmul.f32 v11, v11;
	_ =	sdelay $0x1  }
0x33: {  	v0 =	vadd.f32 v1, v0  }
0x34: {  	s25 =	simm.s32 $0x0;
	s30 =	simm.s32 $0x1  }
0x35: {  	s31 =	simm.s32 $0x2;
	s2 =	simm.s32 $0x3;
	s12 =	simm.s32 $0x5;
	(xrf2) =	vadd.scan.msk.f32 $0xffff, v0;
	v17 =	vld [tilespmem:s0+$0x50];
	[tilespmem:$0x1FF60] =	vst v12  }
0x36: {  	s29 =	sand.u32 $0x78, s25;
	s30 =	sand.u32 $0x78, s30;
	s2 =	sand.u32 $0x78, s2;
	v20 =	vld [tilespmem:s0+$0x90]  }
0x37: {  	s31 =	sand.u32 $0x78, s31;
	v4 =	vmov s30;
	v6 =	vmov s2;
	s2 =	sand.u32 $0x78, s12;
	v1 =	vmov s29;
	s29 =	simm.s32 $0x4  }
0x38: {  	v5 =	vmov s31;
	v4 =	vshrl.u32 v4, $0x3;
	v26 =	vmov s2;
	s11 =	sand.u32 $0x78, s29  }
0x39: {  	v5 =	vshrl.u32 v5, $0x3;
	v1 =	vshrl.u32 v1, $0x3;
	v0 =	vmov s11  }
0x3a: {  	s31 =	simm.s32 $0x6;
	v6 =	vshrl.u32 v6, $0x3;
	v1 =	vshll.u32 v1, v39;
	v0 =	vshrl.u32 v0, $0x3  }
0x3b: {  	s2 =	sand.u32 $0x78, s31;
	v4 =	vshll.u32 v4, v39;
	v44 =	vshll.u32 v0, v39;
	v0 =	vbroadcast v1, $0x0;
	[tilespmem:$0x1FF70] =	vst v20  }
0x3c: {  	v29 =	vshll.u32 v5, v39;
	v31 =	vmov s2;
	v40 =	vbroadcast v4, $0x0;
	v28 =	vld [tilespmem:s0+$0xFFFFFF20]  }
0x3d: {  	v6 =	vshll.u32 v6, v39;
	v24 =	vmul.f32 v14, v14;
	v25 =	vmul.f32 v15, v15;
	v27 =	vld [tilespmem:s0+$0xFFFFFF60]  }
0x3e: {  	v26 =	vshrl.u32 v26, $0x3;
	v5 =	vmul.f32 v18, v18;
	v30 =	vmul.f32 v16, v16;
	v14 =	vld [tilespmem:s0+$0xFFFFFFA0]  }
0x3f: {  	v45 =	vshrl.u32 v31, $0x3;
	v32 =	vmul.f32 v9, v9;
	v33 =	vmul.f32 v17, v17;
	v15 =	vld [tilespmem:s0+$0xFFFFFFE0];
	[tilespmem:$0x1FEF0] =	vst v0;
	v0, _, _ =	vpop (xrf2)  }
0x40: {  	v3 =	vadd.f32 v7, v3;
	v41 =	vadd.f32 v30, v5;
	v30 =	vld [tilespmem:s0+$0xFFFFFF30];
	v0 =	vbroadcast v0, $0xF  }
0x41: {  	v35 =	vmul.f32 v12, v12;
	v1 =	vadd.f32 v33, v32;
	v54 =	vmul.f32 v20, v20;
	v32 =	vld [tilespmem:s0+$0xFFFFFF70]  }
0x42: {  	v7 =	vmul.f32 v13, v13;
	v42 =	vshrl.u32 v0, $0x1;
	v46 =	vmul.f32 $5.000000000e-01, v0  }
0x43: {  	v0 =	vbroadcast v29, $0x0;
	v29 =	vadd.f32 v54, v35;
	v35 =	vld [tilespmem:s0+$0xFFFFFFB0];
	v36 =	vmul.f32 v28, v28  }
0x44: {  	v7 =	vadd.f32 v7, v23;
	v31 =	vld [tilespmem:s0+$0x20];
	v47 =	vsub.s32 $0x5F3759DF, v42;
	v37 =	vmul.f32 v27, v27  }
0x45: {  	v20 =	vld [tilespmem:s0+$0x60];
	v55 =	vmul.f32 v47, v46;
	v56 =	vmul.f32 v30, v30;
	v2 =	vadd.f32 v36, v2  }
0x46: {  	v22 =	vld [tilespmem:s0+$0xA0];
	v48 =	vmul.f32 v14, v14;
	v49 =	vmul.f32 v32, v32;
	v3 =	vadd.f32 v37, v3  }
0x47: {  	v4 =	vshll.u32 v26, v39;
	v33 =	vld [tilespmem:s0+$0x70];
	v51 =	vmul.f32 v47, v55;
	v2 =	vadd.f32 v56, v2  }
0x48: {  	v37 =	vld [tilespmem:s0+$0xFFFFFFF0];
	v7 =	vadd.f32 v48, v7;
	v62 =	vmul.f32 v35, v35;
	v3 =	vadd.f32 v49, v3  }
0x49: {  	v42 =	vbroadcast v6, $0x0;
	v6 =	vmul.f32 v31, v31;
	v60 =	vsub.f32 $1.500000000e+00, v51;
	(xrf2) =	vadd.scan.msk.f32 $0xffff, v2  }
0x4a: {  	s29 =	simm.s32 $0x0;
	v34 =	vadd.f32 v25, v24;
	v9 =	vld [tilespmem:s0+$0xB0];
	v50 =	vmul.f32 v15, v15;
	v7 =	vadd.f32 v62, v7;
	(xrf2) =	vadd.scan.msk.f32 $0xffff, v3  }
0x4b: {  	s11 =	sand.u32 $0x40, s29;
	v57 =	vmul.f32 v20, v20;
	v36 =	vld [tilespmem:s0+$0x30];
	v3 =	vadd.f32 v6, v41;
	v6 =	vmul.f32 v47, v60  }
0x4c: {  	s12 =	simm.s32 $0x7;
	v54 =	vmov s11;
	v61 =	vmul.f32 v22, v22;
	v53 =	vmul.f32 v33, v33;
	(xrf2) =	vadd.scan.msk.f32 $0xffff, v7  }
0x4d: {  	s31 =	sand.u32 $0x78, s12;
	v2 =	vadd.f32 v50, v34;
	v63 =	vmul.f32 v37, v37;
	v46 =	vmul.f32 v6, v46  }
0x4e: {  	v1 =	vadd.f32 v57, v1;
	v29 =	vadd.f32 v61, v29;
	v56 =	vmov s31  }
0x4f: {  	v7 =	vmul.f32 v9, v9;
	v2 =	vadd.f32 v63, v2;
	v46 =	vmul.f32 v46, v6  }
0x50: {  	v62 =	vbroadcast v4, $0x0;
	v4 =	vshll.u32 v45, v39;
	v34 =	vmul.f32 v36, v36  }
0x51: {  	v29 =	vadd.f32 v7, v29;
	v7 =	vshrl.u32 v56, $0x3;
	(xrf2) =	vadd.scan.msk.f32 $0xffff, v2;
	v57 =	vsub.f32 $1.500000000e+00, v46  }
0x52: {  	v55 =	vmul.u32 $0x88, v54;
	v41 =	vbroadcast v44, $0x0;
	v2 =	vshll.u32 v7, v39  }
0x53: {  	v3 =	vadd.f32 v34, v3;
	v45 =	vbroadcast v2, $0x0;
	v2 =	vmul.f32 v57, v6;
	v6, _, _ =	vpop (xrf2)  }
0x54: {  	v1 =	vadd.f32 v53, v1;
	v46 =	vbroadcast v55, $0x0;
	v55 =	vbroadcast v4, $0x0;
	v4, _, _ =	vpop (xrf2)  }
0x55: {  	(xrf2) =	vadd.scan.msk.f32 $0xffff, v3;
	v3 =	vbroadcast v6, $0xF;
	v44 =	vmin.f32 v2, $1.000000000e+08;
	v4 =	vbroadcast v4, $0xF  }
0x56: {  	v2 =	vmul.f32 v44, v43;
	v5 =	vmul.f32 v44, v8;
	v53, _, _ =	vpop (xrf2)  }
0x57: {  	(xrf2) =	vadd.scan.msk.f32 $0xffff, v1;
	v1 =	vshrl.u32 v3, $0x1;
	v3 =	vmul.f32 $5.000000000e-01, v3;
	v47 =	vbroadcast v53, $0xF  }
0x58: {  	v1 =	vsub.s32 $0x5F3759DF, v1;
	v34 =	vshrl.u32 v4, $0x1;
	v4 =	vmul.f32 $5.000000000e-01, v4  }
0x59: {  	[tilespmem:$0x1FF80] =	vst v5;
	v5 =	vmul.f32 v44, v38;
	v54 =	vmul.f32 v1, v3  }
0x5a: {  	v43 =	vsub.s32 $0x5F3759DF, v34;
	v57 =	vshrl.u32 v47, $0x1;
	v47 =	vmul.f32 $5.000000000e-01, v47  }
0x5b: {  	v60, _, _ =	vpop (xrf2);
	v56 =	vmul.f32 v43, v4;
	[tilespmem:$0x1FF90] =	vst v5;
	v5 =	vmul.f32 v44, v11  }
0x5c: {  	(xrf2) =	vadd.scan.msk.f32 $0xffff, v29;
	v11 =	vsub.s32 $0x5F3759DF, v57;
	v61 =	vbroadcast v60, $0xF;
	v29 =	vmul.f32 v1, v54  }
0x5d: {  	v7 =	vadd.s32 v19, v46;
	v63 =	vmul.f32 v11, v47;
	v49 =	vmul.f32 v43, v56  }
0x5e: {  	v60 =	vshrl.u32 v61, $0x1;
	v38 =	vmul.f32 $5.000000000e-01, v61;
	v29 =	vsub.f32 $1.500000000e+00, v29  }
0x5f: {  	v50 =	vadd.s32 v45, v7;
	v6 =	vadd.s32 v21, v46;
	v51 =	vsub.s32 $0x5F3759DF, v60  }
0x60: {  	v44 =	vmul.f32 v11, v63;
	v34 =	vsub.f32 $1.500000000e+00, v49;
	v57, _, _ =	vpop (xrf2);
	v53 =	vmul.f32 v51, v38  }
0x61: {  	v8 =	vadd.s32 v52, v46;
	v49 =	vbroadcast v57, $0xF;
	v1 =	vmul.f32 v1, v29  }
0x62: {  	v44 =	vsub.f32 $1.500000000e+00, v44;
	v53 =	vmul.f32 v51, v53;
	v43 =	vmul.f32 v43, v34;
	v29, _, _ =	vpop (xrf2)  }
0x63: {  	v61 =	vshrl.u32 v49, $0x1;
	v49 =	vmul.f32 $5.000000000e-01, v49;
	v29 =	vbroadcast v29, $0xF  }
0x64: {  	v44 =	vmul.f32 v11, v44;
	v3 =	vmul.f32 v1, v3;
	v52 =	vsub.s32 $0x5F3759DF, v61  }
0x65: {  	v53 =	vsub.f32 $1.500000000e+00, v53;
	v56 =	vshrl.u32 v29, $0x1;
	v29 =	vmul.f32 $5.000000000e-01, v29  }
0x66: {  	v63, _, _ =	vpop (xrf2);
	v4 =	vmul.f32 v43, v4;
	v54 =	vmul.f32 v52, v49;
	v48 =	vsub.s32 $0x5F3759DF, v56  }
0x67: {  	v61 =	vor.u32 $0x7, v50;
	v50 =	vbroadcast v63, $0xF;
	v56 =	vmul.f32 v48, v29  }
0x68: {  	v11 =	vadd.s32 v59, v46;
	v3 =	vmul.f32 v3, v1;
	v51 =	vmul.f32 v51, v53  }
0x69: {  	v54 =	vmul.f32 v52, v54;
	v34 =	vshrl.u32 v50, $0x1;
	v56 =	vmul.f32 v48, v56  }
0x6a: {  	v50 =	vmul.f32 $5.000000000e-01, v50;
	v3 =	vsub.f32 $1.500000000e+00, v3;
	v59 =	vsub.s32 $0x5F3759DF, v34  }
0x6b: {  	v38 =	vmul.f32 v51, v38;
	v54 =	vsub.f32 $1.500000000e+00, v54;
	v60 =	vsub.f32 $1.500000000e+00, v56  }
0x6c: {  	v57 =	vadd.s32 v45, v6;
	v63 =	vmul.f32 v59, v50;
	v1 =	vmul.f32 v3, v1  }
0x6d: {  	v19 =	vor.u32 $0x7, v57;
	v52 =	vmul.f32 v52, v54;
	v48 =	vmul.f32 v48, v60  }
0x6e: {  	v34 =	vadd.s32 v45, v8;
	v54 =	vmul.f32 v59, v63;
	v56 =	vmul.f32 v44, v47  }
0x6f: {  	v45 =	vadd.s32 v45, v11;
	v3 =	vmul.f32 v38, v51;
	v29 =	vmul.f32 v48, v29  }
0x70: {  	v63 =	vor.u32 $0x7, v45;
	v57 =	vsub.f32 $1.500000000e+00, v54;
	v45 =	vmul.f32 v56, v44  }
0x71: {  	v4 =	vmul.f32 v4, v43;
	v29 =	vmul.f32 v29, v48  }
0x72: {  	v3 =	vsub.f32 $1.500000000e+00, v3;
	v46 =	vmul.f32 v59, v57;
	v59 =	vsub.f32 $1.500000000e+00, v45  }
0x73: {  	v49 =	vmul.f32 v52, v49;
	v29 =	vsub.f32 $1.500000000e+00, v29  }
0x74: {  	v4 =	vsub.f32 $1.500000000e+00, v4;
	v3 =	vmul.f32 v3, v51;
	v38 =	vmul.f32 v59, v44  }
0x75: {  	v1 =	vmin.f32 v1, $1.000000000e+08;
	v53 =	vmul.f32 v49, v52;
	v29 =	vmul.f32 v29, v48  }
0x76: {  	v48 =	vmul.f32 v1, v28;
	v28 =	vmin.f32 v38, $1.000000000e+08;
	v38 =	vmin.f32 v3, $1.000000000e+08;
	v3 =	vld [tilespmem:$0x1FF00]  }
0x77: {  	v50 =	vmul.f32 v46, v50;
	v56 =	vsub.f32 $1.500000000e+00, v53  }
0x78: {  	v4 =	vmul.f32 v4, v43;
	v30 =	vmul.f32 v1, v30  }
0x79: {  	v54 =	vmul.f32 v50, v46;
	v45 =	vmul.f32 v56, v52  }
0x7a: {  	v52 =	vmul.f32 v1, v58;
	v50 =	vmul.f32 v1, v10;
	v1 =	vmin.f32 v4, $1.000000000e+08  }
0x7b: {  	v25 =	vadd.s32 v40, v7;
	v4 =	vmul.f32 v1, v3;
	v3 =	vld [tilespmem:$0x1FF10]  }
0x7c: {  	v12 =	vadd.s32 v40, v6;
	v23 =	vadd.s32 v0, v6;
	v57 =	vsub.f32 $1.500000000e+00, v54  }
0x7d: {  	v21 =	vadd.s32 v0, v8;
	v26 =	vadd.s32 v40, v11;
	v60 =	vor.u32 $0x7, v34  }
0x7e: {  	[tilespmem:$0x1FFA0] =	vst v5;
	v34 =	vadd.s32 v40, v8;
	v40 =	vadd.s32 v0, v11;
	v5 =	vmul.f32 v57, v46  }
0x7f: {  	v59 =	vadd.s32 v0, v7;
	v58 =	vmul.f32 v1, v32;
	v0 =	vmin.f32 v29, $1.000000000e+08;
	[tilespmem:v61+s15+$0x0] =	vst.idx.msk $0xffff, v2  }
0x80: {  	v29 =	vmul.f32 v1, v27;
	v3 =	vmul.f32 v1, v3;
	v1 =	vmin.f32 v5, $1.000000000e+08;
	v5 =	vld [tilespmem:$0x1FF30];
	_ =	sdelay $0x4  }
0x81: {  	v51 =	vmul.f32 v38, v5;
	v5 =	vld [tilespmem:$0x1FF40];
	_ =	sdelay $0x1  }
0x82: {  	v43 =	vadd.s32 v42, v7;
	v44 =	vadd.s32 v42, v6  }
0x83: {  	v56 =	vadd.s32 v42, v8;
	v57 =	vadd.s32 v42, v11;
	v54 =	vmul.f32 v28, v14;
	v2 =	vld [tilespmem:$0x1FF20]  }
0x84: {  	v42 =	vmin.f32 v45, $1.000000000e+08;
	v53 =	vmul.f32 v28, v35;
	v47 =	vmul.f32 v38, v15  }
0x85: {  	v27 =	vmul.f32 v42, v18;
	v49 =	vmul.f32 v38, v5;
	v5 =	vld [tilespmem:$0x1FF50]  }
0x86: {  	v46 =	vmul.f32 v42, v16;
	v45 =	vmul.f32 v42, v31  }
0x87: {  	v10 =	vadd.s32 v41, v7;
	v42 =	vmul.f32 v42, v36;
	v36 =	vmul.f32 v0, v33  }
0x88: {  	v14 =	vadd.s32 v41, v11;
	v61 =	vmul.f32 v28, v13;
	v24 =	vmul.f32 v28, v2  }
0x89: {  	v13 =	vadd.s32 v41, v6;
	v28 =	vmul.f32 v38, v37;
	v37 =	vmul.f32 v0, v20  }
0x8a: {  	v2 =	vadd.s32 v41, v8;
	v38 =	vmul.f32 v0, v17;
	v41 =	vmul.f32 v0, v5;
	v0 =	vld [tilespmem:$0x1FF60];
	_ =	sdelay $0x4  }
0x8b: {  	v35 =	vmul.f32 v1, v0;
	v0 =	vld [tilespmem:$0x1FF70];
	_ =	sdelay $0x4  }
0x8c: {  	v33 =	vmul.f32 v1, v0;
	v0 =	vld [tilespmem:$0x1FF80];
	_ =	sdelay $0x4  }
0x8d: {  	[tilespmem:v19+s15+$0x0] =	vst.idx.msk $0xffff, v0  }
0x8e: {  	v0 =	vld [tilespmem:$0x1FF90];
	_ =	sdelay $0x4  }
0x8f: {  	[tilespmem:v60+s15+$0x0] =	vst.idx.msk $0xffff, v0  }
0x90: {  	v25 =	vor.u32 $0x1, v25;
	v23 =	vor.u32 $0x2, v23;
	v0 =	vld [tilespmem:$0x1FFA0]  }
0x91: {  	v21 =	vor.u32 $0x2, v21;
	v34 =	vor.u32 $0x1, v34;
	v15 =	vadd.s32 v62, v7  }
0x92: {  	v16 =	vadd.s32 v62, v6;
	v18 =	vadd.s32 v62, v8;
	v20 =	vadd.s32 v55, v7  }
0x93: {  	v32 =	vmul.f32 v1, v22;
	v31 =	vmul.f32 v1, v9;
	v9 =	vadd.s32 v55, v6  }
0x94: {  	v22 =	vadd.s32 v55, v11;
	v17 =	vadd.s32 v62, v11;
	v1 =	vor.u32 $0x1, v26  }
0x95: {  	s30 =	simm.s32 $0x4300;
	v19 =	vadd.s32 v55, v8;
	v55 =	vor.u32 $0x1, v12;
	v60 =	vor.u32 $0x2, v59;
	[tilespmem:v63+s15+$0x0] =	vst.idx.msk $0xffff, v0  }
.LBB2_3:
0x96: {  	_ =	sdelay $0x1  }
0x97: {  	v12 =	vld [tilespmem:s30+$0xC0]  }
0x98: {  	v59 =	vld [tilespmem:s30+$0xD0];
	[tilespmem:v25+s15+$0x0] =	vst.idx.msk $0xffff, v4  }
0x99: {  	v0 =	vld [tilespmem:s30+$0xFFFFFF00];
	v9 =	vor.u32 $0x6, v9;
	[tilespmem:v55+s15+$0x0] =	vst.idx.msk $0xffff, v3  }
0x9a: {  	v62 =	vld [tilespmem:s30+$0xFFFFFF10];
	[tilespmem:$0x1FE70] =	vst v9  }
0x9b: {  	[tilespmem:v34+s15+$0x0] =	vst.idx.msk $0xffff, v29  }
0x9c: {  	v4 =	vor.u32 $0x4, v14;
	v14 =	vld [tilespmem:$0x1FEF0];
	[tilespmem:v1+s15+$0x0] =	vst.idx.msk $0xffff, v58  }
0x9d: {  	v25 =	vor.u32 $0x4, v2;
	v2 =	vld [tilespmem:s30+$0xE0];
	[tilespmem:$0x1FE80] =	vst v59  }
0x9e: {  	v63 =	vor.u32 $0x2, v40;
	v26 =	vor.u32 $0x4, v13;
	v13 =	vor.u32 $0x5, v16;
	v58 =	vld [tilespmem:s30+$0xFFFFFF40];
	[tilespmem:$0x1FE90] =	vst v0  }
0x9f: {  	v3 =	vor.u32 $0x5, v15;
	[tilespmem:$0x1FEA0] =	vst v62;
	v15 =	vmul.f32 v12, v12;
	v16 =	vmul.f32 v59, v59  }
0xa0: {  	v5 =	vor.u32 $0x3, v43;
	v59 =	vld [tilespmem:s30+$0xFFFFFF80];
	[tilespmem:v60+s15+$0x0] =	vst.idx.msk $0xffff, v24  }
0xa1: {  	v40 =	vor.u32 $0x5, v18;
	v9 =	vadd.s32 v14, v7;
	v18 =	vadd.f32 v16, v15;
	v15 =	vld [tilespmem:s30+$0xFFFFFF90];
	[tilespmem:v23+s15+$0x0] =	vst.idx.msk $0xffff, v61  }
0xa2: {  	v43 =	vor.u32 $0x3, v44;
	[tilespmem:v21+s15+$0x0] =	vst.idx.msk $0xffff, v54  }
0xa3: {  	v55 =	vld [tilespmem:s30+$0xF0];
	v34 =	vor.u32 $0x6, v20;
	v6 =	vadd.s32 v14, v6;
	v20 =	vmul.f32 v2, v2;
	[tilespmem:$0x1FEB0] =	vst v58  }
0xa4: {  	s31 =	smov.u32 s25;
	v56 =	vor.u32 $0x3, v56;
	v44 =	vor.u32 $0x3, v57;
	v10 =	vor.u32 $0x4, v10;
	s25 =	sadd.s32 $0x8, s25;
	v16 =	vld [tilespmem:s30+$0xFFFFFFC0];
	[tilespmem:v63+s15+$0x0] =	vst.idx.msk $0xffff, v53  }
0xa5: {  	v57 =	vor.u32 $0x5, v17;
	s0 =	sand.u32 $0x78, s25;
	s2 =	sadd.s32 $0x9, s31;
	v1 =	vor.u32 $0x6, v19;
	v20 =	vadd.f32 v20, v18;
	v18 =	vld [tilespmem:s30+$0xFFFFFFD0];
	[tilespmem:v5+s15+$0x0] =	vst.idx.msk $0xffff, v51  }
0xa6: {  	s11 =	sadd.s32 $0xA, s31;
	s2 =	sand.u32 $0x78, s2;
	v19 =	vmov s0;
	v17 =	vmul.f32 v0, v0;
	v0 =	vld [tilespmem:s30+$0xFFFFFF50];
	v8 =	vadd.s32 v14, v8;
	[tilespmem:v9+s15+$0x0] =	vst.idx.msk $0xffff, v52  }
0xa7: {  	s12 =	sadd.s32 $0xB, s31;
	s11 =	sand.u32 $0x78, s11;
	v29 =	vmov s2;
	v7 =	vor.u32 $0x6, v22;
	v22 =	vmul.f32 v62, v62;
	[tilespmem:v43+s15+$0x0] =	vst.idx.msk $0xffff, v49  }
0xa8: {  	v11 =	vadd.s32 v14, v11;
	v14 =	vmovc v2;
	v60 =	vmov s11;
	s11 =	sand.u32 $0x78, s12;
	s12 =	sadd.s32 $0xC, s31;
	v2 =	vld [tilespmem:$0x1FE70];
	v23 =	vmul.f32 v55, v55;
	[tilespmem:v6+s15+$0x0] =	vst.idx.msk $0xffff, v50  }
0xa9: {  	v61 =	vmov s11;
	s11 =	sand.u32 $0x78, s12;
	s12 =	sadd.s32 $0xD, s31;
	v9 =	vadd.f32 v22, v17;
	v22 =	vmul.f32 v58, v58;
	v17 =	vld [tilespmem:s30+$0x0];
	[tilespmem:v56+s15+$0x0] =	vst.idx.msk $0xffff, v47  }
0xaa: {  	s0 =	sand.u32 $0x78, s12;
	v52 =	vmov s11;
	v6 =	vshrl.u32 v19, $0x3;
	v23 =	vadd.f32 v23, v20;
	v20 =	vld [tilespmem:s30+$0x10];
	[tilespmem:v10+s15+$0x0] =	vst.idx.msk $0xffff, v27  }
0xab: {  	s2 =	sadd.s32 $0xE, s31;
	v21 =	vld [tilespmem:s30+$0x80];
	v58 =	vmovc v0;
	v19 =	vmul.f32 v0, v0;
	v50 =	vmov s0;
	[tilespmem:v8+s15+$0x0] =	vst.idx.msk $0xffff, v48;
	v6 =	vshll.u32 v6, v39  }
0xac: {  	v0 =	vld [tilespmem:s30+$0x40];
	s0 =	sand.u32 $0x78, s2;
	v8 =	vshrl.u32 v29, $0x3;
	v29 =	vmul.f32 v59, v59;
	v62 =	vmul.f32 v16, v16;
	[tilespmem:v44+s15+$0x0] =	vst.idx.msk $0xffff, v28  }
0xad: {  	v24 =	vmovc v59;
	v54 =	vmov s0;
	v59 =	vshrl.u32 v61, $0x3;
	v28 =	vld [tilespmem:s30+$0xFFFFFFA0];
	[tilespmem:v26+s15+$0x0] =	vst.idx.msk $0xffff, v46;
	(xrf2) =	vadd.scan.msk.f32 $0xffff, v23  }
0xae: {  	v61 =	vshrl.u32 v52, $0x3;
	[tilespmem:v11+s15+$0x0] =	vst.idx.msk $0xffff, v30;
	v11 =	vadd.f32 v19, v22;
	v22 =	vmul.f32 v15, v15;
	v19 =	vld [tilespmem:s30+$0x50]  }
0xaf: {  	v50 =	vshrl.u32 v50, $0x3;
	v8 =	vshll.u32 v8, v39;
	v23 =	vshrl.u32 v60, $0x3;
	v26 =	vld [tilespmem:s30+$0x20]  }
0xb0: {  	v56 =	vshll.u32 v59, v39;
	v51 =	vmul.f32 v21, v21;
	v53 =	vadd.f32 v22, v29;
	v22 =	vld [tilespmem:s30+$0x90]  }
0xb1: {  	v10 =	vshll.u32 v61, v39;
	v6 =	vbroadcast v6, $0x0;
	[tilespmem:v25+s15+$0x0] =	vst.idx.msk $0xffff, v45;
	v30 =	vld [tilespmem:s30+$0xFFFFFF20];
	v48 =	vbroadcast v8, $0x0  }
0xb2: {  	v25 =	vld [tilespmem:s30+$0x60];
	[tilespmem:v3+s15+$0x0] =	vst.idx.msk $0xffff, v41;
	v5 =	vshll.u32 v23, v39;
	v46 =	vbroadcast v56, $0x0;
	v29 =	vmul.f32 v18, v18  }
0xb3: {  	v27 =	vld [tilespmem:s30+$0xFFFFFFE0];
	v52 =	vshrl.u32 v54, $0x3;
	[tilespmem:v4+s15+$0x0] =	vst.idx.msk $0xffff, v42;
	v63 =	vmul.f32 v17, v17;
	v60 =	vmul.f32 v20, v20  }
0xb4: {  	[tilespmem:v13+s15+$0x0] =	vst.idx.msk $0xffff, v38;
	v45 =	vbroadcast v10, $0x0;
	v43 =	vadd.f32 v29, v62;
	v29 =	vld [tilespmem:s30+$0xFFFFFF60];
	v62 =	vmul.f32 v0, v0  }
0xb5: {  	v61 =	vld [tilespmem:s30+$0xFFFFFF70];
	[tilespmem:$0x1FEC0] =	vst v0;
	v44 =	vadd.f32 v60, v63;
	v63 =	vmul.f32 v19, v19;
	v0 =	vmul.f32 v22, v22  }
0xb6: {  	v8 =	vshll.u32 v50, v39;
	v42 =	vld [tilespmem:s30+$0xFFFFFF30];
	v47 =	vbroadcast v5, $0x0;
	[tilespmem:v40+s15+$0x0] =	vst.idx.msk $0xffff, v37;
	v54 =	vmul.f32 v30, v30  }
0xb7: {  	[tilespmem:$0x1FEF0] =	vst v6;
	v6 =	vadd.f32 v63, v62;
	v62 =	vld [tilespmem:s30+$0xA0];
	v63 =	vmul.f32 v25, v25;
	v5 =	vadd.f32 v0, v51;
	v51, _, _ =	vpop (xrf2)  }
0xb8: {  	v38 =	vld [tilespmem:s30+$0xFFFFFFB0];
	[tilespmem:v57+s15+$0x0] =	vst.idx.msk $0xffff, v36;
	v50 =	vmul.f32 v26, v26;
	v0 =	vadd.f32 v54, v9;
	v54 =	vbroadcast v51, $0xF  }
0xb9: {  	v37 =	vld [tilespmem:s30+$0xFFFFFFF0];
	v59 =	vmul.f32 v29, v29;
	v9 =	vmul.f32 v28, v28;
	v6 =	vadd.f32 v63, v6  }
0xba: {  	[tilespmem:v34+s15+$0x0] =	vst.idx.msk $0xffff, v35;
	v35 =	vld [tilespmem:s30+$0x70];
	v63 =	vmul.f32 v61, v61;
	v60 =	vshrl.u32 v54, $0x1;
	v54 =	vmul.f32 $5.000000000e-01, v54  }
0xbb: {  	v34 =	vld [tilespmem:s30+$0xB0];
	[tilespmem:v2+s15+$0x0] =	vst.idx.msk $0xffff, v33;
	v11 =	vadd.f32 v59, v11;
	v59 =	vmul.f32 v27, v27;
	v51 =	vsub.s32 $0x5F3759DF, v60  }
0xbc: {  	[tilespmem:v1+s15+$0x0] =	vst.idx.msk $0xffff, v32;
	v40 =	vmul.f32 v62, v62;
	v41 =	vmul.f32 v51, v54  }
0xbd: {  	v9 =	vadd.f32 v9, v53;
	v43 =	vadd.f32 v59, v43;
	v60 =	vmul.f32 v42, v42  }
0xbe: {  	s29 =	sadd.s32 $0x4, s29;
	v10 =	vadd.f32 v63, v11;
	v5 =	vadd.f32 v40, v5;
	v40 =	vmul.f32 v51, v41  }
0xbf: {  	s12 =	sadd.s32 $0xF, s31;
	s11 =	sand.u32 $0x40, s29;
	v11 =	vmul.f32 v37, v37;
	v0 =	vadd.f32 v60, v0;
	v41 =	vmul.f32 v38, v38  }
0xc0: {  	s31 =	sand.u32 $0x78, s12;
	[tilespmem:v7+s15+$0x0] =	vst.idx.msk $0xffff, v31;
	v31 =	vmov s11;
	v7 =	vmul.f32 v35, v35;
	v56 =	vsub.f32 $1.500000000e+00, v40  }
0xc1: {  	v59 =	vmov s31;
	(xrf2) =	vadd.scan.msk.f32 $0xffff, v0;
	v0 =	vadd.f32 v11, v43;
	v1 =	vadd.f32 v41, v9  }
0xc2: {  	v36 =	vld [tilespmem:s30+$0x30];
	(xrf2) =	vadd.scan.msk.f32 $0xffff, v10;
	v10 =	vadd.f32 v7, v6;
	v6 =	vshrl.u32 v59, $0x3;
	v11 =	vmul.f32 v51, v56  }
0xc3: {  	v32 =	vbroadcast v8, $0x0;
	v31 =	vmul.u32 $0x88, v31;
	v6 =	vshll.u32 v6, v39;
	(xrf2) =	vadd.scan.msk.f32 $0xffff, v1;
	v1 =	vld [tilespmem:$0x1FFB0]  }
0xc4: {  	v8 =	vshll.u32 v52, v39;
	v63 =	vbroadcast v6, $0x0;
	v6 =	vld [tilespmem:$0x1FFD0];
	v33 =	vmul.f32 v11, v54  }
0xc5: {  	v60 =	vbroadcast v31, $0x0;
	v31 =	vbroadcast v8, $0x0;
	v8 =	vld [tilespmem:$0x1FFE0]  }
0xc6: {  	(xrf2) =	vadd.scan.msk.f32 $0xffff, v0;
	v0 =	vld [tilespmem:$0x1FFF0];
	v33 =	vmul.f32 v33, v11  }
0xc7: {  	v44 =	vadd.f32 v50, v44;
	v9 =	vmul.f32 v36, v36  }
0xc8: {  	v7 =	vadd.s32 v1, v60;
	v1 =	vsub.f32 $1.500000000e+00, v33  }
0xc9: {  	v57 =	vmul.f32 v34, v34;
	v9 =	vadd.f32 v9, v44;
	v6 =	vadd.s32 v6, v60  }
0xca: {  	v8 =	vadd.s32 v8, v60;
	v2 =	vadd.s32 v63, v6;
	v1 =	vmul.f32 v1, v11  }
0xcb: {  	[tilespmem:$0x1FED0] =	vst v21;
	v11 =	vadd.s32 v0, v60;
	v0 =	vor.u32 $0x7, v2;
	v2 =	vadd.s32 v48, v6  }
0xcc: {  	v5 =	vadd.f32 v57, v5;
	v23 =	vadd.s32 v48, v8;
	v51 =	vadd.s32 v63, v7;
	[tilespmem:$0x1FEE0] =	vst v2;
	v2 =	vld [tilespmem:$0x1FE80]  }
0xcd: {  	v21 =	vadd.s32 v47, v8;
	v52 =	vadd.s32 v63, v8;
	v33 =	vor.u32 $0x7, v51;
	v53, _, _ =	vpop (xrf2);
	(xrf2) =	vadd.scan.msk.f32 $0xffff, v9  }
0xce: {  	v43 =	vor.u32 $0x7, v52;
	v59 =	vadd.s32 v48, v7;
	v49 =	vbroadcast v53, $0xF;
	v60, _, _ =	vpop (xrf2)  }
0xcf: {  	v44 =	vadd.s32 v63, v11;
	v40 =	vbroadcast v60, $0xF;
	v1 =	vmin.f32 v1, $1.000000000e+08  }
0xd0: {  	(xrf2) =	vadd.scan.msk.f32 $0xffff, v10;
	v60 =	vadd.s32 v47, v7;
	v44 =	vor.u32 $0x7, v44;
	v54 =	vmul.f32 v1, v12  }
0xd1: {  	v63 =	vshrl.u32 v49, $0x1;
	v4 =	vmul.f32 v1, v14;
	v9 =	vmul.f32 v1, v2  }
0xd2: {  	v3 =	vshrl.u32 v40, $0x1;
	v12 =	vadd.s32 v48, v11;
	[tilespmem:v33+s15+$0x0] =	vst.idx.msk $0xffff, v54;
	v33 =	vmul.f32 $5.000000000e-01, v49;
	v2, _, _ =	vpop (xrf2)  }
0xd3: {  	v2 =	vbroadcast v2, $0xF;
	[tilespmem:v0+s15+$0x0] =	vst.idx.msk $0xffff, v9;
	v0 =	vmul.f32 v1, v55;
	v1 =	vsub.s32 $0x5F3759DF, v63  }
0xd4: {  	v3 =	vsub.s32 $0x5F3759DF, v3;
	(xrf2) =	vadd.scan.msk.f32 $0xffff, v5;
	v51, _, _ =	vpop (xrf2);
	v9 =	vmul.f32 $5.000000000e-01, v40;
	v10 =	vmul.f32 v1, v33  }
0xd5: {  	v63 =	vadd.s32 v47, v6;
	v40 =	vadd.s32 v47, v11;
	[tilespmem:v43+s15+$0x0] =	vst.idx.msk $0xffff, v4;
	v4 =	vbroadcast v51, $0xF  }
0xd6: {  	[tilespmem:v44+s15+$0x0] =	vst.idx.msk $0xffff, v0;
	v0 =	vmul.f32 v3, v9;
	v5 =	vmul.f32 v1, v10  }
0xd7: {  	v54, _, _ =	vpop (xrf2);
	v10 =	vshrl.u32 v2, $0x1;
	v2 =	vmul.f32 $5.000000000e-01, v2;
	v53 =	vshrl.u32 v4, $0x1  }
0xd8: {  	v48 =	vmul.f32 $5.000000000e-01, v4;
	v4 =	vbroadcast v54, $0xF;
	v10 =	vsub.s32 $0x5F3759DF, v10  }
0xd9: {  	v0 =	vmul.f32 v3, v0;
	v44 =	vsub.s32 $0x5F3759DF, v53;
	v52 =	vmul.f32 v10, v2  }
0xda: {  	v56, _, _ =	vpop (xrf2);
	v5 =	vsub.f32 $1.500000000e+00, v5;
	v55 =	vshrl.u32 v4, $0x1;
	v50 =	vmul.f32 $5.000000000e-01, v4  }
0xdb: {  	v4 =	vbroadcast v56, $0xF;
	v0 =	vsub.f32 $1.500000000e+00, v0;
	v43 =	vmul.f32 v10, v52  }
0xdc: {  	v49 =	vsub.s32 $0x5F3759DF, v55;
	v1 =	vmul.f32 v1, v5;
	v5 =	vmul.f32 v44, v48  }
0xdd: {  	v51 =	vmul.f32 v49, v50;
	v57 =	vshrl.u32 v4, $0x1;
	v53 =	vmul.f32 $5.000000000e-01, v4  }
0xde: {  	v3 =	vmul.f32 v3, v0;
	v56, _, _ =	vpop (xrf2);
	v52 =	vsub.s32 $0x5F3759DF, v57;
	v5 =	vmul.f32 v44, v5  }
0xdf: {  	v43 =	vsub.f32 $1.500000000e+00, v43;
	v51 =	vmul.f32 v49, v51;
	v54 =	vbroadcast v56, $0xF  }
0xe0: {  	v57 =	vmul.f32 v52, v53;
	v33 =	vmul.f32 v1, v33;
	v56 =	vadd.s32 v46, v8  }
0xe1: {  	v9 =	vmul.f32 v3, v9;
	v5 =	vsub.f32 $1.500000000e+00, v5;
	v10 =	vmul.f32 v10, v43  }
0xe2: {  	v47 =	vsub.f32 $1.500000000e+00, v51;
	v41 =	vshrl.u32 v54, $0x1;
	v57 =	vmul.f32 v52, v57  }
0xe3: {  	v54 =	vmul.f32 $5.000000000e-01, v54;
	v33 =	vmul.f32 v33, v1;
	v51 =	vsub.s32 $0x5F3759DF, v41  }
0xe4: {  	v9 =	vmul.f32 v9, v3;
	v5 =	vmul.f32 v44, v5;
	v41 =	vsub.f32 $1.500000000e+00, v57  }
0xe5: {  	v43 =	vadd.s32 v46, v7;
	v47 =	vmul.f32 v49, v47;
	v55 =	vmul.f32 v51, v54  }
0xe6: {  	v2 =	vmul.f32 v10, v2;
	v44 =	vadd.s32 v46, v6;
	v52 =	vmul.f32 v52, v41  }
0xe7: {  	v33 =	vsub.f32 $1.500000000e+00, v33;
	v49 =	vmul.f32 v51, v55;
	v48 =	vmul.f32 v5, v48  }
0xe8: {  	v9 =	vsub.f32 $1.500000000e+00, v9;
	v50 =	vmul.f32 v47, v50;
	v55 =	vmul.f32 v52, v53  }
0xe9: {  	v57 =	vadd.s32 v46, v11;
	v2 =	vmul.f32 v2, v10;
	v1 =	vmul.f32 v33, v1  }
0xea: {  	v3 =	vmul.f32 v9, v3;
	v49 =	vsub.f32 $1.500000000e+00, v49;
	v46 =	vmul.f32 v55, v52  }
0xeb: {  	v48 =	vmul.f32 v48, v5;
	v50 =	vmul.f32 v50, v47;
	v2 =	vsub.f32 $1.500000000e+00, v2  }
0xec: {  	v49 =	vmul.f32 v51, v49;
	v9 =	vsub.f32 $1.500000000e+00, v46;
	v46 =	vmin.f32 v3, $1.000000000e+08;
	v3 =	vld [tilespmem:$0x1FE90]  }
0xed: {  	v1 =	vmin.f32 v1, $1.000000000e+08;
	v41 =	vsub.f32 $1.500000000e+00, v48  }
0xee: {  	v53 =	vsub.f32 $1.500000000e+00, v50;
	v2 =	vmul.f32 v2, v10;
	v51 =	vmul.f32 v49, v54  }
0xef: {  	v48 =	vmul.f32 v1, v30;
	v5 =	vmul.f32 v41, v5  }
0xf0: {  	v10 =	vmul.f32 v53, v47;
	v54 =	vmul.f32 v51, v49  }
0xf1: {  	v47 =	vmin.f32 v2, $1.000000000e+08;
	v9 =	vmul.f32 v9, v52;
	v52 =	vmul.f32 v1, v3;
	v3 =	vld [tilespmem:$0x1FEA0]  }
0xf2: {  	v30 =	vmul.f32 v1, v42;
	v24 =	vmul.f32 v47, v24  }
0xf3: {  	v53 =	vmul.f32 v47, v38;
	v5 =	vmin.f32 v5, $1.000000000e+08;
	v55 =	vsub.f32 $1.500000000e+00, v54  }
0xf4: {  	v51 =	vmul.f32 v5, v16;
	v54 =	vmul.f32 v47, v28  }
0xf5: {  	v28 =	vmul.f32 v5, v37;
	v2 =	vmul.f32 v55, v49  }
0xf6: {  	v49 =	vmul.f32 v5, v18;
	v50 =	vmul.f32 v1, v3  }
0xf7: {  	v1 =	vmin.f32 v2, $1.000000000e+08;
	v2 =	vld [tilespmem:$0x1FEB0];
	v3 =	vmul.f32 v46, v58;
	v58 =	vmul.f32 v46, v61  }
0xf8: {  	v41 =	vmin.f32 v10, $1.000000000e+08;
	v61 =	vmul.f32 v47, v15;
	v47 =	vmul.f32 v5, v27;
	v5 =	vld [tilespmem:$0x1FEC0]  }
0xf9: {  	v29 =	vmul.f32 v46, v29;
	v42 =	vmul.f32 v41, v36;
	v0 =	vmin.f32 v9, $1.000000000e+08  }
0xfa: {  	v13 =	vadd.s32 v45, v6;
	v38 =	vmul.f32 v0, v19;
	v37 =	vmul.f32 v0, v25  }
0xfb: {  	v14 =	vadd.s32 v45, v11;
	v36 =	vmul.f32 v0, v35;
	v27 =	vmul.f32 v41, v17  }
0xfc: {  	v10 =	vadd.s32 v45, v7;
	v4 =	vmul.f32 v46, v2;
	v46 =	vmul.f32 v41, v20  }
0xfd: {  	v2 =	vadd.s32 v45, v8;
	v45 =	vmul.f32 v41, v26;
	v41 =	vmul.f32 v0, v5;
	v0 =	vld [tilespmem:$0x1FED0];
	_ =	sdelay $0x3  }
0xfe: {  	v21 =	vor.u32 $0x2, v21  }
0xff: {  	p1 =	slt.u32 s25, $0xF8;
	v60 =	vor.u32 $0x2, v60;
	v16 =	vadd.s32 v32, v6;
	v35 =	vmul.f32 v1, v0;
	v0 =	vld [tilespmem:$0x1FEE0]  }
.Ltmp0:
0x100: {  	v9 =	vadd.s32 v31, v6;
	v19 =	vadd.s32 v31, v8;
	v25 =	vor.u32 $0x1, v59;
	(pc) =	sbr.rel @p1 .LBB2_3-.Ltmp0, $4  }
0x101: {  	v18 =	vadd.s32 v32, v8;
	v15 =	vadd.s32 v32, v7;
	v17 =	vadd.s32 v32, v11  }
0x102: {  	v33 =	vmul.f32 v1, v22;
	v22 =	vadd.s32 v31, v11;
	v32 =	vmul.f32 v1, v62  }
0x103: {  	v20 =	vadd.s32 v31, v7;
	v31 =	vmul.f32 v1, v34;
	v34 =	vor.u32 $0x1, v23  }
0x104: {  	s30 =	sadd.s32 $0x200, s30;
	v23 =	vor.u32 $0x2, v63;
	v1 =	vor.u32 $0x1, v12;
	v55 =	vor.u32 $0x1, v0  }
0x105: {  	_ =	sdelay $0x3  }
0x106: {  	[tilespmem:v25+s15+$0x0] =	vst.idx.msk $0xffff, v4  }
0x107: {  	[tilespmem:v55+s15+$0x0] =	vst.idx.msk $0xffff, v3  }
0x108: {  	v5 =	vor.u32 $0x2, v40;
	v4 =	vld [tilespmem:$0x1FEF0];
	[tilespmem:v34+s15+$0x0] =	vst.idx.msk $0xffff, v29  }
0x109: {  	v43 =	vor.u32 $0x3, v43;
	[tilespmem:v60+s15+$0x0] =	vst.idx.msk $0xffff, v24  }
0x10a: {  	v44 =	vor.u32 $0x3, v44;
	[tilespmem:v1+s15+$0x0] =	vst.idx.msk $0xffff, v58  }
0x10b: {  	v60 =	vor.u32 $0x6, v20;
	[tilespmem:v23+s15+$0x0] =	vst.idx.msk $0xffff, v61  }
0x10c: {  	v61 =	vor.u32 $0x6, v9;
	[tilespmem:v21+s15+$0x0] =	vst.idx.msk $0xffff, v54  }
0x10d: {  	v62 =	vor.u32 $0x6, v19;
	[tilespmem:v5+s15+$0x0] =	vst.idx.msk $0xffff, v53  }
0x10e: {  	[tilespmem:v43+s15+$0x0] =	vst.idx.msk $0xffff, v51;
	v0 =	vadd.s32 v4, v7  }
0x10f: {  	[tilespmem:v44+s15+$0x0] =	vst.idx.msk $0xffff, v49;
	v34 =	vadd.s32 v4, v6  }
0x110: {  	v39 =	vadd.s32 v4, v8;
	[tilespmem:v60+s15+$0x0] =	vst.idx.msk $0xffff, v35  }
0x111: {  	v63 =	vor.u32 $0x6, v22;
	[tilespmem:v61+s15+$0x0] =	vst.idx.msk $0xffff, v33  }
0x112: {  	v4 =	vadd.s32 v4, v11;
	[tilespmem:v62+s15+$0x0] =	vst.idx.msk $0xffff, v32  }
0x113: {  	[tilespmem:v0+s15+$0x0] =	vst.idx.msk $0xffff, v52;
	v52 =	vor.u32 $0x4, v10  }
0x114: {  	v53 =	vor.u32 $0x4, v13;
	[tilespmem:v34+s15+$0x0] =	vst.idx.msk $0xffff, v50  }
0x115: {  	[tilespmem:v39+s15+$0x0] =	vst.idx.msk $0xffff, v48;
	v48 =	vor.u32 $0x3, v56  }
0x116: {  	v54 =	vor.u32 $0x4, v2;
	[tilespmem:v63+s15+$0x0] =	vst.idx.msk $0xffff, v31  }
0x117: {  	v56 =	vor.u32 $0x5, v15;
	[tilespmem:v4+s15+$0x0] =	vst.idx.msk $0xffff, v30  }
0x118: {  	v50 =	vor.u32 $0x3, v57;
	[tilespmem:v52+s15+$0x0] =	vst.idx.msk $0xffff, v27  }
0x119: {  	v55 =	vor.u32 $0x4, v14;
	[tilespmem:v53+s15+$0x0] =	vst.idx.msk $0xffff, v46  }
0x11a: {  	v57 =	vor.u32 $0x5, v16;
	[tilespmem:v48+s15+$0x0] =	vst.idx.msk $0xffff, v47  }
0x11b: {  	v58 =	vor.u32 $0x5, v18;
	[tilespmem:v54+s15+$0x0] =	vst.idx.msk $0xffff, v45  }
0x11c: {  	v59 =	vor.u32 $0x5, v17;
	[tilespmem:v56+s15+$0x0] =	vst.idx.msk $0xffff, v41  }
0x11d: {  	[tilespmem:v50+s15+$0x0] =	vst.idx.msk $0xffff, v28  }
0x11e: {  	[tilespmem:v55+s15+$0x0] =	vst.idx.msk $0xffff, v42  }
0x11f: {  	s0 =	sshll.u32 s24, $0xD;
	[tilespmem:v57+s15+$0x0] =	vst.idx.msk $0xffff, v38  }
0x120: {  	s25 =	simm.s32 $0x14000;
	s0 =	sadd.s32 s0, s7;
	[tilespmem:v58+s15+$0x0] =	vst.idx.msk $0xffff, v37  }
0x121: {  	s29 =	simm.s32 $0x10;
	s30 =	simm.s32 $0x14088;
	s31 =	sadd.s32 $0x0, s0;
	[tilespmem:v59+s15+$0x0] =	vst.idx.msk $0xffff, v36  }
.LBB2_5:
0x122: {  	[hbm4b:s31+s3] =	stream.linear.scatter [tilespmem:s25], [sflag:$0x5], $0x80, $0x38;
	[tilespmem:$0x1C800] =	vst v63  }
0x123: {  	s2 =	smov.u32 s29;
	s25 =	smov.u32 s30;
	p1 =	sne.s32 s29, $0x7F0  }
.Ltmp1:
0x124: {  	s29 =	sadd.s32 $0x10, s29;
	(pc) =	sbr.rel @p1 .LBB2_5-.Ltmp1, $2  }
0x125: {  	_ =	sdelay $0x2  }
0x126: {  	s30 =	sadd.s32 $0x88, s30;
	s31 =	sadd.s32 s2, s0  }
0x127: {  	[hbm4b:s31+s3] =	stream.linear.scatter [tilespmem:s25], [sflag:$0x5], $0x80, $0x38;
	[tilespmem:$0x1C800] =	vst v63  }
0x128: {  	s25 =	sor.u32 $0x300, s28;
	s0 =	simm.s32 @!p0 $0x6  }
0x129: {  	[tilespmem:s16], [sflag:$0x4] =	stream.indirect.gather [hbm4b:s4+s10], $0x40, s25, s10, $0xb8;
	[tilespmem:$0x1C800] =	vst v63  }
0x12a: {  	_ =	swait.ge @!p0 [sflag:s0], $0x4000  }
0x12b: {  	[sflag:s0] =	ssyncset.done @!p0 $0x0  }
0x12c: {  	[sflag:s0] =	ssyncadd.s32 @!p0 $0xFFFFC000  }
0x12d: {  	_ =	swait.ge [sflag:s17], $0x4000  }
0x12e: {  	[sflag:s17] =	ssyncset.done $0x0  }
0x12f: {  	s0 =	simm.s32 $0x8100;
	[sflag:s17] =	ssyncadd.s32 $0xFFFFC000  }
0x130: {  	v43 =	vld [tilespmem:s0+$0xC0]  }
0x131: {  	v7 =	vld [tilespmem:s0+$0xFFFFFF40]  }
0x132: {  	v8 =	vld [tilespmem:s0+$0xD0]  }
0x133: {  	v38 =	vld [tilespmem:s0+$0xE0]  }
0x134: {  	v11 =	vld [tilespmem:s0+$0xF0]  }
0x135: {  	v12 =	vld [tilespmem:s0+$0xFFFFFF00]  }
0x136: {  	v10 =	vld [tilespmem:s0+$0xFFFFFF10];
	[tilespmem:$0x1FDE0] =	vst v7  }
0x137: {  	v9 =	vld [tilespmem:s0+$0xFFFFFF80];
	_ =	sdelay $0x4  }
0x138: {  	v62 =	vld [tilespmem:s0+$0xFFFFFF50];
	[tilespmem:$0x1FDF0] =	vst v9  }
0x139: {  	v14 =	vld [tilespmem:s0+$0xFFFFFFC0];
	_ =	sdelay $0x4  }
0x13a: {  	v13 =	vld [tilespmem:s0+$0xFFFFFF90];
	[tilespmem:$0x1FE00] =	vst v14  }
0x13b: {  	v15 =	vld [tilespmem:s0+$0xFFFFFFD0];
	_ =	sdelay $0x3  }
0x13c: {  	v0 =	vmul.f32 v43, v43;
	v1 =	vmul.f32 v8, v8  }
0x13d: {  	[tilespmem:$0x1FE10] =	vst v15  }
0x13e: {  	v0 =	vadd.f32 v1, v0;
	v1 =	vmul.f32 v38, v38;
	v23 =	vmul.f32 v9, v9;
	v9 =	vld [tilespmem:s0+$0x40];
	_ =	sdelay $0x1  }
0x13f: {  	v0 =	vadd.f32 v1, v0;
	v1 =	vmul.f32 v11, v11  }
0x140: {  	v19 =	vld [tilespmem:$0x1FFC0]  }
0x141: {  	s11 =	simm.s32 $0x1;
	s30 =	simm.s32 $0x2;
	v0 =	vadd.f32 v1, v0;
	v18 =	vld [tilespmem:s0+$0x0]  }
0x142: {  	s31 =	simm.s32 $0x3;
	s11 =	sand.u32 $0x78, s11;
	s30 =	sand.u32 $0x78, s30;
	v16 =	vld [tilespmem:s0+$0x10];
	[tilespmem:$0x1FE20] =	vst v9  }
0x143: {  	v4 =	vmov s11;
	v5 =	vmov s30;
	s11 =	sand.u32 $0x78, s31;
	(xrf2) =	vadd.scan.msk.f32 $0xffff, v0;
	v20 =	vld [tilespmem:s0+$0x80]  }
0x144: {  	s29 =	simm.s32 $0x0;
	v6 =	vmov s11;
	v4 =	vshrl.u32 v4, $0x3;
	v5 =	vshrl.u32 v5, $0x3  }
0x145: {  	s12 =	simm.s32 $0x4;
	s2 =	sand.u32 $0x78, s29;
	v6 =	vshrl.u32 v6, $0x3;
	v4 =	vshll.u32 v4, v19;
	v29 =	vshll.u32 v5, v19  }
0x146: {  	s12 =	sand.u32 $0x78, s12;
	v6 =	vshll.u32 v6, v19;
	v40 =	vbroadcast v4, $0x0;
	v1 =	vmov s2  }
0x147: {  	v2 =	vmul.f32 v12, v12;
	v1 =	vshrl.u32 v1, $0x3;
	v0 =	vmov s12  }
0x148: {  	v3 =	vmul.f32 v10, v10;
	v1 =	vshll.u32 v1, v19;
	v0 =	vshrl.u32 v0, $0x3;
	v17 =	vld [tilespmem:s0+$0x50];
	[tilespmem:$0x1FE30] =	vst v20  }
0x149: {  	s11 =	simm.s32 $0x5;
	v39 =	vbroadcast v29, $0x0;
	v44 =	vshll.u32 v0, v19;
	v0 =	vbroadcast v1, $0x0;
	v21 =	vld [tilespmem:s0+$0x90]  }
0x14a: {  	v2 =	vadd.f32 v3, v2;
	v3 =	vmul.f32 v7, v7;
	v7 =	vmul.f32 v62, v62;
	s2 =	sand.u32 $0x78, s11;
	v28 =	vld [tilespmem:s0+$0xFFFFFF20]  }
0x14b: {  	v26 =	vmov s2;
	v24 =	vmul.f32 v14, v14;
	v25 =	vmul.f32 v15, v15;
	v27 =	vld [tilespmem:s0+$0xFFFFFF60]  }
0x14c: {  	v3 =	vadd.f32 v7, v3;
	s12 =	simm.s32 $0x6;
	v5 =	vmul.f32 v18, v18;
	v30 =	vmul.f32 v16, v16;
	v14 =	vld [tilespmem:s0+$0xFFFFFFA0]  }
0x14d: {  	v26 =	vshrl.u32 v26, $0x3;
	s2 =	sand.u32 $0x78, s12;
	v32 =	vmul.f32 v9, v9;
	v33 =	vmul.f32 v17, v17;
	v15 =	vld [tilespmem:s0+$0xFFFFFFE0];
	[tilespmem:$0x1FDD0] =	vst v0;
	v0, _, _ =	vpop (xrf2)  }
0x14e: {  	v31 =	vmov s2;
	v41 =	vadd.f32 v30, v5;
	v30 =	vld [tilespmem:s0+$0xFFFFFF30];
	v0 =	vbroadcast v0, $0xF  }
0x14f: {  	v4 =	vshll.u32 v26, v19;
	v45 =	vshrl.u32 v31, $0x3;
	v1 =	vadd.f32 v33, v32;
	v32 =	vld [tilespmem:s0+$0xFFFFFF70]  }
0x150: {  	v7 =	vmul.f32 v13, v13;
	v35 =	vmul.f32 v20, v20;
	v42 =	vshrl.u32 v0, $0x1  }
0x151: {  	v31 =	vld [tilespmem:s0+$0x20];
	v46 =	vmul.f32 $5.000000000e-01, v0;
	v47 =	vsub.s32 $0x5F3759DF, v42;
	v42 =	vbroadcast v6, $0x0  }
0x152: {  	v7 =	vadd.f32 v7, v23;
	v20 =	vld [tilespmem:s0+$0x60];
	v58 =	vmul.f32 v21, v21;
	v36 =	vmul.f32 v28, v28  }
0x153: {  	v34 =	vadd.f32 v25, v24;
	v22 =	vld [tilespmem:s0+$0xA0];
	v37 =	vmul.f32 v27, v27;
	v59 =	vmul.f32 v47, v46  }
0x154: {  	v33 =	vld [tilespmem:s0+$0x70];
	v60 =	vmul.f32 v30, v30;
	v49 =	vmul.f32 v32, v32;
	v2 =	vadd.f32 v36, v2  }
0x155: {  	v29 =	vadd.f32 v58, v35;
	v35 =	vld [tilespmem:s0+$0xFFFFFFB0];
	v3 =	vadd.f32 v37, v3;
	v51 =	vmul.f32 v47, v59  }
0x156: {  	v48 =	vmul.f32 v14, v14;
	v50 =	vmul.f32 v15, v15;
	v37 =	vld [tilespmem:s0+$0xFFFFFFF0];
	v2 =	vadd.f32 v60, v2  }
0x157: {  	v6 =	vmul.f32 v31, v31;
	v3 =	vadd.f32 v49, v3;
	v63 =	vsub.f32 $1.500000000e+00, v51  }
0x158: {  	s30 =	simm.s32 $0x0;
	v61 =	vmul.f32 v20, v20;
	v54 =	vmul.f32 v22, v22;
	v7 =	vadd.f32 v48, v7;
	(xrf2) =	vadd.scan.msk.f32 $0xffff, v2  }
0x159: {  	s2 =	sand.u32 $0x40, s30;
	v9 =	vld [tilespmem:s0+$0xB0];
	v58 =	vmul.f32 v33, v33;
	(xrf2) =	vadd.scan.msk.f32 $0xffff, v3;
	v3 =	vadd.f32 v6, v41;
	v6 =	vmul.f32 v47, v63  }
0x15a: {  	s11 =	simm.s32 $0x7;
	v36 =	vld [tilespmem:s0+$0x30];
	v59 =	vmov s2;
	v1 =	vadd.f32 v61, v1;
	v55 =	vmul.f32 v35, v35  }
0x15b: {  	s12 =	sand.u32 $0x78, s11;
	v2 =	vadd.f32 v50, v34;
	v56 =	vmul.f32 v37, v37;
	v46 =	vmul.f32 v6, v46  }
0x15c: {  	v0 =	vld [tilespmem:$0x1FFB0];
	v61 =	vmov s12;
	v29 =	vadd.f32 v54, v29;
	v7 =	vadd.f32 v55, v7  }
0x15d: {  	v60 =	vmul.u32 $0x88, v59;
	v2 =	vadd.f32 v56, v2;
	v46 =	vmul.f32 v46, v6  }
0x15e: {  	v1 =	vadd.f32 v58, v1;
	v58 =	vbroadcast v4, $0x0;
	(xrf2) =	vadd.scan.msk.f32 $0xffff, v7;
	v7 =	vmul.f32 v9, v9  }
0x15f: {  	v57 =	vmul.f32 v36, v36;
	(xrf2) =	vadd.scan.msk.f32 $0xffff, v2;
	v63 =	vsub.f32 $1.500000000e+00, v46;
	v46 =	vbroadcast v60, $0x0  }
0x160: {  	v4 =	vshll.u32 v45, v19;
	v29 =	vadd.f32 v7, v29;
	v7 =	vshrl.u32 v61, $0x3  }
0x161: {  	v3 =	vadd.f32 v57, v3;
	v2 =	vshll.u32 v7, v19;
	v7 =	vadd.s32 v0, v46;
	v0 =	vld [tilespmem:$0x1FFD0]  }
0x162: {  	v45 =	vbroadcast v2, $0x0;
	v2 =	vmul.f32 v63, v6;
	v6, _, _ =	vpop (xrf2)  }
0x163: {  	v41 =	vbroadcast v44, $0x0;
	(xrf2) =	vadd.scan.msk.f32 $0xffff, v3;
	v3 =	vbroadcast v6, $0xF  }
0x164: {  	v55 =	vbroadcast v4, $0x0;
	v25 =	vadd.s32 v40, v7;
	v24 =	vadd.s32 v39, v7;
	v4, _, _ =	vpop (xrf2)  }
0x165: {  	v44 =	vmin.f32 v2, $1.000000000e+08;
	(xrf2) =	vadd.scan.msk.f32 $0xffff, v1;
	v4 =	vbroadcast v4, $0xF;
	v1 =	vshrl.u32 v3, $0x1  }
0x166: {  	v3 =	vmul.f32 $5.000000000e-01, v3;
	v6 =	vadd.s32 v0, v46;
	v0 =	vmul.f32 v44, v8  }
0x167: {  	v1 =	vsub.s32 $0x5F3759DF, v1;
	v34 =	vshrl.u32 v4, $0x1;
	v4 =	vmul.f32 $5.000000000e-01, v4  }
0x168: {  	v2 =	vmul.f32 v44, v43;
	v52, _, _ =	vpop (xrf2);
	v53 =	vmul.f32 v1, v3;
	v43 =	vsub.s32 $0x5F3759DF, v34;
	[tilespmem:$0x1FE40] =	vst v0;
	v0 =	vld [tilespmem:$0x1FFE0]  }
0x169: {  	v50 =	vadd.s32 v45, v7;
	v47 =	vbroadcast v52, $0xF;
	v54 =	vmul.f32 v43, v4;
	v57, _, _ =	vpop (xrf2)  }
0x16a: {  	(xrf2) =	vadd.scan.msk.f32 $0xffff, v29;
	v23 =	vadd.s32 v39, v6;
	v29 =	vmul.f32 v1, v53;
	v59 =	vbroadcast v57, $0xF  }
0x16b: {  	v57 =	vadd.s32 v45, v6;
	v56 =	vshrl.u32 v47, $0x1;
	v49 =	vmul.f32 v43, v54  }
0x16c: {  	v47 =	vmul.f32 $5.000000000e-01, v47;
	v19 =	vor.u32 $0x7, v57;
	v29 =	vsub.f32 $1.500000000e+00, v29  }
0x16d: {  	v34 =	vsub.f32 $1.500000000e+00, v49;
	v60, _, _ =	vpop (xrf2);
	v8 =	vadd.s32 v0, v46;
	v0 =	vmul.f32 v44, v38  }
0x16e: {  	v61 =	vshrl.u32 v59, $0x1;
	v38 =	vmul.f32 $5.000000000e-01, v59;
	v49 =	vbroadcast v60, $0xF  }
0x16f: {  	v51 =	vsub.s32 $0x5F3759DF, v61;
	v1 =	vmul.f32 v1, v29;
	v43 =	vmul.f32 v43, v34  }
0x170: {  	[tilespmem:$0x1FE50] =	vst v0;
	v0 =	vmul.f32 v44, v11;
	v52 =	vshrl.u32 v49, $0x1;
	v49 =	vmul.f32 $5.000000000e-01, v49  }
0x171: {  	v11 =	vsub.s32 $0x5F3759DF, v56;
	v29, _, _ =	vpop (xrf2);
	v53 =	vmul.f32 v51, v38;
	v3 =	vmul.f32 v1, v3  }
0x172: {  	v63 =	vmul.f32 v11, v47;
	v29 =	vbroadcast v29, $0xF;
	v52 =	vsub.s32 $0x5F3759DF, v52  }
0x173: {  	v61 =	vor.u32 $0x7, v50;
	v4 =	vmul.f32 v43, v4;
	v54 =	vmul.f32 v52, v49  }
0x174: {  	v5 =	vmovc v21;
	v21 =	vadd.s32 v39, v8;
	v53 =	vmul.f32 v51, v53;
	v3 =	vmul.f32 v3, v1  }
0x175: {  	[tilespmem:$0x1FE60] =	vst v0;
	v0 =	vld [tilespmem:$0x1FFF0];
	v44 =	vmul.f32 v11, v63;
	v56 =	vshrl.u32 v29, $0x1;
	v29 =	vmul.f32 $5.000000000e-01, v29  }
0x176: {  	v4 =	vmul.f32 v4, v43;
	v48 =	vsub.s32 $0x5F3759DF, v56;
	v53 =	vsub.f32 $1.500000000e+00, v53  }
0x177: {  	v54 =	vmul.f32 v52, v54;
	v3 =	vsub.f32 $1.500000000e+00, v3;
	v44 =	vsub.f32 $1.500000000e+00, v44;
	v63, _, _ =	vpop (xrf2)  }
0x178: {  	v56 =	vmul.f32 v48, v29;
	v4 =	vsub.f32 $1.500000000e+00, v4;
	v50 =	vbroadcast v63, $0xF  }
0x179: {  	v54 =	vsub.f32 $1.500000000e+00, v54;
	v51 =	vmul.f32 v51, v53;
	v1 =	vmul.f32 v3, v1  }
0x17a: {  	v44 =	vmul.f32 v11, v44;
	v56 =	vmul.f32 v48, v56;
	v11 =	vadd.s32 v0, v46  }
0x17b: {  	v4 =	vmul.f32 v4, v43;
	v34 =	vshrl.u32 v50, $0x1;
	v50 =	vmul.f32 $5.000000000e-01, v50  }
0x17c: {  	v43 =	vadd.s32 v42, v7;
	v52 =	vmul.f32 v52, v54;
	v59 =	vsub.s32 $0x5F3759DF, v34  }
0x17d: {  	v38 =	vmul.f32 v51, v38;
	v60 =	vsub.f32 $1.500000000e+00, v56;
	v63 =	vmul.f32 v59, v50  }
0x17e: {  	v26 =	vadd.s32 v40, v11;
	v1 =	vmin.f32 v1, $1.000000000e+08;
	v53 =	vmul.f32 v44, v47  }
0x17f: {  	v34 =	vadd.s32 v45, v8;
	v48 =	vmul.f32 v48, v60;
	v54 =	vmul.f32 v59, v63  }
0x180: {  	v45 =	vadd.s32 v45, v11;
	v30 =	vmul.f32 v1, v30;
	v49 =	vmul.f32 v52, v49  }
0x181: {  	v3 =	vmul.f32 v38, v51;
	v29 =	vmul.f32 v48, v29;
	v56 =	vsub.f32 $1.500000000e+00, v54  }
0x182: {  	v60 =	vor.u32 $0x7, v34;
	v63 =	vor.u32 $0x7, v45;
	v45 =	vmul.f32 v53, v44  }
0x183: {  	v3 =	vsub.f32 $1.500000000e+00, v3;
	v29 =	vmul.f32 v29, v48;
	v46 =	vmul.f32 v59, v56  }
0x184: {  	v34 =	vadd.s32 v40, v8;
	v53 =	vmul.f32 v49, v52;
	v57 =	vsub.f32 $1.500000000e+00, v45  }
0x185: {  	v3 =	vmul.f32 v3, v51;
	v29 =	vsub.f32 $1.500000000e+00, v29;
	v50 =	vmul.f32 v46, v50  }
0x186: {  	v59 =	vadd.s32 v40, v6;
	v38 =	vmul.f32 v57, v44;
	v56 =	vsub.f32 $1.500000000e+00, v53  }
0x187: {  	v40 =	vadd.s32 v39, v11;
	v29 =	vmul.f32 v29, v48;
	v54 =	vmul.f32 v50, v46  }
0x188: {  	v48 =	vmul.f32 v1, v28;
	v28 =	vmin.f32 v38, $1.000000000e+08;
	v38 =	vmin.f32 v3, $1.000000000e+08;
	v3 =	vld [tilespmem:$0x1FDE0];
	[tilespmem:v61+s18+$0x0] =	vst.idx.msk $0xffff, v2  }
0x189: {  	v44 =	vadd.s32 v42, v6;
	v57 =	vsub.f32 $1.500000000e+00, v54;
	v54 =	vmul.f32 v28, v14;
	v14 =	vld [tilespmem:$0x1FE00]  }
0x18a: {  	v45 =	vmul.f32 v56, v52;
	v52 =	vmul.f32 v1, v12;
	v56 =	vadd.s32 v42, v8  }
0x18b: {  	v50 =	vmul.f32 v1, v10;
	v1 =	vmin.f32 v4, $1.000000000e+08;
	v2 =	vld [tilespmem:$0x1FDF0];
	v61 =	vmul.f32 v28, v13  }
0x18c: {  	v53 =	vmul.f32 v28, v35;
	v47 =	vmul.f32 v38, v15;
	v0 =	vmin.f32 v29, $1.000000000e+08  }
0x18d: {  	v29 =	vmul.f32 v1, v27;
	v39 =	vmul.f32 v57, v46;
	v57 =	vadd.s32 v42, v11  }
0x18e: {  	v42 =	vmin.f32 v45, $1.000000000e+08;
	v4 =	vmul.f32 v1, v3;
	v51 =	vmul.f32 v38, v14;
	v14 =	vld [tilespmem:$0x1FE10]  }
0x18f: {  	v3 =	vmul.f32 v1, v62;
	v45 =	vmul.f32 v42, v31;
	v31 =	vld [tilespmem:$0x1FE20]  }
0x190: {  	v62 =	vmul.f32 v28, v2;
	v28 =	vmul.f32 v38, v37  }
0x191: {  	v10 =	vadd.s32 v41, v7;
	v27 =	vmul.f32 v42, v18;
	v46 =	vmul.f32 v42, v16  }
0x192: {  	v13 =	vadd.s32 v41, v6;
	v42 =	vmul.f32 v42, v36;
	v37 =	vmul.f32 v0, v20  }
0x193: {  	v2 =	vadd.s32 v41, v8;
	v36 =	vmul.f32 v0, v33;
	v49 =	vmul.f32 v38, v14  }
0x194: {  	v14 =	vadd.s32 v41, v11;
	v41 =	vmul.f32 v0, v31;
	v38 =	vmul.f32 v0, v17;
	v0 =	vld [tilespmem:$0x1FE30];
	_ =	sdelay $0x3  }
0x195: {  	v12 =	vmul.f32 v1, v32;
	v1 =	vmin.f32 v39, $1.000000000e+08  }
0x196: {  	v35 =	vmul.f32 v1, v0;
	v0 =	vld [tilespmem:$0x1FE40];
	_ =	sdelay $0x4  }
0x197: {  	[tilespmem:v19+s18+$0x0] =	vst.idx.msk $0xffff, v0  }
0x198: {  	v0 =	vld [tilespmem:$0x1FE50];
	_ =	sdelay $0x4  }
0x199: {  	[tilespmem:v60+s18+$0x0] =	vst.idx.msk $0xffff, v0  }
0x19a: {  	v25 =	vor.u32 $0x1, v25;
	v23 =	vor.u32 $0x2, v23;
	v21 =	vor.u32 $0x2, v21;
	v0 =	vld [tilespmem:$0x1FE60]  }
0x19b: {  	v34 =	vor.u32 $0x1, v34;
	v15 =	vadd.s32 v58, v7;
	v16 =	vadd.s32 v58, v6  }
0x19c: {  	v18 =	vadd.s32 v58, v8;
	v20 =	vadd.s32 v55, v7;
	v33 =	vmul.f32 v1, v5  }
0x19d: {  	v32 =	vmul.f32 v1, v22;
	v22 =	vadd.s32 v55, v11;
	v17 =	vadd.s32 v58, v11  }
0x19e: {  	v31 =	vmul.f32 v1, v9;
	v9 =	vadd.s32 v55, v6;
	v1 =	vor.u32 $0x1, v26  }
0x19f: {  	s31 =	simm.s32 $0x8300;
	v19 =	vadd.s32 v55, v8;
	v55 =	vor.u32 $0x1, v59;
	v60 =	vor.u32 $0x2, v24;
	[tilespmem:v63+s18+$0x0] =	vst.idx.msk $0xffff, v0  }
.LBB2_7:
0x1a0: {  	v39 =	vld [tilespmem:s31+$0xC0]  }
0x1a1: {  	v63 =	vor.u32 $0x2, v40;
	v40 =	vld [tilespmem:s31+$0xD0]  }
0x1a2: {  	v24 =	vor.u32 $0x4, v14;
	v14 =	vld [tilespmem:$0x1FDD0]  }
0x1a3: {  	v0 =	vld [tilespmem:s31+$0xFFFFFF00]  }
0x1a4: {  	v5 =	vor.u32 $0x3, v43;
	v43 =	vor.u32 $0x3, v44;
	[tilespmem:v25+s18+$0x0] =	vst.idx.msk $0xffff, v4  }
0x1a5: {  	v44 =	vor.u32 $0x3, v57;
	v26 =	vor.u32 $0x4, v13;
	v25 =	vor.u32 $0x4, v2;
	[tilespmem:v55+s18+$0x0] =	vst.idx.msk $0xffff, v3  }
0x1a6: {  	v13 =	vld [tilespmem:s31+$0xE0];
	v59 =	vor.u32 $0x5, v16;
	v57 =	vor.u32 $0x5, v17;
	v3 =	vor.u32 $0x5, v15;
	[tilespmem:v34+s18+$0x0] =	vst.idx.msk $0xffff, v29  }
0x1a7: {  	v2 =	vld [tilespmem:s31+$0xFFFFFF10];
	v55 =	vor.u32 $0x6, v9;
	[tilespmem:v1+s18+$0x0] =	vst.idx.msk $0xffff, v12;
	v9 =	vadd.s32 v14, v7;
	v15 =	vmul.f32 v39, v39  }
0x1a8: {  	[tilespmem:$0x1FD80] =	vst v0;
	v16 =	vmul.f32 v40, v40;
	v6 =	vadd.s32 v14, v6;
	v17 =	vmul.f32 v0, v0;
	v0 =	vld [tilespmem:s31+$0xFFFFFF50]  }
0x1a9: {  	v8 =	vadd.s32 v14, v8;
	v11 =	vadd.s32 v14, v11;
	v14 =	vld [tilespmem:s31+$0xFFFFFF80];
	[tilespmem:v60+s18+$0x0] =	vst.idx.msk $0xffff, v62  }
0x1aa: {  	v58 =	vor.u32 $0x5, v18;
	v18 =	vadd.f32 v16, v15;
	v15 =	vld [tilespmem:s31+$0xFFFFFF90];
	[tilespmem:v23+s18+$0x0] =	vst.idx.msk $0xffff, v61  }
0x1ab: {  	v4 =	vld [tilespmem:s31+$0xF0];
	v34 =	vor.u32 $0x6, v20;
	v20 =	vmul.f32 v13, v13;
	[tilespmem:v21+s18+$0x0] =	vst.idx.msk $0xffff, v54  }
0x1ac: {  	v16 =	vld [tilespmem:s31+$0xFFFFFFC0];
	[tilespmem:v63+s18+$0x0] =	vst.idx.msk $0xffff, v53  }
0x1ad: {  	v56 =	vor.u32 $0x3, v56;
	v20 =	vadd.f32 v20, v18;
	v18 =	vld [tilespmem:s31+$0xFFFFFFD0];
	[tilespmem:v5+s18+$0x0] =	vst.idx.msk $0xffff, v51  }
0x1ae: {  	s0 =	smov.u32 s29;
	v10 =	vor.u32 $0x4, v10;
	s29 =	sadd.s32 $0x8, s29;
	[tilespmem:$0x1FDB0] =	vst v0  }
0x1af: {  	s2 =	sand.u32 $0x78, s29;
	s11 =	sadd.s32 $0x9, s0;
	s12 =	sadd.s32 $0xA, s0;
	v12 =	vor.u32 $0x6, v22;
	v1 =	vld [tilespmem:s31+$0xFFFFFF40];
	[tilespmem:v9+s18+$0x0] =	vst.idx.msk $0xffff, v52  }
0x1b0: {  	v7 =	vor.u32 $0x6, v19;
	v19 =	vmov s2;
	s2 =	sand.u32 $0x78, s11;
	s11 =	sand.u32 $0x78, s12;
	s12 =	sadd.s32 $0xB, s0;
	v22 =	vmul.f32 v2, v2;
	v62 =	vld [tilespmem:$0x1FFC0];
	[tilespmem:v43+s18+$0x0] =	vst.idx.msk $0xffff, v49  }
0x1b1: {  	v60 =	vmov s11;
	s11 =	sand.u32 $0x78, s12;
	v23 =	vmul.f32 v4, v4;
	[tilespmem:v6+s18+$0x0] =	vst.idx.msk $0xffff, v50  }
0x1b2: {  	s12 =	sadd.s32 $0xC, s0;
	v61 =	vmov s11;
	v9 =	vadd.f32 v22, v17;
	v17 =	vld [tilespmem:s31+$0x0];
	[tilespmem:v56+s18+$0x0] =	vst.idx.msk $0xffff, v47  }
0x1b3: {  	v29 =	vmov s2;
	s11 =	sand.u32 $0x78, s12;
	s12 =	sadd.s32 $0xD, s0;
	v63 =	vshrl.u32 v61, $0x3;
	v23 =	vadd.f32 v23, v20;
	v20 =	vld [tilespmem:s31+$0x10];
	[tilespmem:v10+s18+$0x0] =	vst.idx.msk $0xffff, v27  }
0x1b4: {  	s2 =	sand.u32 $0x78, s12;
	v22 =	vmul.f32 v1, v1;
	v6 =	vshrl.u32 v19, $0x3;
	v19 =	vmul.f32 v0, v0;
	[tilespmem:v8+s18+$0x0] =	vst.idx.msk $0xffff, v48  }
0x1b5: {  	v52 =	vmov s11;
	v0 =	vld [tilespmem:s31+$0x40];
	v50 =	vmov s2;
	v56 =	vshll.u32 v63, v62;
	[tilespmem:v44+s18+$0x0] =	vst.idx.msk $0xffff, v28  }
0x1b6: {  	s11 =	sadd.s32 $0xE, s0;
	v61 =	vshrl.u32 v52, $0x3;
	v6 =	vshll.u32 v6, v62;
	[tilespmem:v11+s18+$0x0] =	vst.idx.msk $0xffff, v30;
	v11 =	vadd.f32 v19, v22;
	v19 =	vld [tilespmem:s31+$0x50]  }
0x1b7: {  	s2 =	sand.u32 $0x78, s11;
	v8 =	vshrl.u32 v29, $0x3;
	v29 =	vmul.f32 v14, v14;
	v48 =	vmul.f32 v16, v16;
	[tilespmem:v26+s18+$0x0] =	vst.idx.msk $0xffff, v46;
	v27 =	vld [tilespmem:s31+$0xFFFFFFE0]  }
0x1b8: {  	v54 =	vmov s2;
	v50 =	vshrl.u32 v50, $0x3;
	v10 =	vshll.u32 v61, v62;
	v26 =	vld [tilespmem:s31+$0x20];
	[tilespmem:v25+s18+$0x0] =	vst.idx.msk $0xffff, v45  }
0x1b9: {  	v22 =	vmul.f32 v15, v15;
	(xrf2) =	vadd.scan.msk.f32 $0xffff, v23;
	v23 =	vshrl.u32 v60, $0x3;
	v25 =	vld [tilespmem:s31+$0x60];
	[tilespmem:v3+s18+$0x0] =	vst.idx.msk $0xffff, v41  }
0x1ba: {  	v46 =	vbroadcast v56, $0x0;
	v6 =	vbroadcast v6, $0x0;
	v5 =	vshll.u32 v23, v62;
	v23 =	vld [tilespmem:s31+$0x90];
	[tilespmem:v24+s18+$0x0] =	vst.idx.msk $0xffff, v42  }
0x1bb: {  	v45 =	vbroadcast v10, $0x0;
	v30 =	vld [tilespmem:s31+$0xFFFFFF20];
	[tilespmem:v59+s18+$0x0] =	vst.idx.msk $0xffff, v38;
	v53 =	vadd.f32 v22, v29;
	v29 =	vmul.f32 v18, v18  }
0x1bc: {  	v8 =	vshll.u32 v8, v62;
	v22 =	vld [tilespmem:s31+$0x80];
	v51 =	vmul.f32 v17, v17;
	[tilespmem:$0x1FDD0] =	vst v6;
	v47 =	vbroadcast v5, $0x0  }
0x1bd: {  	v52 =	vshrl.u32 v54, $0x3;
	v24 =	vld [tilespmem:s31+$0xA0];
	[tilespmem:v34+s18+$0x0] =	vst.idx.msk $0xffff, v35;
	v60 =	vmul.f32 v20, v20;
	v63 =	vmul.f32 v0, v0  }
0x1be: {  	s0 =	sadd.s32 $0xF, s0;
	v34 =	vld [tilespmem:s31+$0xB0];
	[tilespmem:v55+s18+$0x0] =	vst.idx.msk $0xffff, v33;
	v43 =	vadd.f32 v29, v48;
	v48 =	vbroadcast v8, $0x0;
	v8 =	vshll.u32 v50, v62  }
0x1bf: {  	s30 =	sadd.s32 $0x4, s30;
	s0 =	sand.u32 $0x78, s0;
	v42 =	vld [tilespmem:s31+$0xFFFFFF30];
	[tilespmem:$0x1FDC0] =	vst v0;
	v44 =	vadd.f32 v60, v51;
	v60 =	vmul.f32 v19, v19;
	v41 =	vmul.f32 v27, v27  }
0x1c0: {  	s12 =	sand.u32 $0x40, s30;
	v55 =	vmov s0;
	v29 =	vld [tilespmem:s31+$0xFFFFFF60];
	[tilespmem:v7+s18+$0x0] =	vst.idx.msk $0xffff, v32;
	v50 =	vmul.f32 v26, v26;
	v32 =	vbroadcast v8, $0x0  }
0x1c1: {  	v28 =	vld [tilespmem:s31+$0xFFFFFFA0];
	[tilespmem:v12+s18+$0x0] =	vst.idx.msk $0xffff, v31;
	v31 =	vmov s12;
	v0 =	vmul.f32 v23, v23;
	v61 =	vmul.f32 v22, v22  }
0x1c2: {  	[tilespmem:v58+s18+$0x0] =	vst.idx.msk $0xffff, v37;
	v8 =	vshll.u32 v52, v62;
	v31 =	vmul.u32 $0x88, v31;
	v6 =	vadd.f32 v60, v63  }
0x1c3: {  	v63 =	vmul.f32 v30, v30;
	v60 =	vmul.f32 v25, v25;
	v5 =	vadd.f32 v0, v61;
	v61 =	vld [tilespmem:s31+$0xFFFFFF70];
	v51, _, _ =	vpop (xrf2)  }
0x1c4: {  	v38 =	vld [tilespmem:s31+$0xFFFFFFB0];
	[tilespmem:v57+s18+$0x0] =	vst.idx.msk $0xffff, v36;
	v43 =	vadd.f32 v41, v43;
	v41 =	vmul.f32 v42, v42;
	v54 =	vbroadcast v51, $0xF  }
0x1c5: {  	v35 =	vld [tilespmem:s31+$0x70];
	v44 =	vadd.f32 v50, v44;
	v49 =	vmul.f32 v29, v29;
	v0 =	vadd.f32 v63, v9  }
0x1c6: {  	v37 =	vld [tilespmem:s31+$0xFFFFFFF0];
	v9 =	vmul.f32 v28, v28;
	v59 =	vshrl.u32 v54, $0x1;
	v54 =	vmul.f32 $5.000000000e-01, v54  }
0x1c7: {  	v6 =	vadd.f32 v60, v6;
	v0 =	vadd.f32 v41, v0;
	v51 =	vsub.s32 $0x5F3759DF, v59  }
0x1c8: {  	v11 =	vadd.f32 v49, v11;
	v60 =	vmul.f32 v61, v61;
	v63 =	vmul.f32 v51, v54  }
0x1c9: {  	v56 =	vbroadcast v31, $0x0;
	v9 =	vadd.f32 v9, v53;
	v41 =	vmul.f32 v38, v38;
	(xrf2) =	vadd.scan.msk.f32 $0xffff, v0  }
0x1ca: {  	v36 =	vld [tilespmem:s31+$0x30];
	v7 =	vmul.f32 v35, v35;
	v10 =	vadd.f32 v60, v11;
	v63 =	vmul.f32 v51, v63  }
0x1cb: {  	[tilespmem:$0x1FDA0] =	vst v1;
	v31 =	vbroadcast v8, $0x0;
	v8 =	vld [tilespmem:$0x1FFE0];
	v1 =	vadd.f32 v41, v9;
	v11 =	vmul.f32 v37, v37  }
0x1cc: {  	(xrf2) =	vadd.scan.msk.f32 $0xffff, v10;
	v10 =	vadd.f32 v7, v6;
	v6 =	vshrl.u32 v55, $0x3;
	v50 =	vsub.f32 $1.500000000e+00, v63  }
0x1cd: {  	v49 =	vmul.f32 v24, v24;
	v6 =	vshll.u32 v6, v62;
	(xrf2) =	vadd.scan.msk.f32 $0xffff, v1;
	v1 =	vld [tilespmem:$0x1FFB0]  }
0x1ce: {  	v0 =	vadd.f32 v11, v43;
	v57 =	vbroadcast v6, $0x0;
	v6 =	vld [tilespmem:$0x1FFD0];
	v11 =	vmul.f32 v51, v50  }
0x1cf: {  	v53 =	vmul.f32 v34, v34;
	v9 =	vmul.f32 v36, v36  }
0x1d0: {  	v5 =	vadd.f32 v49, v5;
	v8 =	vadd.s32 v8, v56;
	v33 =	vmul.f32 v11, v54  }
0x1d1: {  	v21 =	vadd.s32 v47, v8;
	v9 =	vadd.f32 v9, v44  }
0x1d2: {  	v5 =	vadd.f32 v53, v5;
	(xrf2) =	vadd.scan.msk.f32 $0xffff, v0;
	v0 =	vld [tilespmem:$0x1FFF0];
	v59 =	vadd.s32 v57, v8;
	v33 =	vmul.f32 v33, v11  }
0x1d3: {  	[tilespmem:$0x1FD90] =	vst v2;
	v60, _, _ =	vpop (xrf2);
	v43 =	vor.u32 $0x7, v59;
	v7 =	vadd.s32 v1, v56;
	v6 =	vadd.s32 v6, v56  }
0x1d4: {  	(xrf2) =	vadd.scan.msk.f32 $0xffff, v9;
	v49 =	vbroadcast v60, $0xF;
	v2 =	vadd.s32 v57, v6;
	v1 =	vsub.f32 $1.500000000e+00, v33  }
0x1d5: {  	v58 =	vadd.s32 v57, v7;
	v55 =	vadd.s32 v48, v7;
	v60 =	vadd.s32 v47, v7  }
0x1d6: {  	v54 =	vshrl.u32 v49, $0x1;
	v33 =	vor.u32 $0x7, v58;
	v63, _, _ =	vpop (xrf2);
	v1 =	vmul.f32 v1, v11  }
0x1d7: {  	v58 =	vadd.s32 v48, v8;
	(xrf2) =	vadd.scan.msk.f32 $0xffff, v10;
	v11 =	vadd.s32 v0, v56;
	v0 =	vor.u32 $0x7, v2;
	v2, _, _ =	vpop (xrf2)  }
0x1d8: {  	v44 =	vadd.s32 v57, v11;
	v2 =	vbroadcast v2, $0xF;
	v1 =	vmin.f32 v1, $1.000000000e+08  }
0x1d9: {  	(xrf2) =	vadd.scan.msk.f32 $0xffff, v5;
	v59 =	vadd.s32 v48, v11;
	v44 =	vor.u32 $0x7, v44;
	v62 =	vmul.f32 v1, v39  }
0x1da: {  	v39 =	vadd.s32 v48, v6;
	v9 =	vmul.f32 v1, v40;
	v40 =	vbroadcast v63, $0xF  }
0x1db: {  	v12 =	vmul.f32 v1, v13;
	v63 =	vadd.s32 v47, v6;
	[tilespmem:v33+s18+$0x0] =	vst.idx.msk $0xffff, v62;
	v33 =	vmul.f32 $5.000000000e-01, v49  }
0x1dc: {  	v56, _, _ =	vpop (xrf2);
	v3 =	vshrl.u32 v40, $0x1;
	[tilespmem:v0+s18+$0x0] =	vst.idx.msk $0xffff, v9;
	v0 =	vmul.f32 v1, v4;
	v9 =	vmul.f32 $5.000000000e-01, v40  }
0x1dd: {  	v1 =	vsub.s32 $0x5F3759DF, v54;
	v3 =	vsub.s32 $0x5F3759DF, v3;
	v4 =	vbroadcast v56, $0xF;
	[tilespmem:v43+s18+$0x0] =	vst.idx.msk $0xffff, v12  }
0x1de: {  	v53, _, _ =	vpop (xrf2);
	v10 =	vmul.f32 v1, v33;
	[tilespmem:v44+s18+$0x0] =	vst.idx.msk $0xffff, v0;
	v0 =	vmul.f32 v3, v9  }
0x1df: {  	v52 =	vshrl.u32 v4, $0x1;
	v48 =	vmul.f32 $5.000000000e-01, v4;
	v4 =	vbroadcast v53, $0xF  }
0x1e0: {  	v5 =	vmul.f32 v1, v10;
	v10 =	vshrl.u32 v2, $0x1;
	v2 =	vmul.f32 $5.000000000e-01, v2  }
0x1e1: {  	v44 =	vsub.s32 $0x5F3759DF, v52;
	v56, _, _ =	vpop (xrf2);
	v0 =	vmul.f32 v3, v0;
	v10 =	vsub.s32 $0x5F3759DF, v10  }
0x1e2: {  	v54 =	vshrl.u32 v4, $0x1;
	v50 =	vmul.f32 $5.000000000e-01, v4;
	v4 =	vbroadcast v56, $0xF  }
0x1e3: {  	v56, _, _ =	vpop (xrf2);
	v5 =	vsub.f32 $1.500000000e+00, v5;
	v57 =	vmul.f32 v10, v2;
	v49 =	vsub.s32 $0x5F3759DF, v54  }
0x1e4: {  	v54 =	vbroadcast v56, $0xF;
	v0 =	vsub.f32 $1.500000000e+00, v0;
	v53 =	vmul.f32 $5.000000000e-01, v4  }
0x1e5: {  	v62 =	vshrl.u32 v4, $0x1;
	v1 =	vmul.f32 v1, v5;
	v5 =	vmul.f32 v44, v48  }
0x1e6: {  	v43 =	vmul.f32 v10, v57;
	v57 =	vmul.f32 v49, v50;
	v52 =	vsub.s32 $0x5F3759DF, v62  }
0x1e7: {  	v41 =	vshrl.u32 v54, $0x1;
	v54 =	vmul.f32 $5.000000000e-01, v54;
	v5 =	vmul.f32 v44, v5  }
0x1e8: {  	v3 =	vmul.f32 v3, v0;
	v43 =	vsub.f32 $1.500000000e+00, v43;
	v51 =	vmul.f32 v49, v57  }
0x1e9: {  	v57 =	vmul.f32 v52, v53;
	v33 =	vmul.f32 v1, v33;
	v5 =	vsub.f32 $1.500000000e+00, v5  }
0x1ea: {  	v9 =	vmul.f32 v3, v9;
	v10 =	vmul.f32 v10, v43;
	v62 =	vsub.f32 $1.500000000e+00, v51  }
0x1eb: {  	v40 =	vadd.s32 v47, v11;
	v57 =	vmul.f32 v52, v57;
	v5 =	vmul.f32 v44, v5  }
0x1ec: {  	v51 =	vsub.s32 $0x5F3759DF, v41;
	v9 =	vmul.f32 v9, v3;
	v47 =	vmul.f32 v49, v62  }
0x1ed: {  	v56 =	vadd.s32 v46, v8;
	v62 =	vmul.f32 v51, v54;
	v48 =	vmul.f32 v5, v48  }
0x1ee: {  	v43 =	vadd.s32 v46, v7;
	v33 =	vmul.f32 v33, v1;
	v41 =	vsub.f32 $1.500000000e+00, v57  }
0x1ef: {  	v9 =	vsub.f32 $1.500000000e+00, v9;
	v49 =	vmul.f32 v51, v62;
	v48 =	vmul.f32 v48, v5  }
0x1f0: {  	v2 =	vmul.f32 v10, v2;
	v44 =	vadd.s32 v46, v6;
	v52 =	vmul.f32 v52, v41  }
0x1f1: {  	v3 =	vmul.f32 v9, v3;
	v49 =	vsub.f32 $1.500000000e+00, v49;
	v62 =	vsub.f32 $1.500000000e+00, v48  }
0x1f2: {  	v33 =	vsub.f32 $1.500000000e+00, v33;
	v50 =	vmul.f32 v47, v50;
	v53 =	vmul.f32 v52, v53  }
0x1f3: {  	v49 =	vmul.f32 v51, v49;
	v5 =	vmul.f32 v62, v5;
	v62 =	vmin.f32 v3, $1.000000000e+08;
	v3 =	vld [tilespmem:$0x1FD80]  }
0x1f4: {  	v57 =	vadd.s32 v46, v11;
	v2 =	vmul.f32 v2, v10;
	v46 =	vmul.f32 v53, v52  }
0x1f5: {  	v1 =	vmul.f32 v33, v1;
	v51 =	vmul.f32 v49, v54  }
0x1f6: {  	v50 =	vmul.f32 v50, v47;
	v9 =	vsub.f32 $1.500000000e+00, v46  }
0x1f7: {  	v2 =	vsub.f32 $1.500000000e+00, v2;
	v1 =	vmin.f32 v1, $1.000000000e+08;
	v53 =	vmul.f32 v51, v49  }
0x1f8: {  	v9 =	vmul.f32 v9, v52;
	v52 =	vmul.f32 v1, v3;
	v3 =	vld [tilespmem:$0x1FD90]  }
0x1f9: {  	v41 =	vsub.f32 $1.500000000e+00, v50;
	v2 =	vmul.f32 v2, v10;
	v54 =	vsub.f32 $1.500000000e+00, v53;
	_ =	sdelay $0x1  }
0x1fa: {  	v10 =	vmul.f32 v41, v47;
	v47 =	vmin.f32 v2, $1.000000000e+08;
	v2 =	vmul.f32 v54, v49  }
0x1fb: {  	v48 =	vmul.f32 v1, v30  }
0x1fc: {  	v30 =	vmul.f32 v1, v42;
	v50 =	vmul.f32 v1, v3;
	v1 =	vmin.f32 v2, $1.000000000e+08;
	v2 =	vld [tilespmem:$0x1FDA0]  }
0x1fd: {  	v21 =	vor.u32 $0x2, v21  }
0x1fe: {  	v60 =	vor.u32 $0x2, v60;
	v13 =	vadd.s32 v45, v6;
	v29 =	vmul.f32 v62, v29  }
0x1ff: {  	v12 =	vmul.f32 v62, v61;
	v61 =	vmul.f32 v47, v15;
	v15 =	vadd.s32 v32, v7  }
0x200: {  	v5 =	vmin.f32 v5, $1.000000000e+08;
	v41 =	vmin.f32 v10, $1.000000000e+08;
	v10 =	vadd.s32 v45, v7  }
0x201: {  	v51 =	vmul.f32 v5, v16;
	v16 =	vadd.s32 v32, v6;
	v4 =	vmul.f32 v62, v2;
	v2 =	vld [tilespmem:$0x1FDB0]  }
0x202: {  	v46 =	vmul.f32 v41, v20;
	v42 =	vmul.f32 v41, v36;
	v0 =	vmin.f32 v9, $1.000000000e+08  }
0x203: {  	v20 =	vadd.s32 v31, v7;
	v53 =	vmul.f32 v47, v38;
	v38 =	vmul.f32 v0, v19  }
0x204: {  	v9 =	vadd.s32 v31, v6;
	v36 =	vmul.f32 v0, v35;
	v54 =	vmul.f32 v47, v28  }
0x205: {  	v19 =	vadd.s32 v31, v8;
	v49 =	vmul.f32 v5, v18;
	v28 =	vmul.f32 v5, v37  }
0x206: {  	v18 =	vadd.s32 v32, v8;
	v37 =	vmul.f32 v0, v25;
	v3 =	vmul.f32 v62, v2  }
0x207: {  	p0 =	slt.u32 s29, $0xF8;
	v25 =	vor.u32 $0x1, v55;
	v62 =	vmul.f32 v47, v14;
	v47 =	vmul.f32 v5, v27;
	v5 =	vld [tilespmem:$0x1FDC0]  }
.Ltmp2:
0x208: {  	v55 =	vor.u32 $0x1, v39;
	v35 =	vmul.f32 v1, v22;
	v33 =	vmul.f32 v1, v23;
	(pc) =	sbr.rel @p0 .LBB2_7-.Ltmp2, $4  }
0x209: {  	v22 =	vadd.s32 v31, v11;
	v31 =	vmul.f32 v1, v34;
	v34 =	vor.u32 $0x1, v58  }
0x20a: {  	v23 =	vor.u32 $0x2, v63;
	v2 =	vadd.s32 v45, v8;
	v14 =	vadd.s32 v45, v11  }
0x20b: {  	v27 =	vmul.f32 v41, v17;
	v17 =	vadd.s32 v32, v11;
	v45 =	vmul.f32 v41, v26  }
0x20c: {  	s31 =	sadd.s32 $0x200, s31;
	v32 =	vmul.f32 v1, v24;
	v1 =	vor.u32 $0x1, v59;
	v41 =	vmul.f32 v0, v5  }
0x20d: {  	_ =	sdelay $0x3  }
0x20e: {  	[tilespmem:v25+s18+$0x0] =	vst.idx.msk $0xffff, v4  }
0x20f: {  	[tilespmem:v55+s18+$0x0] =	vst.idx.msk $0xffff, v3  }
0x210: {  	v5 =	vor.u32 $0x2, v40;
	v4 =	vld [tilespmem:$0x1FDD0];
	[tilespmem:v34+s18+$0x0] =	vst.idx.msk $0xffff, v29  }
0x211: {  	v43 =	vor.u32 $0x3, v43;
	[tilespmem:v60+s18+$0x0] =	vst.idx.msk $0xffff, v62  }
0x212: {  	v44 =	vor.u32 $0x3, v44;
	[tilespmem:v1+s18+$0x0] =	vst.idx.msk $0xffff, v12  }
0x213: {  	v60 =	vor.u32 $0x6, v20;
	[tilespmem:v23+s18+$0x0] =	vst.idx.msk $0xffff, v61  }
0x214: {  	v61 =	vor.u32 $0x6, v9;
	[tilespmem:v21+s18+$0x0] =	vst.idx.msk $0xffff, v54  }
0x215: {  	v62 =	vor.u32 $0x6, v19;
	[tilespmem:v5+s18+$0x0] =	vst.idx.msk $0xffff, v53  }
0x216: {  	[tilespmem:v43+s18+$0x0] =	vst.idx.msk $0xffff, v51;
	v0 =	vadd.s32 v4, v7  }
0x217: {  	[tilespmem:v44+s18+$0x0] =	vst.idx.msk $0xffff, v49;
	v34 =	vadd.s32 v4, v6  }
0x218: {  	v39 =	vadd.s32 v4, v8;
	[tilespmem:v60+s18+$0x0] =	vst.idx.msk $0xffff, v35  }
0x219: {  	v63 =	vor.u32 $0x6, v22;
	[tilespmem:v61+s18+$0x0] =	vst.idx.msk $0xffff, v33  }
0x21a: {  	v4 =	vadd.s32 v4, v11;
	[tilespmem:v62+s18+$0x0] =	vst.idx.msk $0xffff, v32  }
0x21b: {  	[tilespmem:v0+s18+$0x0] =	vst.idx.msk $0xffff, v52;
	v52 =	vor.u32 $0x4, v10  }
0x21c: {  	v53 =	vor.u32 $0x4, v13;
	[tilespmem:v34+s18+$0x0] =	vst.idx.msk $0xffff, v50  }
0x21d: {  	[tilespmem:v39+s18+$0x0] =	vst.idx.msk $0xffff, v48;
	v48 =	vor.u32 $0x3, v56  }
0x21e: {  	v54 =	vor.u32 $0x4, v2;
	[tilespmem:v63+s18+$0x0] =	vst.idx.msk $0xffff, v31  }
0x21f: {  	v56 =	vor.u32 $0x5, v15;
	[tilespmem:v4+s18+$0x0] =	vst.idx.msk $0xffff, v30  }
0x220: {  	v50 =	vor.u32 $0x3, v57;
	[tilespmem:v52+s18+$0x0] =	vst.idx.msk $0xffff, v27  }
0x221: {  	v55 =	vor.u32 $0x4, v14;
	[tilespmem:v53+s18+$0x0] =	vst.idx.msk $0xffff, v46  }
0x222: {  	v57 =	vor.u32 $0x5, v16;
	[tilespmem:v48+s18+$0x0] =	vst.idx.msk $0xffff, v47  }
0x223: {  	v58 =	vor.u32 $0x5, v18;
	[tilespmem:v54+s18+$0x0] =	vst.idx.msk $0xffff, v45  }
0x224: {  	v59 =	vor.u32 $0x5, v17;
	[tilespmem:v56+s18+$0x0] =	vst.idx.msk $0xffff, v41  }
0x225: {  	s0 =	sadd.s32 s28, s5;
	[tilespmem:v50+s18+$0x0] =	vst.idx.msk $0xffff, v28  }
0x226: {  	s0 =	sshll.u32 s0, $0x3;
	[tilespmem:v55+s18+$0x0] =	vst.idx.msk $0xffff, v42  }
0x227: {  	s0 =	sadd.s32 s1, s0;
	[tilespmem:v57+s18+$0x0] =	vst.idx.msk $0xffff, v38  }
0x228: {  	s28 =	simm.s32 $0x18400;
	s0 =	sadd.s32 $0x800, s0;
	[tilespmem:v58+s18+$0x0] =	vst.idx.msk $0xffff, v37  }
0x229: {  	s29 =	simm.s32 $0x10;
	s30 =	simm.s32 $0x18488;
	s31 =	sadd.s32 $0x0, s0;
	[tilespmem:v59+s18+$0x0] =	vst.idx.msk $0xffff, v36  }
.LBB2_9:
0x22a: {  	[hbm4b:s31+s3] =	stream.linear.scatter [tilespmem:s28], [sflag:$0x6], $0x80, $0x38;
	[tilespmem:$0x1C800] =	vst v63  }
0x22b: {  	s2 =	smov.u32 s29;
	s28 =	smov.u32 s30;
	p0 =	sne.s32 s29, $0x7F0  }
.Ltmp3:
0x22c: {  	s29 =	sadd.s32 $0x10, s29;
	(pc) =	sbr.rel @p0 .LBB2_9-.Ltmp3, $2  }
0x22d: {  	_ =	sdelay $0x2  }
0x22e: {  	s30 =	sadd.s32 $0x88, s30;
	s31 =	sadd.s32 s2, s0  }
0x22f: {  	[hbm4b:s31+s3] =	stream.linear.scatter [tilespmem:s28], [sflag:$0x6], $0x80, $0x38;
	[tilespmem:$0x1C800] =	vst v63  }
0x230: {  	p0 =	seq.s32 s24, $0xF  }
0x231: {  	s0 =	sshll.u32 @!p0 s24, $0xA  }
0x232: {  	s28 =	sand.u32 @!p0 $0x3FFFFC00, s0  }
0x233: {  	s2 =	simm.s32 @!p0 $0x100;
	s11 =	simm.s32 @!p0 $0x4000;
	s0 =	sadd.s32 @!p0 $0x400, s28  }
0x234: {  	[tilespmem:s11], [sflag:$0x1] =	stream.indirect.gather @!p0 [hbm4b:s4+s2], $0x40, s0, s2, $0xb8;
	[tilespmem:$0x1C800] =	vst v63  }
0x235: {  	_ =	swait.ge [sflag:s19], $0x4000  }
0x236: {  	[sflag:s19] =	ssyncset.done $0x0  }
0x237: {  	[sflag:s19] =	ssyncadd.s32 $0xFFFFC000  }
0x238: {  	_ =	swait.ge [sflag:s20], $0x4000  }
0x239: {  	[sflag:s20] =	ssyncset.done $0x0  }
0x23a: {  	s0 =	simm.s32 $0xC100;
	[sflag:s20] =	ssyncadd.s32 $0xFFFFC000  }
0x23b: {  	v43 =	vld [tilespmem:s0+$0xC0]  }
0x23c: {  	v7 =	vld [tilespmem:s0+$0xFFFFFF40]  }
0x23d: {  	v8 =	vld [tilespmem:s0+$0xD0]  }
0x23e: {  	v38 =	vld [tilespmem:s0+$0xE0]  }
0x23f: {  	v11 =	vld [tilespmem:s0+$0xF0]  }
0x240: {  	v12 =	vld [tilespmem:s0+$0xFFFFFF00]  }
0x241: {  	v10 =	vld [tilespmem:s0+$0xFFFFFF10];
	[tilespmem:$0x1FCF0] =	vst v7  }
0x242: {  	v9 =	vld [tilespmem:s0+$0xFFFFFF80];
	_ =	sdelay $0x4  }
0x243: {  	v62 =	vld [tilespmem:s0+$0xFFFFFF50];
	[tilespmem:$0x1FD00] =	vst v9  }
0x244: {  	v14 =	vld [tilespmem:s0+$0xFFFFFFC0];
	_ =	sdelay $0x4  }
0x245: {  	v13 =	vld [tilespmem:s0+$0xFFFFFF90];
	[tilespmem:$0x1FD10] =	vst v14  }
0x246: {  	v15 =	vld [tilespmem:s0+$0xFFFFFFD0];
	_ =	sdelay $0x3  }
0x247: {  	v0 =	vmul.f32 v43, v43;
	v1 =	vmul.f32 v8, v8  }
0x248: {  	[tilespmem:$0x1FD20] =	vst v15  }
0x249: {  	v0 =	vadd.f32 v1, v0;
	v1 =	vmul.f32 v38, v38;
	v23 =	vmul.f32 v9, v9;
	v9 =	vld [tilespmem:s0+$0x40];
	_ =	sdelay $0x1  }
0x24a: {  	v0 =	vadd.f32 v1, v0;
	v1 =	vmul.f32 v11, v11  }
0x24b: {  	v19 =	vld [tilespmem:$0x1FFC0]  }
0x24c: {  	s12 =	simm.s32 $0x2;
	s11 =	simm.s32 $0x1;
	v0 =	vadd.f32 v1, v0;
	v18 =	vld [tilespmem:s0+$0x0]  }
0x24d: {  	s30 =	simm.s32 $0x3;
	s12 =	sand.u32 $0x78, s12;
	s11 =	sand.u32 $0x78, s11;
	v16 =	vld [tilespmem:s0+$0x10];
	[tilespmem:$0x1FD30] =	vst v9  }
0x24e: {  	v5 =	vmov s12;
	v4 =	vmov s11;
	s11 =	sand.u32 $0x78, s30;
	(xrf2) =	vadd.scan.msk.f32 $0xffff, v0;
	v20 =	vld [tilespmem:s0+$0x80]  }
0x24f: {  	s29 =	simm.s32 $0x0;
	v5 =	vshrl.u32 v5, $0x3;
	v6 =	vmov s11;
	v4 =	vshrl.u32 v4, $0x3  }
0x250: {  	s12 =	simm.s32 $0x4;
	s2 =	sand.u32 $0x78, s29;
	v6 =	vshrl.u32 v6, $0x3;
	v4 =	vshll.u32 v4, v19;
	v29 =	vshll.u32 v5, v19  }
0x251: {  	s12 =	sand.u32 $0x78, s12;
	v6 =	vshll.u32 v6, v19;
	v40 =	vbroadcast v4, $0x0;
	v1 =	vmov s2  }
0x252: {  	v2 =	vmul.f32 v12, v12;
	v1 =	vshrl.u32 v1, $0x3;
	v0 =	vmov s12  }
0x253: {  	v3 =	vmul.f32 v10, v10;
	v1 =	vshll.u32 v1, v19;
	v0 =	vshrl.u32 v0, $0x3;
	v17 =	vld [tilespmem:s0+$0x50];
	[tilespmem:$0x1FD40] =	vst v20  }
0x254: {  	s11 =	simm.s32 $0x5;
	v39 =	vbroadcast v29, $0x0;
	v44 =	vshll.u32 v0, v19;
	v0 =	vbroadcast v1, $0x0;
	v21 =	vld [tilespmem:s0+$0x90]  }
0x255: {  	v2 =	vadd.f32 v3, v2;
	v3 =	vmul.f32 v7, v7;
	v7 =	vmul.f32 v62, v62;
	s2 =	sand.u32 $0x78, s11;
	v28 =	vld [tilespmem:s0+$0xFFFFFF20]  }
0x256: {  	v26 =	vmov s2;
	v24 =	vmul.f32 v14, v14;
	v25 =	vmul.f32 v15, v15;
	v27 =	vld [tilespmem:s0+$0xFFFFFF60]  }
0x257: {  	v3 =	vadd.f32 v7, v3;
	s12 =	simm.s32 $0x6;
	v5 =	vmul.f32 v18, v18;
	v30 =	vmul.f32 v16, v16;
	v14 =	vld [tilespmem:s0+$0xFFFFFFA0]  }
0x258: {  	v26 =	vshrl.u32 v26, $0x3;
	s2 =	sand.u32 $0x78, s12;
	v32 =	vmul.f32 v9, v9;
	v33 =	vmul.f32 v17, v17;
	v15 =	vld [tilespmem:s0+$0xFFFFFFE0];
	[tilespmem:$0x1FCE0] =	vst v0;
	v0, _, _ =	vpop (xrf2)  }
0x259: {  	v31 =	vmov s2;
	v41 =	vadd.f32 v30, v5;
	v30 =	vld [tilespmem:s0+$0xFFFFFF30];
	v0 =	vbroadcast v0, $0xF  }
0x25a: {  	v4 =	vshll.u32 v26, v19;
	v45 =	vshrl.u32 v31, $0x3;
	v1 =	vadd.f32 v33, v32;
	v32 =	vld [tilespmem:s0+$0xFFFFFF70]  }
0x25b: {  	v7 =	vmul.f32 v13, v13;
	v35 =	vmul.f32 v20, v20;
	v42 =	vshrl.u32 v0, $0x1  }
0x25c: {  	v31 =	vld [tilespmem:s0+$0x20];
	v46 =	vmul.f32 $5.000000000e-01, v0;
	v47 =	vsub.s32 $0x5F3759DF, v42;
	v42 =	vbroadcast v6, $0x0  }
0x25d: {  	v7 =	vadd.f32 v7, v23;
	v20 =	vld [tilespmem:s0+$0x60];
	v58 =	vmul.f32 v21, v21;
	v36 =	vmul.f32 v28, v28  }
0x25e: {  	v34 =	vadd.f32 v25, v24;
	v22 =	vld [tilespmem:s0+$0xA0];
	v37 =	vmul.f32 v27, v27;
	v59 =	vmul.f32 v47, v46  }
0x25f: {  	v33 =	vld [tilespmem:s0+$0x70];
	v60 =	vmul.f32 v30, v30;
	v49 =	vmul.f32 v32, v32;
	v2 =	vadd.f32 v36, v2  }
0x260: {  	v29 =	vadd.f32 v58, v35;
	v35 =	vld [tilespmem:s0+$0xFFFFFFB0];
	v3 =	vadd.f32 v37, v3;
	v51 =	vmul.f32 v47, v59  }
0x261: {  	v48 =	vmul.f32 v14, v14;
	v50 =	vmul.f32 v15, v15;
	v37 =	vld [tilespmem:s0+$0xFFFFFFF0];
	v2 =	vadd.f32 v60, v2  }
0x262: {  	v6 =	vmul.f32 v31, v31;
	v3 =	vadd.f32 v49, v3;
	v63 =	vsub.f32 $1.500000000e+00, v51  }
0x263: {  	s30 =	simm.s32 $0x0;
	v61 =	vmul.f32 v20, v20;
	v54 =	vmul.f32 v22, v22;
	v7 =	vadd.f32 v48, v7;
	(xrf2) =	vadd.scan.msk.f32 $0xffff, v2  }
0x264: {  	s2 =	sand.u32 $0x40, s30;
	v9 =	vld [tilespmem:s0+$0xB0];
	v58 =	vmul.f32 v33, v33;
	(xrf2) =	vadd.scan.msk.f32 $0xffff, v3;
	v3 =	vadd.f32 v6, v41;
	v6 =	vmul.f32 v47, v63  }
0x265: {  	s11 =	simm.s32 $0x7;
	v36 =	vld [tilespmem:s0+$0x30];
	v59 =	vmov s2;
	v1 =	vadd.f32 v61, v1;
	v55 =	vmul.f32 v35, v35  }
0x266: {  	s12 =	sand.u32 $0x78, s11;
	v2 =	vadd.f32 v50, v34;
	v56 =	vmul.f32 v37, v37;
	v46 =	vmul.f32 v6, v46  }
0x267: {  	v0 =	vld [tilespmem:$0x1FFB0];
	v61 =	vmov s12;
	v29 =	vadd.f32 v54, v29;
	v7 =	vadd.f32 v55, v7  }
0x268: {  	v60 =	vmul.u32 $0x88, v59;
	v2 =	vadd.f32 v56, v2;
	v46 =	vmul.f32 v46, v6  }
0x269: {  	v1 =	vadd.f32 v58, v1;
	v58 =	vbroadcast v4, $0x0;
	(xrf2) =	vadd.scan.msk.f32 $0xffff, v7;
	v7 =	vmul.f32 v9, v9  }
0x26a: {  	v57 =	vmul.f32 v36, v36;
	(xrf2) =	vadd.scan.msk.f32 $0xffff, v2;
	v63 =	vsub.f32 $1.500000000e+00, v46;
	v46 =	vbroadcast v60, $0x0  }
0x26b: {  	v4 =	vshll.u32 v45, v19;
	v29 =	vadd.f32 v7, v29;
	v7 =	vshrl.u32 v61, $0x3  }
0x26c: {  	v3 =	vadd.f32 v57, v3;
	v2 =	vshll.u32 v7, v19;
	v7 =	vadd.s32 v0, v46;
	v0 =	vld [tilespmem:$0x1FFD0]  }
0x26d: {  	v45 =	vbroadcast v2, $0x0;
	v2 =	vmul.f32 v63, v6;
	v6, _, _ =	vpop (xrf2)  }
0x26e: {  	v41 =	vbroadcast v44, $0x0;
	(xrf2) =	vadd.scan.msk.f32 $0xffff, v3;
	v3 =	vbroadcast v6, $0xF  }
0x26f: {  	v55 =	vbroadcast v4, $0x0;
	v25 =	vadd.s32 v40, v7;
	v24 =	vadd.s32 v39, v7;
	v4, _, _ =	vpop (xrf2)  }
0x270: {  	v44 =	vmin.f32 v2, $1.000000000e+08;
	(xrf2) =	vadd.scan.msk.f32 $0xffff, v1;
	v4 =	vbroadcast v4, $0xF;
	v1 =	vshrl.u32 v3, $0x1  }
0x271: {  	v3 =	vmul.f32 $5.000000000e-01, v3;
	v6 =	vadd.s32 v0, v46;
	v0 =	vmul.f32 v44, v8  }
0x272: {  	v1 =	vsub.s32 $0x5F3759DF, v1;
	v34 =	vshrl.u32 v4, $0x1;
	v4 =	vmul.f32 $5.000000000e-01, v4  }
0x273: {  	v2 =	vmul.f32 v44, v43;
	v52, _, _ =	vpop (xrf2);
	v53 =	vmul.f32 v1, v3;
	v43 =	vsub.s32 $0x5F3759DF, v34;
	[tilespmem:$0x1FD50] =	vst v0;
	v0 =	vld [tilespmem:$0x1FFE0]  }
0x274: {  	v50 =	vadd.s32 v45, v7;
	v47 =	vbroadcast v52, $0xF;
	v54 =	vmul.f32 v43, v4;
	v57, _, _ =	vpop (xrf2)  }
0x275: {  	(xrf2) =	vadd.scan.msk.f32 $0xffff, v29;
	v23 =	vadd.s32 v39, v6;
	v29 =	vmul.f32 v1, v53;
	v59 =	vbroadcast v57, $0xF  }
0x276: {  	v57 =	vadd.s32 v45, v6;
	v56 =	vshrl.u32 v47, $0x1;
	v49 =	vmul.f32 v43, v54  }
0x277: {  	v47 =	vmul.f32 $5.000000000e-01, v47;
	v19 =	vor.u32 $0x7, v57;
	v29 =	vsub.f32 $1.500000000e+00, v29  }
0x278: {  	v34 =	vsub.f32 $1.500000000e+00, v49;
	v60, _, _ =	vpop (xrf2);
	v8 =	vadd.s32 v0, v46;
	v0 =	vmul.f32 v44, v38  }
0x279: {  	v61 =	vshrl.u32 v59, $0x1;
	v38 =	vmul.f32 $5.000000000e-01, v59;
	v49 =	vbroadcast v60, $0xF  }
0x27a: {  	v51 =	vsub.s32 $0x5F3759DF, v61;
	v1 =	vmul.f32 v1, v29;
	v43 =	vmul.f32 v43, v34  }
0x27b: {  	[tilespmem:$0x1FD60] =	vst v0;
	v0 =	vmul.f32 v44, v11;
	v52 =	vshrl.u32 v49, $0x1;
	v49 =	vmul.f32 $5.000000000e-01, v49  }
0x27c: {  	v11 =	vsub.s32 $0x5F3759DF, v56;
	v29, _, _ =	vpop (xrf2);
	v53 =	vmul.f32 v51, v38;
	v3 =	vmul.f32 v1, v3  }
0x27d: {  	v63 =	vmul.f32 v11, v47;
	v29 =	vbroadcast v29, $0xF;
	v52 =	vsub.s32 $0x5F3759DF, v52  }
0x27e: {  	v61 =	vor.u32 $0x7, v50;
	v4 =	vmul.f32 v43, v4;
	v54 =	vmul.f32 v52, v49  }
0x27f: {  	v5 =	vmovc v21;
	v21 =	vadd.s32 v39, v8;
	v53 =	vmul.f32 v51, v53;
	v3 =	vmul.f32 v3, v1  }
0x280: {  	[tilespmem:$0x1FD70] =	vst v0;
	v0 =	vld [tilespmem:$0x1FFF0];
	v44 =	vmul.f32 v11, v63;
	v56 =	vshrl.u32 v29, $0x1;
	v29 =	vmul.f32 $5.000000000e-01, v29  }
0x281: {  	v4 =	vmul.f32 v4, v43;
	v48 =	vsub.s32 $0x5F3759DF, v56;
	v53 =	vsub.f32 $1.500000000e+00, v53  }
0x282: {  	v54 =	vmul.f32 v52, v54;
	v3 =	vsub.f32 $1.500000000e+00, v3;
	v44 =	vsub.f32 $1.500000000e+00, v44;
	v63, _, _ =	vpop (xrf2)  }
0x283: {  	v56 =	vmul.f32 v48, v29;
	v4 =	vsub.f32 $1.500000000e+00, v4;
	v50 =	vbroadcast v63, $0xF  }
0x284: {  	v54 =	vsub.f32 $1.500000000e+00, v54;
	v51 =	vmul.f32 v51, v53;
	v1 =	vmul.f32 v3, v1  }
0x285: {  	v44 =	vmul.f32 v11, v44;
	v56 =	vmul.f32 v48, v56;
	v11 =	vadd.s32 v0, v46  }
0x286: {  	v4 =	vmul.f32 v4, v43;
	v34 =	vshrl.u32 v50, $0x1;
	v50 =	vmul.f32 $5.000000000e-01, v50  }
0x287: {  	v43 =	vadd.s32 v42, v7;
	v52 =	vmul.f32 v52, v54;
	v59 =	vsub.s32 $0x5F3759DF, v34  }
0x288: {  	v38 =	vmul.f32 v51, v38;
	v60 =	vsub.f32 $1.500000000e+00, v56;
	v63 =	vmul.f32 v59, v50  }
0x289: {  	v26 =	vadd.s32 v40, v11;
	v1 =	vmin.f32 v1, $1.000000000e+08;
	v53 =	vmul.f32 v44, v47  }
0x28a: {  	v34 =	vadd.s32 v45, v8;
	v48 =	vmul.f32 v48, v60;
	v54 =	vmul.f32 v59, v63  }
0x28b: {  	v45 =	vadd.s32 v45, v11;
	v30 =	vmul.f32 v1, v30;
	v49 =	vmul.f32 v52, v49  }
0x28c: {  	v3 =	vmul.f32 v38, v51;
	v29 =	vmul.f32 v48, v29;
	v56 =	vsub.f32 $1.500000000e+00, v54  }
0x28d: {  	v60 =	vor.u32 $0x7, v34;
	v63 =	vor.u32 $0x7, v45;
	v45 =	vmul.f32 v53, v44  }
0x28e: {  	v3 =	vsub.f32 $1.500000000e+00, v3;
	v29 =	vmul.f32 v29, v48;
	v46 =	vmul.f32 v59, v56  }
0x28f: {  	v34 =	vadd.s32 v40, v8;
	v53 =	vmul.f32 v49, v52;
	v57 =	vsub.f32 $1.500000000e+00, v45  }
0x290: {  	v3 =	vmul.f32 v3, v51;
	v29 =	vsub.f32 $1.500000000e+00, v29;
	v50 =	vmul.f32 v46, v50  }
0x291: {  	v59 =	vadd.s32 v40, v6;
	v38 =	vmul.f32 v57, v44;
	v56 =	vsub.f32 $1.500000000e+00, v53  }
0x292: {  	v40 =	vadd.s32 v39, v11;
	v29 =	vmul.f32 v29, v48;
	v54 =	vmul.f32 v50, v46  }
0x293: {  	v48 =	vmul.f32 v1, v28;
	v28 =	vmin.f32 v38, $1.000000000e+08;
	v38 =	vmin.f32 v3, $1.000000000e+08;
	v3 =	vld [tilespmem:$0x1FCF0];
	[tilespmem:v61+s15+$0x0] =	vst.idx.msk $0xffff, v2  }
0x294: {  	v44 =	vadd.s32 v42, v6;
	v57 =	vsub.f32 $1.500000000e+00, v54;
	v54 =	vmul.f32 v28, v14;
	v14 =	vld [tilespmem:$0x1FD10]  }
0x295: {  	v45 =	vmul.f32 v56, v52;
	v52 =	vmul.f32 v1, v12;
	v56 =	vadd.s32 v42, v8  }
0x296: {  	v50 =	vmul.f32 v1, v10;
	v1 =	vmin.f32 v4, $1.000000000e+08;
	v2 =	vld [tilespmem:$0x1FD00];
	v61 =	vmul.f32 v28, v13  }
0x297: {  	v53 =	vmul.f32 v28, v35;
	v47 =	vmul.f32 v38, v15;
	v0 =	vmin.f32 v29, $1.000000000e+08  }
0x298: {  	v29 =	vmul.f32 v1, v27;
	v39 =	vmul.f32 v57, v46;
	v57 =	vadd.s32 v42, v11  }
0x299: {  	v42 =	vmin.f32 v45, $1.000000000e+08;
	v4 =	vmul.f32 v1, v3;
	v51 =	vmul.f32 v38, v14;
	v14 =	vld [tilespmem:$0x1FD20]  }
0x29a: {  	v3 =	vmul.f32 v1, v62;
	v45 =	vmul.f32 v42, v31;
	v31 =	vld [tilespmem:$0x1FD30]  }
0x29b: {  	v62 =	vmul.f32 v28, v2;
	v28 =	vmul.f32 v38, v37  }
0x29c: {  	v10 =	vadd.s32 v41, v7;
	v27 =	vmul.f32 v42, v18;
	v46 =	vmul.f32 v42, v16  }
0x29d: {  	v13 =	vadd.s32 v41, v6;
	v42 =	vmul.f32 v42, v36;
	v37 =	vmul.f32 v0, v20  }
0x29e: {  	v2 =	vadd.s32 v41, v8;
	v36 =	vmul.f32 v0, v33;
	v49 =	vmul.f32 v38, v14  }
0x29f: {  	v14 =	vadd.s32 v41, v11;
	v41 =	vmul.f32 v0, v31;
	v38 =	vmul.f32 v0, v17;
	v0 =	vld [tilespmem:$0x1FD40];
	_ =	sdelay $0x3  }
0x2a0: {  	v12 =	vmul.f32 v1, v32;
	v1 =	vmin.f32 v39, $1.000000000e+08  }
0x2a1: {  	v35 =	vmul.f32 v1, v0;
	v0 =	vld [tilespmem:$0x1FD50];
	_ =	sdelay $0x4  }
0x2a2: {  	[tilespmem:v19+s15+$0x0] =	vst.idx.msk $0xffff, v0  }
0x2a3: {  	v0 =	vld [tilespmem:$0x1FD60];
	_ =	sdelay $0x4  }
0x2a4: {  	[tilespmem:v60+s15+$0x0] =	vst.idx.msk $0xffff, v0  }
0x2a5: {  	v25 =	vor.u32 $0x1, v25;
	v23 =	vor.u32 $0x2, v23;
	v21 =	vor.u32 $0x2, v21;
	v0 =	vld [tilespmem:$0x1FD70]  }
0x2a6: {  	v34 =	vor.u32 $0x1, v34;
	v15 =	vadd.s32 v58, v7;
	v16 =	vadd.s32 v58, v6  }
0x2a7: {  	v18 =	vadd.s32 v58, v8;
	v20 =	vadd.s32 v55, v7;
	v33 =	vmul.f32 v1, v5  }
0x2a8: {  	v32 =	vmul.f32 v1, v22;
	v22 =	vadd.s32 v55, v11;
	v17 =	vadd.s32 v58, v11  }
0x2a9: {  	v31 =	vmul.f32 v1, v9;
	v9 =	vadd.s32 v55, v6;
	v1 =	vor.u32 $0x1, v26  }
0x2aa: {  	s31 =	simm.s32 $0xC300;
	v19 =	vadd.s32 v55, v8;
	v55 =	vor.u32 $0x1, v59;
	v60 =	vor.u32 $0x2, v24;
	[tilespmem:v63+s15+$0x0] =	vst.idx.msk $0xffff, v0  }
.LBB2_11:
0x2ab: {  	v39 =	vld [tilespmem:s31+$0xC0]  }
0x2ac: {  	v63 =	vor.u32 $0x2, v40;
	v40 =	vld [tilespmem:s31+$0xD0]  }
0x2ad: {  	v24 =	vor.u32 $0x4, v14;
	v14 =	vld [tilespmem:$0x1FCE0]  }
0x2ae: {  	v0 =	vld [tilespmem:s31+$0xFFFFFF00]  }
0x2af: {  	v5 =	vor.u32 $0x3, v43;
	v43 =	vor.u32 $0x3, v44;
	[tilespmem:v25+s15+$0x0] =	vst.idx.msk $0xffff, v4  }
0x2b0: {  	v44 =	vor.u32 $0x3, v57;
	v26 =	vor.u32 $0x4, v13;
	v25 =	vor.u32 $0x4, v2;
	[tilespmem:v55+s15+$0x0] =	vst.idx.msk $0xffff, v3  }
0x2b1: {  	v13 =	vld [tilespmem:s31+$0xE0];
	v59 =	vor.u32 $0x5, v16;
	v57 =	vor.u32 $0x5, v17;
	v3 =	vor.u32 $0x5, v15;
	[tilespmem:v34+s15+$0x0] =	vst.idx.msk $0xffff, v29  }
0x2b2: {  	v2 =	vld [tilespmem:s31+$0xFFFFFF10];
	v55 =	vor.u32 $0x6, v9;
	[tilespmem:v1+s15+$0x0] =	vst.idx.msk $0xffff, v12;
	v9 =	vadd.s32 v14, v7;
	v15 =	vmul.f32 v39, v39  }
0x2b3: {  	[tilespmem:$0x1FC90] =	vst v0;
	v16 =	vmul.f32 v40, v40;
	v6 =	vadd.s32 v14, v6;
	v17 =	vmul.f32 v0, v0;
	v0 =	vld [tilespmem:s31+$0xFFFFFF50]  }
0x2b4: {  	v8 =	vadd.s32 v14, v8;
	v11 =	vadd.s32 v14, v11;
	v14 =	vld [tilespmem:s31+$0xFFFFFF80];
	[tilespmem:v60+s15+$0x0] =	vst.idx.msk $0xffff, v62  }
0x2b5: {  	v58 =	vor.u32 $0x5, v18;
	v18 =	vadd.f32 v16, v15;
	v15 =	vld [tilespmem:s31+$0xFFFFFF90];
	[tilespmem:v23+s15+$0x0] =	vst.idx.msk $0xffff, v61  }
0x2b6: {  	v4 =	vld [tilespmem:s31+$0xF0];
	v34 =	vor.u32 $0x6, v20;
	v20 =	vmul.f32 v13, v13;
	[tilespmem:v21+s15+$0x0] =	vst.idx.msk $0xffff, v54  }
0x2b7: {  	v16 =	vld [tilespmem:s31+$0xFFFFFFC0];
	[tilespmem:v63+s15+$0x0] =	vst.idx.msk $0xffff, v53  }
0x2b8: {  	v56 =	vor.u32 $0x3, v56;
	v20 =	vadd.f32 v20, v18;
	v18 =	vld [tilespmem:s31+$0xFFFFFFD0];
	[tilespmem:v5+s15+$0x0] =	vst.idx.msk $0xffff, v51  }
0x2b9: {  	s0 =	smov.u32 s29;
	v10 =	vor.u32 $0x4, v10;
	s29 =	sadd.s32 $0x8, s29;
	[tilespmem:$0x1FCC0] =	vst v0  }
0x2ba: {  	s2 =	sand.u32 $0x78, s29;
	s11 =	sadd.s32 $0x9, s0;
	s12 =	sadd.s32 $0xA, s0;
	v12 =	vor.u32 $0x6, v22;
	v1 =	vld [tilespmem:s31+$0xFFFFFF40];
	[tilespmem:v9+s15+$0x0] =	vst.idx.msk $0xffff, v52  }
0x2bb: {  	v7 =	vor.u32 $0x6, v19;
	v19 =	vmov s2;
	s2 =	sand.u32 $0x78, s11;
	s11 =	sand.u32 $0x78, s12;
	s12 =	sadd.s32 $0xB, s0;
	v22 =	vmul.f32 v2, v2;
	v62 =	vld [tilespmem:$0x1FFC0];
	[tilespmem:v43+s15+$0x0] =	vst.idx.msk $0xffff, v49  }
0x2bc: {  	v60 =	vmov s11;
	s11 =	sand.u32 $0x78, s12;
	v23 =	vmul.f32 v4, v4;
	[tilespmem:v6+s15+$0x0] =	vst.idx.msk $0xffff, v50  }
0x2bd: {  	s12 =	sadd.s32 $0xC, s0;
	v61 =	vmov s11;
	v9 =	vadd.f32 v22, v17;
	v17 =	vld [tilespmem:s31+$0x0];
	[tilespmem:v56+s15+$0x0] =	vst.idx.msk $0xffff, v47  }
0x2be: {  	v29 =	vmov s2;
	s11 =	sand.u32 $0x78, s12;
	s12 =	sadd.s32 $0xD, s0;
	v63 =	vshrl.u32 v61, $0x3;
	v23 =	vadd.f32 v23, v20;
	v20 =	vld [tilespmem:s31+$0x10];
	[tilespmem:v10+s15+$0x0] =	vst.idx.msk $0xffff, v27  }
0x2bf: {  	s2 =	sand.u32 $0x78, s12;
	v22 =	vmul.f32 v1, v1;
	v6 =	vshrl.u32 v19, $0x3;
	v19 =	vmul.f32 v0, v0;
	[tilespmem:v8+s15+$0x0] =	vst.idx.msk $0xffff, v48  }
0x2c0: {  	v52 =	vmov s11;
	v0 =	vld [tilespmem:s31+$0x40];
	v50 =	vmov s2;
	v56 =	vshll.u32 v63, v62;
	[tilespmem:v44+s15+$0x0] =	vst.idx.msk $0xffff, v28  }
0x2c1: {  	s11 =	sadd.s32 $0xE, s0;
	v61 =	vshrl.u32 v52, $0x3;
	v6 =	vshll.u32 v6, v62;
	[tilespmem:v11+s15+$0x0] =	vst.idx.msk $0xffff, v30;
	v11 =	vadd.f32 v19, v22;
	v19 =	vld [tilespmem:s31+$0x50]  }
0x2c2: {  	s2 =	sand.u32 $0x78, s11;
	v8 =	vshrl.u32 v29, $0x3;
	v29 =	vmul.f32 v14, v14;
	v48 =	vmul.f32 v16, v16;
	[tilespmem:v26+s15+$0x0] =	vst.idx.msk $0xffff, v46;
	v27 =	vld [tilespmem:s31+$0xFFFFFFE0]  }
0x2c3: {  	v54 =	vmov s2;
	v50 =	vshrl.u32 v50, $0x3;
	v10 =	vshll.u32 v61, v62;
	v26 =	vld [tilespmem:s31+$0x20];
	[tilespmem:v25+s15+$0x0] =	vst.idx.msk $0xffff, v45  }
0x2c4: {  	v22 =	vmul.f32 v15, v15;
	(xrf2) =	vadd.scan.msk.f32 $0xffff, v23;
	v23 =	vshrl.u32 v60, $0x3;
	v25 =	vld [tilespmem:s31+$0x60];
	[tilespmem:v3+s15+$0x0] =	vst.idx.msk $0xffff, v41  }
0x2c5: {  	v46 =	vbroadcast v56, $0x0;
	v6 =	vbroadcast v6, $0x0;
	v5 =	vshll.u32 v23, v62;
	v23 =	vld [tilespmem:s31+$0x90];
	[tilespmem:v24+s15+$0x0] =	vst.idx.msk $0xffff, v42  }
0x2c6: {  	v45 =	vbroadcast v10, $0x0;
	v30 =	vld [tilespmem:s31+$0xFFFFFF20];
	[tilespmem:v59+s15+$0x0] =	vst.idx.msk $0xffff, v38;
	v53 =	vadd.f32 v22, v29;
	v29 =	vmul.f32 v18, v18  }
0x2c7: {  	v8 =	vshll.u32 v8, v62;
	v22 =	vld [tilespmem:s31+$0x80];
	v51 =	vmul.f32 v17, v17;
	[tilespmem:$0x1FCE0] =	vst v6;
	v47 =	vbroadcast v5, $0x0  }
0x2c8: {  	v52 =	vshrl.u32 v54, $0x3;
	v24 =	vld [tilespmem:s31+$0xA0];
	[tilespmem:v34+s15+$0x0] =	vst.idx.msk $0xffff, v35;
	v60 =	vmul.f32 v20, v20;
	v63 =	vmul.f32 v0, v0  }
0x2c9: {  	s0 =	sadd.s32 $0xF, s0;
	v34 =	vld [tilespmem:s31+$0xB0];
	[tilespmem:v55+s15+$0x0] =	vst.idx.msk $0xffff, v33;
	v43 =	vadd.f32 v29, v48;
	v48 =	vbroadcast v8, $0x0;
	v8 =	vshll.u32 v50, v62  }
0x2ca: {  	s30 =	sadd.s32 $0x4, s30;
	s0 =	sand.u32 $0x78, s0;
	v42 =	vld [tilespmem:s31+$0xFFFFFF30];
	[tilespmem:$0x1FCD0] =	vst v0;
	v44 =	vadd.f32 v60, v51;
	v60 =	vmul.f32 v19, v19;
	v41 =	vmul.f32 v27, v27  }
0x2cb: {  	s12 =	sand.u32 $0x40, s30;
	v55 =	vmov s0;
	v29 =	vld [tilespmem:s31+$0xFFFFFF60];
	[tilespmem:v7+s15+$0x0] =	vst.idx.msk $0xffff, v32;
	v50 =	vmul.f32 v26, v26;
	v32 =	vbroadcast v8, $0x0  }
0x2cc: {  	v28 =	vld [tilespmem:s31+$0xFFFFFFA0];
	[tilespmem:v12+s15+$0x0] =	vst.idx.msk $0xffff, v31;
	v31 =	vmov s12;
	v0 =	vmul.f32 v23, v23;
	v61 =	vmul.f32 v22, v22  }
0x2cd: {  	[tilespmem:v58+s15+$0x0] =	vst.idx.msk $0xffff, v37;
	v8 =	vshll.u32 v52, v62;
	v31 =	vmul.u32 $0x88, v31;
	v6 =	vadd.f32 v60, v63  }
0x2ce: {  	v63 =	vmul.f32 v30, v30;
	v60 =	vmul.f32 v25, v25;
	v5 =	vadd.f32 v0, v61;
	v61 =	vld [tilespmem:s31+$0xFFFFFF70];
	v51, _, _ =	vpop (xrf2)  }
0x2cf: {  	v38 =	vld [tilespmem:s31+$0xFFFFFFB0];
	[tilespmem:v57+s15+$0x0] =	vst.idx.msk $0xffff, v36;
	v43 =	vadd.f32 v41, v43;
	v41 =	vmul.f32 v42, v42;
	v54 =	vbroadcast v51, $0xF  }
0x2d0: {  	v35 =	vld [tilespmem:s31+$0x70];
	v44 =	vadd.f32 v50, v44;
	v49 =	vmul.f32 v29, v29;
	v0 =	vadd.f32 v63, v9  }
0x2d1: {  	v37 =	vld [tilespmem:s31+$0xFFFFFFF0];
	v9 =	vmul.f32 v28, v28;
	v59 =	vshrl.u32 v54, $0x1;
	v54 =	vmul.f32 $5.000000000e-01, v54  }
0x2d2: {  	v6 =	vadd.f32 v60, v6;
	v0 =	vadd.f32 v41, v0;
	v51 =	vsub.s32 $0x5F3759DF, v59  }
0x2d3: {  	v11 =	vadd.f32 v49, v11;
	v60 =	vmul.f32 v61, v61;
	v63 =	vmul.f32 v51, v54  }
0x2d4: {  	v56 =	vbroadcast v31, $0x0;
	v9 =	vadd.f32 v9, v53;
	v41 =	vmul.f32 v38, v38;
	(xrf2) =	vadd.scan.msk.f32 $0xffff, v0  }
0x2d5: {  	v36 =	vld [tilespmem:s31+$0x30];
	v7 =	vmul.f32 v35, v35;
	v10 =	vadd.f32 v60, v11;
	v63 =	vmul.f32 v51, v63  }
0x2d6: {  	[tilespmem:$0x1FCB0] =	vst v1;
	v31 =	vbroadcast v8, $0x0;
	v8 =	vld [tilespmem:$0x1FFE0];
	v1 =	vadd.f32 v41, v9;
	v11 =	vmul.f32 v37, v37  }
0x2d7: {  	(xrf2) =	vadd.scan.msk.f32 $0xffff, v10;
	v10 =	vadd.f32 v7, v6;
	v6 =	vshrl.u32 v55, $0x3;
	v50 =	vsub.f32 $1.500000000e+00, v63  }
0x2d8: {  	v49 =	vmul.f32 v24, v24;
	v6 =	vshll.u32 v6, v62;
	(xrf2) =	vadd.scan.msk.f32 $0xffff, v1;
	v1 =	vld [tilespmem:$0x1FFB0]  }
0x2d9: {  	v0 =	vadd.f32 v11, v43;
	v57 =	vbroadcast v6, $0x0;
	v6 =	vld [tilespmem:$0x1FFD0];
	v11 =	vmul.f32 v51, v50  }
0x2da: {  	v53 =	vmul.f32 v34, v34;
	v9 =	vmul.f32 v36, v36  }
0x2db: {  	v5 =	vadd.f32 v49, v5;
	v8 =	vadd.s32 v8, v56;
	v33 =	vmul.f32 v11, v54  }
0x2dc: {  	v21 =	vadd.s32 v47, v8;
	v9 =	vadd.f32 v9, v44  }
0x2dd: {  	v5 =	vadd.f32 v53, v5;
	(xrf2) =	vadd.scan.msk.f32 $0xffff, v0;
	v0 =	vld [tilespmem:$0x1FFF0];
	v59 =	vadd.s32 v57, v8;
	v33 =	vmul.f32 v33, v11  }
0x2de: {  	[tilespmem:$0x1FCA0] =	vst v2;
	v60, _, _ =	vpop (xrf2);
	v43 =	vor.u32 $0x7, v59;
	v7 =	vadd.s32 v1, v56;
	v6 =	vadd.s32 v6, v56  }
0x2df: {  	(xrf2) =	vadd.scan.msk.f32 $0xffff, v9;
	v49 =	vbroadcast v60, $0xF;
	v2 =	vadd.s32 v57, v6;
	v1 =	vsub.f32 $1.500000000e+00, v33  }
0x2e0: {  	v58 =	vadd.s32 v57, v7;
	v55 =	vadd.s32 v48, v7;
	v60 =	vadd.s32 v47, v7  }
0x2e1: {  	v54 =	vshrl.u32 v49, $0x1;
	v33 =	vor.u32 $0x7, v58;
	v63, _, _ =	vpop (xrf2);
	v1 =	vmul.f32 v1, v11  }
0x2e2: {  	v58 =	vadd.s32 v48, v8;
	(xrf2) =	vadd.scan.msk.f32 $0xffff, v10;
	v11 =	vadd.s32 v0, v56;
	v0 =	vor.u32 $0x7, v2;
	v2, _, _ =	vpop (xrf2)  }
0x2e3: {  	v44 =	vadd.s32 v57, v11;
	v2 =	vbroadcast v2, $0xF;
	v1 =	vmin.f32 v1, $1.000000000e+08  }
0x2e4: {  	(xrf2) =	vadd.scan.msk.f32 $0xffff, v5;
	v59 =	vadd.s32 v48, v11;
	v44 =	vor.u32 $0x7, v44;
	v62 =	vmul.f32 v1, v39  }
0x2e5: {  	v39 =	vadd.s32 v48, v6;
	v9 =	vmul.f32 v1, v40;
	v40 =	vbroadcast v63, $0xF  }
0x2e6: {  	v12 =	vmul.f32 v1, v13;
	v63 =	vadd.s32 v47, v6;
	[tilespmem:v33+s15+$0x0] =	vst.idx.msk $0xffff, v62;
	v33 =	vmul.f32 $5.000000000e-01, v49  }
0x2e7: {  	v56, _, _ =	vpop (xrf2);
	v3 =	vshrl.u32 v40, $0x1;
	[tilespmem:v0+s15+$0x0] =	vst.idx.msk $0xffff, v9;
	v0 =	vmul.f32 v1, v4;
	v9 =	vmul.f32 $5.000000000e-01, v40  }
0x2e8: {  	v1 =	vsub.s32 $0x5F3759DF, v54;
	v3 =	vsub.s32 $0x5F3759DF, v3;
	v4 =	vbroadcast v56, $0xF;
	[tilespmem:v43+s15+$0x0] =	vst.idx.msk $0xffff, v12  }
0x2e9: {  	v53, _, _ =	vpop (xrf2);
	v10 =	vmul.f32 v1, v33;
	[tilespmem:v44+s15+$0x0] =	vst.idx.msk $0xffff, v0;
	v0 =	vmul.f32 v3, v9  }
0x2ea: {  	v52 =	vshrl.u32 v4, $0x1;
	v48 =	vmul.f32 $5.000000000e-01, v4;
	v4 =	vbroadcast v53, $0xF  }
0x2eb: {  	v5 =	vmul.f32 v1, v10;
	v10 =	vshrl.u32 v2, $0x1;
	v2 =	vmul.f32 $5.000000000e-01, v2  }
0x2ec: {  	v44 =	vsub.s32 $0x5F3759DF, v52;
	v56, _, _ =	vpop (xrf2);
	v0 =	vmul.f32 v3, v0;
	v10 =	vsub.s32 $0x5F3759DF, v10  }
0x2ed: {  	v54 =	vshrl.u32 v4, $0x1;
	v50 =	vmul.f32 $5.000000000e-01, v4;
	v4 =	vbroadcast v56, $0xF  }
0x2ee: {  	v56, _, _ =	vpop (xrf2);
	v5 =	vsub.f32 $1.500000000e+00, v5;
	v57 =	vmul.f32 v10, v2;
	v49 =	vsub.s32 $0x5F3759DF, v54  }
0x2ef: {  	v54 =	vbroadcast v56, $0xF;
	v0 =	vsub.f32 $1.500000000e+00, v0;
	v53 =	vmul.f32 $5.000000000e-01, v4  }
0x2f0: {  	v62 =	vshrl.u32 v4, $0x1;
	v1 =	vmul.f32 v1, v5;
	v5 =	vmul.f32 v44, v48  }
0x2f1: {  	v43 =	vmul.f32 v10, v57;
	v57 =	vmul.f32 v49, v50;
	v52 =	vsub.s32 $0x5F3759DF, v62  }
0x2f2: {  	v41 =	vshrl.u32 v54, $0x1;
	v54 =	vmul.f32 $5.000000000e-01, v54;
	v5 =	vmul.f32 v44, v5  }
0x2f3: {  	v3 =	vmul.f32 v3, v0;
	v43 =	vsub.f32 $1.500000000e+00, v43;
	v51 =	vmul.f32 v49, v57  }
0x2f4: {  	v57 =	vmul.f32 v52, v53;
	v33 =	vmul.f32 v1, v33;
	v5 =	vsub.f32 $1.500000000e+00, v5  }
0x2f5: {  	v9 =	vmul.f32 v3, v9;
	v10 =	vmul.f32 v10, v43;
	v62 =	vsub.f32 $1.500000000e+00, v51  }
0x2f6: {  	v40 =	vadd.s32 v47, v11;
	v57 =	vmul.f32 v52, v57;
	v5 =	vmul.f32 v44, v5  }
0x2f7: {  	v51 =	vsub.s32 $0x5F3759DF, v41;
	v9 =	vmul.f32 v9, v3;
	v47 =	vmul.f32 v49, v62  }
0x2f8: {  	v56 =	vadd.s32 v46, v8;
	v62 =	vmul.f32 v51, v54;
	v48 =	vmul.f32 v5, v48  }
0x2f9: {  	v43 =	vadd.s32 v46, v7;
	v33 =	vmul.f32 v33, v1;
	v41 =	vsub.f32 $1.500000000e+00, v57  }
0x2fa: {  	v9 =	vsub.f32 $1.500000000e+00, v9;
	v49 =	vmul.f32 v51, v62;
	v48 =	vmul.f32 v48, v5  }
0x2fb: {  	v2 =	vmul.f32 v10, v2;
	v44 =	vadd.s32 v46, v6;
	v52 =	vmul.f32 v52, v41  }
0x2fc: {  	v3 =	vmul.f32 v9, v3;
	v49 =	vsub.f32 $1.500000000e+00, v49;
	v62 =	vsub.f32 $1.500000000e+00, v48  }
0x2fd: {  	v33 =	vsub.f32 $1.500000000e+00, v33;
	v50 =	vmul.f32 v47, v50;
	v53 =	vmul.f32 v52, v53  }
0x2fe: {  	v49 =	vmul.f32 v51, v49;
	v5 =	vmul.f32 v62, v5;
	v62 =	vmin.f32 v3, $1.000000000e+08;
	v3 =	vld [tilespmem:$0x1FC90]  }
0x2ff: {  	v57 =	vadd.s32 v46, v11;
	v2 =	vmul.f32 v2, v10;
	v46 =	vmul.f32 v53, v52  }
0x300: {  	v1 =	vmul.f32 v33, v1;
	v51 =	vmul.f32 v49, v54  }
0x301: {  	v50 =	vmul.f32 v50, v47;
	v9 =	vsub.f32 $1.500000000e+00, v46  }
0x302: {  	v2 =	vsub.f32 $1.500000000e+00, v2;
	v1 =	vmin.f32 v1, $1.000000000e+08;
	v53 =	vmul.f32 v51, v49  }
0x303: {  	v9 =	vmul.f32 v9, v52;
	v52 =	vmul.f32 v1, v3;
	v3 =	vld [tilespmem:$0x1FCA0]  }
0x304: {  	v41 =	vsub.f32 $1.500000000e+00, v50;
	v2 =	vmul.f32 v2, v10;
	v54 =	vsub.f32 $1.500000000e+00, v53;
	_ =	sdelay $0x1  }
0x305: {  	v10 =	vmul.f32 v41, v47;
	v47 =	vmin.f32 v2, $1.000000000e+08;
	v2 =	vmul.f32 v54, v49  }
0x306: {  	v48 =	vmul.f32 v1, v30  }
0x307: {  	v30 =	vmul.f32 v1, v42;
	v50 =	vmul.f32 v1, v3;
	v1 =	vmin.f32 v2, $1.000000000e+08;
	v2 =	vld [tilespmem:$0x1FCB0]  }
0x308: {  	v21 =	vor.u32 $0x2, v21  }
0x309: {  	v60 =	vor.u32 $0x2, v60;
	v13 =	vadd.s32 v45, v6;
	v29 =	vmul.f32 v62, v29  }
0x30a: {  	v12 =	vmul.f32 v62, v61;
	v61 =	vmul.f32 v47, v15;
	v15 =	vadd.s32 v32, v7  }
0x30b: {  	v5 =	vmin.f32 v5, $1.000000000e+08;
	v41 =	vmin.f32 v10, $1.000000000e+08;
	v10 =	vadd.s32 v45, v7  }
0x30c: {  	v51 =	vmul.f32 v5, v16;
	v16 =	vadd.s32 v32, v6;
	v4 =	vmul.f32 v62, v2;
	v2 =	vld [tilespmem:$0x1FCC0]  }
0x30d: {  	v46 =	vmul.f32 v41, v20;
	v42 =	vmul.f32 v41, v36;
	v0 =	vmin.f32 v9, $1.000000000e+08  }
0x30e: {  	v20 =	vadd.s32 v31, v7;
	v53 =	vmul.f32 v47, v38;
	v38 =	vmul.f32 v0, v19  }
0x30f: {  	v9 =	vadd.s32 v31, v6;
	v36 =	vmul.f32 v0, v35;
	v54 =	vmul.f32 v47, v28  }
0x310: {  	v19 =	vadd.s32 v31, v8;
	v49 =	vmul.f32 v5, v18;
	v28 =	vmul.f32 v5, v37  }
0x311: {  	v18 =	vadd.s32 v32, v8;
	v37 =	vmul.f32 v0, v25;
	v3 =	vmul.f32 v62, v2  }
0x312: {  	p1 =	slt.u32 s29, $0xF8;
	v25 =	vor.u32 $0x1, v55;
	v62 =	vmul.f32 v47, v14;
	v47 =	vmul.f32 v5, v27;
	v5 =	vld [tilespmem:$0x1FCD0]  }
.Ltmp4:
0x313: {  	v55 =	vor.u32 $0x1, v39;
	v35 =	vmul.f32 v1, v22;
	v33 =	vmul.f32 v1, v23;
	(pc) =	sbr.rel @p1 .LBB2_11-.Ltmp4, $4  }
0x314: {  	v22 =	vadd.s32 v31, v11;
	v31 =	vmul.f32 v1, v34;
	v34 =	vor.u32 $0x1, v58  }
0x315: {  	v23 =	vor.u32 $0x2, v63;
	v2 =	vadd.s32 v45, v8;
	v14 =	vadd.s32 v45, v11  }
0x316: {  	v27 =	vmul.f32 v41, v17;
	v17 =	vadd.s32 v32, v11;
	v45 =	vmul.f32 v41, v26  }
0x317: {  	s31 =	sadd.s32 $0x200, s31;
	v32 =	vmul.f32 v1, v24;
	v1 =	vor.u32 $0x1, v59;
	v41 =	vmul.f32 v0, v5  }
0x318: {  	_ =	sdelay $0x3  }
0x319: {  	[tilespmem:v25+s15+$0x0] =	vst.idx.msk $0xffff, v4  }
0x31a: {  	[tilespmem:v55+s15+$0x0] =	vst.idx.msk $0xffff, v3  }
0x31b: {  	v5 =	vor.u32 $0x2, v40;
	v4 =	vld [tilespmem:$0x1FCE0];
	[tilespmem:v34+s15+$0x0] =	vst.idx.msk $0xffff, v29  }
0x31c: {  	v43 =	vor.u32 $0x3, v43;
	[tilespmem:v60+s15+$0x0] =	vst.idx.msk $0xffff, v62  }
0x31d: {  	v44 =	vor.u32 $0x3, v44;
	[tilespmem:v1+s15+$0x0] =	vst.idx.msk $0xffff, v12  }
0x31e: {  	v60 =	vor.u32 $0x6, v20;
	[tilespmem:v23+s15+$0x0] =	vst.idx.msk $0xffff, v61  }
0x31f: {  	v61 =	vor.u32 $0x6, v9;
	[tilespmem:v21+s15+$0x0] =	vst.idx.msk $0xffff, v54  }
0x320: {  	v62 =	vor.u32 $0x6, v19;
	[tilespmem:v5+s15+$0x0] =	vst.idx.msk $0xffff, v53  }
0x321: {  	[tilespmem:v43+s15+$0x0] =	vst.idx.msk $0xffff, v51;
	v0 =	vadd.s32 v4, v7  }
0x322: {  	[tilespmem:v44+s15+$0x0] =	vst.idx.msk $0xffff, v49;
	v34 =	vadd.s32 v4, v6  }
0x323: {  	v39 =	vadd.s32 v4, v8;
	[tilespmem:v60+s15+$0x0] =	vst.idx.msk $0xffff, v35  }
0x324: {  	v63 =	vor.u32 $0x6, v22;
	[tilespmem:v61+s15+$0x0] =	vst.idx.msk $0xffff, v33  }
0x325: {  	v4 =	vadd.s32 v4, v11;
	[tilespmem:v62+s15+$0x0] =	vst.idx.msk $0xffff, v32  }
0x326: {  	[tilespmem:v0+s15+$0x0] =	vst.idx.msk $0xffff, v52;
	v52 =	vor.u32 $0x4, v10  }
0x327: {  	v53 =	vor.u32 $0x4, v13;
	[tilespmem:v34+s15+$0x0] =	vst.idx.msk $0xffff, v50  }
0x328: {  	[tilespmem:v39+s15+$0x0] =	vst.idx.msk $0xffff, v48;
	v48 =	vor.u32 $0x3, v56  }
0x329: {  	v54 =	vor.u32 $0x4, v2;
	[tilespmem:v63+s15+$0x0] =	vst.idx.msk $0xffff, v31  }
0x32a: {  	v56 =	vor.u32 $0x5, v15;
	[tilespmem:v4+s15+$0x0] =	vst.idx.msk $0xffff, v30  }
0x32b: {  	v50 =	vor.u32 $0x3, v57;
	[tilespmem:v52+s15+$0x0] =	vst.idx.msk $0xffff, v27  }
0x32c: {  	v55 =	vor.u32 $0x4, v14;
	[tilespmem:v53+s15+$0x0] =	vst.idx.msk $0xffff, v46  }
0x32d: {  	v57 =	vor.u32 $0x5, v16;
	[tilespmem:v48+s15+$0x0] =	vst.idx.msk $0xffff, v47  }
0x32e: {  	v58 =	vor.u32 $0x5, v18;
	[tilespmem:v54+s15+$0x0] =	vst.idx.msk $0xffff, v45  }
0x32f: {  	v59 =	vor.u32 $0x5, v17;
	[tilespmem:v56+s15+$0x0] =	vst.idx.msk $0xffff, v41  }
0x330: {  	[tilespmem:v50+s15+$0x0] =	vst.idx.msk $0xffff, v28  }
0x331: {  	s0 =	sadd.s32 s5, s26;
	[tilespmem:v55+s15+$0x0] =	vst.idx.msk $0xffff, v42  }
0x332: {  	s0 =	sshll.u32 s0, $0x3;
	[tilespmem:v57+s15+$0x0] =	vst.idx.msk $0xffff, v38  }
0x333: {  	s26 =	simm.s32 $0x14000;
	s0 =	sadd.s32 s1, s0;
	[tilespmem:v58+s15+$0x0] =	vst.idx.msk $0xffff, v37  }
0x334: {  	s29 =	simm.s32 $0x10;
	s30 =	simm.s32 $0x14088;
	s31 =	sadd.s32 $0x0, s0;
	[tilespmem:v59+s15+$0x0] =	vst.idx.msk $0xffff, v36  }
.LBB2_13:
0x335: {  	[hbm4b:s31+s3] =	stream.linear.scatter [tilespmem:s26], [sflag:$0x5], $0x80, $0x38;
	[tilespmem:$0x1C800] =	vst v63  }
0x336: {  	s2 =	smov.u32 s29;
	s26 =	smov.u32 s30;
	p1 =	sne.s32 s29, $0x7F0  }
.Ltmp5:
0x337: {  	s29 =	sadd.s32 $0x10, s29;
	(pc) =	sbr.rel @p1 .LBB2_13-.Ltmp5, $2  }
0x338: {  	_ =	sdelay $0x2  }
0x339: {  	s30 =	sadd.s32 $0x88, s30;
	s31 =	sadd.s32 s2, s0  }
0x33a: {  	[hbm4b:s31+s3] =	stream.linear.scatter [tilespmem:s26], [sflag:$0x5], $0x80, $0x38;
	[tilespmem:$0x1C800] =	vst v63  }
0x33b: {  	s0 =	sadd.s32 @!p0 $0x500, s28;
	s2 =	simm.s32 @!p0 $0x100;
	s11 =	simm.s32 @!p0 $0x8000  }
0x33c: {  	[tilespmem:s11], [sflag:$0x2] =	stream.indirect.gather @!p0 [hbm4b:s4+s2], $0x40, s0, s2, $0xb8;
	[tilespmem:$0x1C800] =	vst v63  }
0x33d: {  	_ =	swait.ge [sflag:s21], $0x4000  }
0x33e: {  	[sflag:s21] =	ssyncset.done $0x0  }
0x33f: {  	[sflag:s21] =	ssyncadd.s32 $0xFFFFC000  }
0x340: {  	_ =	swait.ge [sflag:s22], $0x4000  }
0x341: {  	[sflag:s22] =	ssyncset.done $0x0  }
0x342: {  	s0 =	simm.s32 $0x10100;
	[sflag:s22] =	ssyncadd.s32 $0xFFFFC000  }
0x343: {  	v43 =	vld [tilespmem:s0+$0xC0]  }
0x344: {  	v7 =	vld [tilespmem:s0+$0xFFFFFF40]  }
0x345: {  	v8 =	vld [tilespmem:s0+$0xD0]  }
0x346: {  	v38 =	vld [tilespmem:s0+$0xE0]  }
0x347: {  	v11 =	vld [tilespmem:s0+$0xF0]  }
0x348: {  	v12 =	vld [tilespmem:s0+$0xFFFFFF00]  }
0x349: {  	v10 =	vld [tilespmem:s0+$0xFFFFFF10];
	[tilespmem:$0x1FC00] =	vst v7  }
0x34a: {  	v9 =	vld [tilespmem:s0+$0xFFFFFF80];
	_ =	sdelay $0x4  }
0x34b: {  	v62 =	vld [tilespmem:s0+$0xFFFFFF50];
	[tilespmem:$0x1FC10] =	vst v9  }
0x34c: {  	v14 =	vld [tilespmem:s0+$0xFFFFFFC0];
	_ =	sdelay $0x4  }
0x34d: {  	v13 =	vld [tilespmem:s0+$0xFFFFFF90];
	[tilespmem:$0x1FC20] =	vst v14  }
0x34e: {  	v15 =	vld [tilespmem:s0+$0xFFFFFFD0];
	_ =	sdelay $0x3  }
0x34f: {  	v0 =	vmul.f32 v43, v43;
	v1 =	vmul.f32 v8, v8  }
0x350: {  	[tilespmem:$0x1FC30] =	vst v15  }
0x351: {  	v0 =	vadd.f32 v1, v0;
	v1 =	vmul.f32 v38, v38;
	v23 =	vmul.f32 v9, v9;
	v9 =	vld [tilespmem:s0+$0x40];
	_ =	sdelay $0x1  }
0x352: {  	v0 =	vadd.f32 v1, v0;
	v1 =	vmul.f32 v11, v11  }
0x353: {  	v19 =	vld [tilespmem:$0x1FFC0]  }
0x354: {  	s31 =	simm.s32 $0x1;
	s12 =	simm.s32 $0x2;
	s28 =	simm.s32 $0x3;
	v0 =	vadd.f32 v1, v0;
	v18 =	vld [tilespmem:s0+$0x0]  }
0x355: {  	s12 =	sand.u32 $0x78, s12;
	s11 =	sand.u32 $0x78, s31;
	s31 =	simm.s32 $0x5;
	v16 =	vld [tilespmem:s0+$0x10];
	[tilespmem:$0x1FC40] =	vst v9  }
0x356: {  	v5 =	vmov s12;
	v4 =	vmov s11;
	s11 =	sand.u32 $0x78, s28;
	s2 =	sand.u32 $0x78, s31;
	(xrf2) =	vadd.scan.msk.f32 $0xffff, v0;
	v20 =	vld [tilespmem:s0+$0x80]  }
0x357: {  	s26 =	simm.s32 $0x0;
	v5 =	vshrl.u32 v5, $0x3;
	v6 =	vmov s11;
	v26 =	vmov s2;
	s11 =	simm.s32 $0x6  }
0x358: {  	s30 =	sand.u32 $0x78, s26;
	s12 =	simm.s32 $0x4;
	v4 =	vshrl.u32 v4, $0x3;
	s2 =	sand.u32 $0x78, s11;
	v6 =	vshrl.u32 v6, $0x3;
	v26 =	vshrl.u32 v26, $0x3  }
0x359: {  	v31 =	vmov s2;
	v4 =	vshll.u32 v4, v19;
	v1 =	vmov s30;
	s30 =	sand.u32 $0x78, s12  }
0x35a: {  	v2 =	vmul.f32 v12, v12;
	v1 =	vshrl.u32 v1, $0x3;
	v0 =	vmov s30  }
0x35b: {  	v3 =	vmul.f32 v10, v10;
	v1 =	vshll.u32 v1, v19;
	v0 =	vshrl.u32 v0, $0x3;
	v17 =	vld [tilespmem:s0+$0x50];
	[tilespmem:$0x1FC50] =	vst v20  }
0x35c: {  	v40 =	vbroadcast v4, $0x0;
	v44 =	vshll.u32 v0, v19;
	v0 =	vbroadcast v1, $0x0;
	v21 =	vld [tilespmem:s0+$0x90]  }
0x35d: {  	v2 =	vadd.f32 v3, v2;
	v3 =	vmul.f32 v7, v7;
	v7 =	vmul.f32 v62, v62;
	v28 =	vld [tilespmem:s0+$0xFFFFFF20]  }
0x35e: {  	v45 =	vshrl.u32 v31, $0x3;
	v24 =	vmul.f32 v14, v14;
	v25 =	vmul.f32 v15, v15;
	v27 =	vld [tilespmem:s0+$0xFFFFFF60]  }
0x35f: {  	v29 =	vshll.u32 v5, v19;
	v5 =	vmul.f32 v18, v18;
	v30 =	vmul.f32 v16, v16;
	v14 =	vld [tilespmem:s0+$0xFFFFFFA0]  }
0x360: {  	v6 =	vshll.u32 v6, v19;
	v32 =	vmul.f32 v9, v9;
	v33 =	vmul.f32 v17, v17;
	v15 =	vld [tilespmem:s0+$0xFFFFFFE0];
	[tilespmem:$0x1FBF0] =	vst v0;
	v0, _, _ =	vpop (xrf2)  }
0x361: {  	v4 =	vshll.u32 v26, v19;
	v41 =	vadd.f32 v30, v5;
	v30 =	vld [tilespmem:s0+$0xFFFFFF30];
	v0 =	vbroadcast v0, $0xF  }
0x362: {  	v39 =	vbroadcast v29, $0x0;
	v3 =	vadd.f32 v7, v3;
	v1 =	vadd.f32 v33, v32;
	v32 =	vld [tilespmem:s0+$0xFFFFFF70]  }
0x363: {  	v7 =	vmul.f32 v13, v13;
	v35 =	vmul.f32 v20, v20;
	v42 =	vshrl.u32 v0, $0x1  }
0x364: {  	v31 =	vld [tilespmem:s0+$0x20];
	v46 =	vmul.f32 $5.000000000e-01, v0;
	v47 =	vsub.s32 $0x5F3759DF, v42;
	v42 =	vbroadcast v6, $0x0  }
0x365: {  	v7 =	vadd.f32 v7, v23;
	v20 =	vld [tilespmem:s0+$0x60];
	v58 =	vmul.f32 v21, v21;
	v36 =	vmul.f32 v28, v28  }
0x366: {  	v34 =	vadd.f32 v25, v24;
	v22 =	vld [tilespmem:s0+$0xA0];
	v37 =	vmul.f32 v27, v27;
	v59 =	vmul.f32 v47, v46  }
0x367: {  	v33 =	vld [tilespmem:s0+$0x70];
	v60 =	vmul.f32 v30, v30;
	v49 =	vmul.f32 v32, v32;
	v2 =	vadd.f32 v36, v2  }
0x368: {  	v29 =	vadd.f32 v58, v35;
	v35 =	vld [tilespmem:s0+$0xFFFFFFB0];
	v3 =	vadd.f32 v37, v3;
	v51 =	vmul.f32 v47, v59  }
0x369: {  	v48 =	vmul.f32 v14, v14;
	v50 =	vmul.f32 v15, v15;
	v37 =	vld [tilespmem:s0+$0xFFFFFFF0];
	v2 =	vadd.f32 v60, v2  }
0x36a: {  	v6 =	vmul.f32 v31, v31;
	v3 =	vadd.f32 v49, v3;
	v63 =	vsub.f32 $1.500000000e+00, v51  }
0x36b: {  	s28 =	simm.s32 $0x0;
	v61 =	vmul.f32 v20, v20;
	v54 =	vmul.f32 v22, v22;
	v7 =	vadd.f32 v48, v7;
	(xrf2) =	vadd.scan.msk.f32 $0xffff, v2  }
0x36c: {  	s12 =	sand.u32 $0x40, s28;
	v9 =	vld [tilespmem:s0+$0xB0];
	v58 =	vmul.f32 v33, v33;
	(xrf2) =	vadd.scan.msk.f32 $0xffff, v3;
	v3 =	vadd.f32 v6, v41;
	v6 =	vmul.f32 v47, v63  }
0x36d: {  	s30 =	simm.s32 $0x7;
	v36 =	vld [tilespmem:s0+$0x30];
	v59 =	vmov s12;
	v1 =	vadd.f32 v61, v1;
	v55 =	vmul.f32 v35, v35  }
0x36e: {  	s31 =	sand.u32 $0x78, s30;
	v2 =	vadd.f32 v50, v34;
	v56 =	vmul.f32 v37, v37;
	v46 =	vmul.f32 v6, v46  }
0x36f: {  	v0 =	vld [tilespmem:$0x1FFB0];
	v61 =	vmov s31;
	v29 =	vadd.f32 v54, v29;
	v7 =	vadd.f32 v55, v7  }
0x370: {  	v60 =	vmul.u32 $0x88, v59;
	v2 =	vadd.f32 v56, v2;
	v46 =	vmul.f32 v46, v6  }
0x371: {  	v1 =	vadd.f32 v58, v1;
	v58 =	vbroadcast v4, $0x0;
	(xrf2) =	vadd.scan.msk.f32 $0xffff, v7;
	v7 =	vmul.f32 v9, v9  }
0x372: {  	v57 =	vmul.f32 v36, v36;
	(xrf2) =	vadd.scan.msk.f32 $0xffff, v2;
	v63 =	vsub.f32 $1.500000000e+00, v46;
	v46 =	vbroadcast v60, $0x0  }
0x373: {  	v4 =	vshll.u32 v45, v19;
	v29 =	vadd.f32 v7, v29;
	v7 =	vshrl.u32 v61, $0x3  }
0x374: {  	v3 =	vadd.f32 v57, v3;
	v2 =	vshll.u32 v7, v19;
	v7 =	vadd.s32 v0, v46;
	v0 =	vld [tilespmem:$0x1FFD0]  }
0x375: {  	v45 =	vbroadcast v2, $0x0;
	v2 =	vmul.f32 v63, v6;
	v6, _, _ =	vpop (xrf2)  }
0x376: {  	v41 =	vbroadcast v44, $0x0;
	(xrf2) =	vadd.scan.msk.f32 $0xffff, v3;
	v3 =	vbroadcast v6, $0xF  }
0x377: {  	v55 =	vbroadcast v4, $0x0;
	v25 =	vadd.s32 v40, v7;
	v24 =	vadd.s32 v39, v7;
	v4, _, _ =	vpop (xrf2)  }
0x378: {  	v44 =	vmin.f32 v2, $1.000000000e+08;
	(xrf2) =	vadd.scan.msk.f32 $0xffff, v1;
	v4 =	vbroadcast v4, $0xF;
	v1 =	vshrl.u32 v3, $0x1  }
0x379: {  	v3 =	vmul.f32 $5.000000000e-01, v3;
	v6 =	vadd.s32 v0, v46;
	v0 =	vmul.f32 v44, v8  }
0x37a: {  	v1 =	vsub.s32 $0x5F3759DF, v1;
	v34 =	vshrl.u32 v4, $0x1;
	v4 =	vmul.f32 $5.000000000e-01, v4  }
0x37b: {  	v2 =	vmul.f32 v44, v43;
	v52, _, _ =	vpop (xrf2);
	v53 =	vmul.f32 v1, v3;
	v43 =	vsub.s32 $0x5F3759DF, v34;
	[tilespmem:$0x1FC60] =	vst v0;
	v0 =	vld [tilespmem:$0x1FFE0]  }
0x37c: {  	v50 =	vadd.s32 v45, v7;
	v47 =	vbroadcast v52, $0xF;
	v54 =	vmul.f32 v43, v4;
	v57, _, _ =	vpop (xrf2)  }
0x37d: {  	(xrf2) =	vadd.scan.msk.f32 $0xffff, v29;
	v23 =	vadd.s32 v39, v6;
	v29 =	vmul.f32 v1, v53;
	v59 =	vbroadcast v57, $0xF  }
0x37e: {  	v57 =	vadd.s32 v45, v6;
	v56 =	vshrl.u32 v47, $0x1;
	v49 =	vmul.f32 v43, v54  }
0x37f: {  	v47 =	vmul.f32 $5.000000000e-01, v47;
	v19 =	vor.u32 $0x7, v57;
	v29 =	vsub.f32 $1.500000000e+00, v29  }
0x380: {  	v34 =	vsub.f32 $1.500000000e+00, v49;
	v60, _, _ =	vpop (xrf2);
	v8 =	vadd.s32 v0, v46;
	v0 =	vmul.f32 v44, v38  }
0x381: {  	v61 =	vshrl.u32 v59, $0x1;
	v38 =	vmul.f32 $5.000000000e-01, v59;
	v49 =	vbroadcast v60, $0xF  }
0x382: {  	v51 =	vsub.s32 $0x5F3759DF, v61;
	v1 =	vmul.f32 v1, v29;
	v43 =	vmul.f32 v43, v34  }
0x383: {  	[tilespmem:$0x1FC70] =	vst v0;
	v0 =	vmul.f32 v44, v11;
	v52 =	vshrl.u32 v49, $0x1;
	v49 =	vmul.f32 $5.000000000e-01, v49  }
0x384: {  	v11 =	vsub.s32 $0x5F3759DF, v56;
	v29, _, _ =	vpop (xrf2);
	v53 =	vmul.f32 v51, v38;
	v3 =	vmul.f32 v1, v3  }
0x385: {  	v63 =	vmul.f32 v11, v47;
	v29 =	vbroadcast v29, $0xF;
	v52 =	vsub.s32 $0x5F3759DF, v52  }
0x386: {  	v61 =	vor.u32 $0x7, v50;
	v4 =	vmul.f32 v43, v4;
	v54 =	vmul.f32 v52, v49  }
0x387: {  	v5 =	vmovc v21;
	v21 =	vadd.s32 v39, v8;
	v53 =	vmul.f32 v51, v53;
	v3 =	vmul.f32 v3, v1  }
0x388: {  	[tilespmem:$0x1FC80] =	vst v0;
	v0 =	vld [tilespmem:$0x1FFF0];
	v44 =	vmul.f32 v11, v63;
	v56 =	vshrl.u32 v29, $0x1;
	v29 =	vmul.f32 $5.000000000e-01, v29  }
0x389: {  	v4 =	vmul.f32 v4, v43;
	v48 =	vsub.s32 $0x5F3759DF, v56;
	v53 =	vsub.f32 $1.500000000e+00, v53  }
0x38a: {  	v54 =	vmul.f32 v52, v54;
	v3 =	vsub.f32 $1.500000000e+00, v3;
	v44 =	vsub.f32 $1.500000000e+00, v44;
	v63, _, _ =	vpop (xrf2)  }
0x38b: {  	v56 =	vmul.f32 v48, v29;
	v4 =	vsub.f32 $1.500000000e+00, v4;
	v50 =	vbroadcast v63, $0xF  }
0x38c: {  	v54 =	vsub.f32 $1.500000000e+00, v54;
	v51 =	vmul.f32 v51, v53;
	v1 =	vmul.f32 v3, v1  }
0x38d: {  	v44 =	vmul.f32 v11, v44;
	v56 =	vmul.f32 v48, v56;
	v11 =	vadd.s32 v0, v46  }
0x38e: {  	v4 =	vmul.f32 v4, v43;
	v34 =	vshrl.u32 v50, $0x1;
	v50 =	vmul.f32 $5.000000000e-01, v50  }
0x38f: {  	v43 =	vadd.s32 v42, v7;
	v52 =	vmul.f32 v52, v54;
	v59 =	vsub.s32 $0x5F3759DF, v34  }
0x390: {  	v38 =	vmul.f32 v51, v38;
	v60 =	vsub.f32 $1.500000000e+00, v56;
	v63 =	vmul.f32 v59, v50  }
0x391: {  	v26 =	vadd.s32 v40, v11;
	v1 =	vmin.f32 v1, $1.000000000e+08;
	v53 =	vmul.f32 v44, v47  }
0x392: {  	v34 =	vadd.s32 v45, v8;
	v48 =	vmul.f32 v48, v60;
	v54 =	vmul.f32 v59, v63  }
0x393: {  	v45 =	vadd.s32 v45, v11;
	v30 =	vmul.f32 v1, v30;
	v49 =	vmul.f32 v52, v49  }
0x394: {  	v3 =	vmul.f32 v38, v51;
	v29 =	vmul.f32 v48, v29;
	v56 =	vsub.f32 $1.500000000e+00, v54  }
0x395: {  	v60 =	vor.u32 $0x7, v34;
	v63 =	vor.u32 $0x7, v45;
	v45 =	vmul.f32 v53, v44  }
0x396: {  	v3 =	vsub.f32 $1.500000000e+00, v3;
	v29 =	vmul.f32 v29, v48;
	v46 =	vmul.f32 v59, v56  }
0x397: {  	v34 =	vadd.s32 v40, v8;
	v53 =	vmul.f32 v49, v52;
	v57 =	vsub.f32 $1.500000000e+00, v45  }
0x398: {  	v3 =	vmul.f32 v3, v51;
	v29 =	vsub.f32 $1.500000000e+00, v29;
	v50 =	vmul.f32 v46, v50  }
0x399: {  	v59 =	vadd.s32 v40, v6;
	v38 =	vmul.f32 v57, v44;
	v56 =	vsub.f32 $1.500000000e+00, v53  }
0x39a: {  	v40 =	vadd.s32 v39, v11;
	v29 =	vmul.f32 v29, v48;
	v54 =	vmul.f32 v50, v46  }
0x39b: {  	v48 =	vmul.f32 v1, v28;
	v28 =	vmin.f32 v38, $1.000000000e+08;
	v38 =	vmin.f32 v3, $1.000000000e+08;
	v3 =	vld [tilespmem:$0x1FC00];
	[tilespmem:v61+s18+$0x0] =	vst.idx.msk $0xffff, v2  }
0x39c: {  	v44 =	vadd.s32 v42, v6;
	v57 =	vsub.f32 $1.500000000e+00, v54;
	v54 =	vmul.f32 v28, v14;
	v14 =	vld [tilespmem:$0x1FC20]  }
0x39d: {  	v45 =	vmul.f32 v56, v52;
	v52 =	vmul.f32 v1, v12;
	v56 =	vadd.s32 v42, v8  }
0x39e: {  	v50 =	vmul.f32 v1, v10;
	v1 =	vmin.f32 v4, $1.000000000e+08;
	v2 =	vld [tilespmem:$0x1FC10];
	v61 =	vmul.f32 v28, v13  }
0x39f: {  	v53 =	vmul.f32 v28, v35;
	v47 =	vmul.f32 v38, v15;
	v0 =	vmin.f32 v29, $1.000000000e+08  }
0x3a0: {  	v29 =	vmul.f32 v1, v27;
	v39 =	vmul.f32 v57, v46;
	v57 =	vadd.s32 v42, v11  }
0x3a1: {  	v42 =	vmin.f32 v45, $1.000000000e+08;
	v4 =	vmul.f32 v1, v3;
	v51 =	vmul.f32 v38, v14;
	v14 =	vld [tilespmem:$0x1FC30]  }
0x3a2: {  	v3 =	vmul.f32 v1, v62;
	v45 =	vmul.f32 v42, v31;
	v31 =	vld [tilespmem:$0x1FC40]  }
0x3a3: {  	v62 =	vmul.f32 v28, v2;
	v28 =	vmul.f32 v38, v37  }
0x3a4: {  	v10 =	vadd.s32 v41, v7;
	v27 =	vmul.f32 v42, v18;
	v46 =	vmul.f32 v42, v16  }
0x3a5: {  	v13 =	vadd.s32 v41, v6;
	v42 =	vmul.f32 v42, v36;
	v37 =	vmul.f32 v0, v20  }
0x3a6: {  	v2 =	vadd.s32 v41, v8;
	v36 =	vmul.f32 v0, v33;
	v49 =	vmul.f32 v38, v14  }
0x3a7: {  	v14 =	vadd.s32 v41, v11;
	v41 =	vmul.f32 v0, v31;
	v38 =	vmul.f32 v0, v17;
	v0 =	vld [tilespmem:$0x1FC50];
	_ =	sdelay $0x3  }
0x3a8: {  	v12 =	vmul.f32 v1, v32;
	v1 =	vmin.f32 v39, $1.000000000e+08  }
0x3a9: {  	v35 =	vmul.f32 v1, v0;
	v0 =	vld [tilespmem:$0x1FC60];
	_ =	sdelay $0x4  }
0x3aa: {  	[tilespmem:v19+s18+$0x0] =	vst.idx.msk $0xffff, v0  }
0x3ab: {  	v0 =	vld [tilespmem:$0x1FC70];
	_ =	sdelay $0x4  }
0x3ac: {  	[tilespmem:v60+s18+$0x0] =	vst.idx.msk $0xffff, v0  }
0x3ad: {  	v25 =	vor.u32 $0x1, v25;
	v23 =	vor.u32 $0x2, v23;
	v21 =	vor.u32 $0x2, v21;
	v0 =	vld [tilespmem:$0x1FC80]  }
0x3ae: {  	v34 =	vor.u32 $0x1, v34;
	v15 =	vadd.s32 v58, v7;
	v16 =	vadd.s32 v58, v6  }
0x3af: {  	v18 =	vadd.s32 v58, v8;
	v20 =	vadd.s32 v55, v7;
	v33 =	vmul.f32 v1, v5  }
0x3b0: {  	v32 =	vmul.f32 v1, v22;
	v22 =	vadd.s32 v55, v11;
	v17 =	vadd.s32 v58, v11  }
0x3b1: {  	v31 =	vmul.f32 v1, v9;
	v9 =	vadd.s32 v55, v6;
	v1 =	vor.u32 $0x1, v26  }
0x3b2: {  	s29 =	simm.s32 $0x10300;
	v19 =	vadd.s32 v55, v8;
	v55 =	vor.u32 $0x1, v59;
	v60 =	vor.u32 $0x2, v24;
	[tilespmem:v63+s18+$0x0] =	vst.idx.msk $0xffff, v0  }
.LBB2_15:
0x3b3: {  	v39 =	vld [tilespmem:s29+$0xC0]  }
0x3b4: {  	v63 =	vor.u32 $0x2, v40;
	v40 =	vld [tilespmem:s29+$0xD0]  }
0x3b5: {  	v24 =	vor.u32 $0x4, v14;
	v14 =	vld [tilespmem:$0x1FBF0]  }
0x3b6: {  	v0 =	vld [tilespmem:s29+$0xFFFFFF00]  }
0x3b7: {  	v5 =	vor.u32 $0x3, v43;
	v43 =	vor.u32 $0x3, v44;
	[tilespmem:v25+s18+$0x0] =	vst.idx.msk $0xffff, v4  }
0x3b8: {  	v44 =	vor.u32 $0x3, v57;
	v26 =	vor.u32 $0x4, v13;
	v25 =	vor.u32 $0x4, v2;
	[tilespmem:v55+s18+$0x0] =	vst.idx.msk $0xffff, v3  }
0x3b9: {  	v13 =	vld [tilespmem:s29+$0xE0];
	v59 =	vor.u32 $0x5, v16;
	v57 =	vor.u32 $0x5, v17;
	v3 =	vor.u32 $0x5, v15;
	[tilespmem:v34+s18+$0x0] =	vst.idx.msk $0xffff, v29  }
0x3ba: {  	v2 =	vld [tilespmem:s29+$0xFFFFFF10];
	v55 =	vor.u32 $0x6, v9;
	[tilespmem:v1+s18+$0x0] =	vst.idx.msk $0xffff, v12;
	v9 =	vadd.s32 v14, v7;
	v15 =	vmul.f32 v39, v39  }
0x3bb: {  	[tilespmem:$0x1FBA0] =	vst v0;
	v16 =	vmul.f32 v40, v40;
	v6 =	vadd.s32 v14, v6;
	v17 =	vmul.f32 v0, v0;
	v0 =	vld [tilespmem:s29+$0xFFFFFF50]  }
0x3bc: {  	v8 =	vadd.s32 v14, v8;
	v11 =	vadd.s32 v14, v11;
	v14 =	vld [tilespmem:s29+$0xFFFFFF80];
	[tilespmem:v60+s18+$0x0] =	vst.idx.msk $0xffff, v62  }
0x3bd: {  	v58 =	vor.u32 $0x5, v18;
	v18 =	vadd.f32 v16, v15;
	v15 =	vld [tilespmem:s29+$0xFFFFFF90];
	[tilespmem:v23+s18+$0x0] =	vst.idx.msk $0xffff, v61  }
0x3be: {  	v4 =	vld [tilespmem:s29+$0xF0];
	v34 =	vor.u32 $0x6, v20;
	v20 =	vmul.f32 v13, v13;
	[tilespmem:v21+s18+$0x0] =	vst.idx.msk $0xffff, v54  }
0x3bf: {  	v16 =	vld [tilespmem:s29+$0xFFFFFFC0];
	[tilespmem:v63+s18+$0x0] =	vst.idx.msk $0xffff, v53  }
0x3c0: {  	v56 =	vor.u32 $0x3, v56;
	v20 =	vadd.f32 v20, v18;
	v18 =	vld [tilespmem:s29+$0xFFFFFFD0];
	[tilespmem:v5+s18+$0x0] =	vst.idx.msk $0xffff, v51  }
0x3c1: {  	s0 =	smov.u32 s26;
	v10 =	vor.u32 $0x4, v10;
	[tilespmem:$0x1FBD0] =	vst v0  }
0x3c2: {  	s11 =	sadd.s32 $0x9, s0;
	s12 =	sadd.s32 $0xA, s0;
	v1 =	vld [tilespmem:s29+$0xFFFFFF40];
	[tilespmem:v9+s18+$0x0] =	vst.idx.msk $0xffff, v52  }
0x3c3: {  	s31 =	sadd.s32 $0xB, s0;
	s11 =	sand.u32 $0x78, s11;
	s30 =	sand.u32 $0x78, s12;
	v12 =	vor.u32 $0x6, v22;
	v22 =	vmul.f32 v2, v2;
	v62 =	vld [tilespmem:$0x1FFC0];
	[tilespmem:v43+s18+$0x0] =	vst.idx.msk $0xffff, v49  }
0x3c4: {  	s26 =	sadd.s32 $0x8, s26;
	v29 =	vmov s11;
	v60 =	vmov s30;
	s30 =	sand.u32 $0x78, s31;
	v23 =	vmul.f32 v4, v4;
	[tilespmem:v6+s18+$0x0] =	vst.idx.msk $0xffff, v50  }
0x3c5: {  	s2 =	sand.u32 $0x78, s26;
	v7 =	vor.u32 $0x6, v19;
	v61 =	vmov s30;
	v9 =	vadd.f32 v22, v17;
	v17 =	vld [tilespmem:s29+$0x0];
	[tilespmem:v56+s18+$0x0] =	vst.idx.msk $0xffff, v47  }
0x3c6: {  	s12 =	sadd.s32 $0xD, s0;
	v19 =	vmov s2;
	s31 =	sadd.s32 $0xC, s0;
	v63 =	vshrl.u32 v61, $0x3;
	v23 =	vadd.f32 v23, v20;
	v20 =	vld [tilespmem:s29+$0x10];
	[tilespmem:v10+s18+$0x0] =	vst.idx.msk $0xffff, v27  }
0x3c7: {  	s2 =	sand.u32 $0x78, s12;
	s11 =	sand.u32 $0x78, s31;
	v22 =	vmul.f32 v1, v1;
	v6 =	vshrl.u32 v19, $0x3;
	v19 =	vmul.f32 v0, v0;
	[tilespmem:v8+s18+$0x0] =	vst.idx.msk $0xffff, v48  }
0x3c8: {  	v52 =	vmov s11;
	v0 =	vld [tilespmem:s29+$0x40];
	v50 =	vmov s2;
	v56 =	vshll.u32 v63, v62;
	[tilespmem:v44+s18+$0x0] =	vst.idx.msk $0xffff, v28  }
0x3c9: {  	s30 =	sadd.s32 $0xE, s0;
	v61 =	vshrl.u32 v52, $0x3;
	v6 =	vshll.u32 v6, v62;
	[tilespmem:v11+s18+$0x0] =	vst.idx.msk $0xffff, v30;
	v11 =	vadd.f32 v19, v22;
	v19 =	vld [tilespmem:s29+$0x50]  }
0x3ca: {  	s2 =	sand.u32 $0x78, s30;
	v8 =	vshrl.u32 v29, $0x3;
	v29 =	vmul.f32 v14, v14;
	v48 =	vmul.f32 v16, v16;
	[tilespmem:v26+s18+$0x0] =	vst.idx.msk $0xffff, v46;
	v27 =	vld [tilespmem:s29+$0xFFFFFFE0]  }
0x3cb: {  	v54 =	vmov s2;
	v50 =	vshrl.u32 v50, $0x3;
	v10 =	vshll.u32 v61, v62;
	v26 =	vld [tilespmem:s29+$0x20];
	[tilespmem:v25+s18+$0x0] =	vst.idx.msk $0xffff, v45  }
0x3cc: {  	v22 =	vmul.f32 v15, v15;
	(xrf2) =	vadd.scan.msk.f32 $0xffff, v23;
	v23 =	vshrl.u32 v60, $0x3;
	v25 =	vld [tilespmem:s29+$0x60];
	[tilespmem:v3+s18+$0x0] =	vst.idx.msk $0xffff, v41  }
0x3cd: {  	v46 =	vbroadcast v56, $0x0;
	v6 =	vbroadcast v6, $0x0;
	v5 =	vshll.u32 v23, v62;
	v23 =	vld [tilespmem:s29+$0x90];
	[tilespmem:v24+s18+$0x0] =	vst.idx.msk $0xffff, v42  }
0x3ce: {  	v45 =	vbroadcast v10, $0x0;
	v30 =	vld [tilespmem:s29+$0xFFFFFF20];
	[tilespmem:v59+s18+$0x0] =	vst.idx.msk $0xffff, v38;
	v53 =	vadd.f32 v22, v29;
	v29 =	vmul.f32 v18, v18  }
0x3cf: {  	v8 =	vshll.u32 v8, v62;
	v22 =	vld [tilespmem:s29+$0x80];
	v51 =	vmul.f32 v17, v17;
	[tilespmem:$0x1FBF0] =	vst v6;
	v47 =	vbroadcast v5, $0x0  }
0x3d0: {  	v52 =	vshrl.u32 v54, $0x3;
	v24 =	vld [tilespmem:s29+$0xA0];
	[tilespmem:v34+s18+$0x0] =	vst.idx.msk $0xffff, v35;
	v60 =	vmul.f32 v20, v20;
	v63 =	vmul.f32 v0, v0  }
0x3d1: {  	s0 =	sadd.s32 $0xF, s0;
	v34 =	vld [tilespmem:s29+$0xB0];
	[tilespmem:v55+s18+$0x0] =	vst.idx.msk $0xffff, v33;
	v43 =	vadd.f32 v29, v48;
	v48 =	vbroadcast v8, $0x0;
	v8 =	vshll.u32 v50, v62  }
0x3d2: {  	s28 =	sadd.s32 $0x4, s28;
	s0 =	sand.u32 $0x78, s0;
	v42 =	vld [tilespmem:s29+$0xFFFFFF30];
	[tilespmem:$0x1FBE0] =	vst v0;
	v44 =	vadd.f32 v60, v51;
	v60 =	vmul.f32 v19, v19;
	v41 =	vmul.f32 v27, v27  }
0x3d3: {  	s31 =	sand.u32 $0x40, s28;
	v55 =	vmov s0;
	v29 =	vld [tilespmem:s29+$0xFFFFFF60];
	[tilespmem:v7+s18+$0x0] =	vst.idx.msk $0xffff, v32;
	v50 =	vmul.f32 v26, v26;
	v32 =	vbroadcast v8, $0x0  }
0x3d4: {  	v28 =	vld [tilespmem:s29+$0xFFFFFFA0];
	[tilespmem:v12+s18+$0x0] =	vst.idx.msk $0xffff, v31;
	v31 =	vmov s31;
	v0 =	vmul.f32 v23, v23;
	v61 =	vmul.f32 v22, v22  }
0x3d5: {  	[tilespmem:v58+s18+$0x0] =	vst.idx.msk $0xffff, v37;
	v8 =	vshll.u32 v52, v62;
	v31 =	vmul.u32 $0x88, v31;
	v6 =	vadd.f32 v60, v63  }
0x3d6: {  	v63 =	vmul.f32 v30, v30;
	v60 =	vmul.f32 v25, v25;
	v5 =	vadd.f32 v0, v61;
	v61 =	vld [tilespmem:s29+$0xFFFFFF70];
	v51, _, _ =	vpop (xrf2)  }
0x3d7: {  	v38 =	vld [tilespmem:s29+$0xFFFFFFB0];
	[tilespmem:v57+s18+$0x0] =	vst.idx.msk $0xffff, v36;
	v43 =	vadd.f32 v41, v43;
	v41 =	vmul.f32 v42, v42;
	v54 =	vbroadcast v51, $0xF  }
0x3d8: {  	v35 =	vld [tilespmem:s29+$0x70];
	v44 =	vadd.f32 v50, v44;
	v49 =	vmul.f32 v29, v29;
	v0 =	vadd.f32 v63, v9  }
0x3d9: {  	v37 =	vld [tilespmem:s29+$0xFFFFFFF0];
	v9 =	vmul.f32 v28, v28;
	v59 =	vshrl.u32 v54, $0x1;
	v54 =	vmul.f32 $5.000000000e-01, v54  }
0x3da: {  	v6 =	vadd.f32 v60, v6;
	v0 =	vadd.f32 v41, v0;
	v51 =	vsub.s32 $0x5F3759DF, v59  }
0x3db: {  	v11 =	vadd.f32 v49, v11;
	v60 =	vmul.f32 v61, v61;
	v63 =	vmul.f32 v51, v54  }
0x3dc: {  	v56 =	vbroadcast v31, $0x0;
	v9 =	vadd.f32 v9, v53;
	v41 =	vmul.f32 v38, v38;
	(xrf2) =	vadd.scan.msk.f32 $0xffff, v0  }
0x3dd: {  	v36 =	vld [tilespmem:s29+$0x30];
	v7 =	vmul.f32 v35, v35;
	v10 =	vadd.f32 v60, v11;
	v63 =	vmul.f32 v51, v63  }
0x3de: {  	[tilespmem:$0x1FBC0] =	vst v1;
	v31 =	vbroadcast v8, $0x0;
	v8 =	vld [tilespmem:$0x1FFE0];
	v1 =	vadd.f32 v41, v9;
	v11 =	vmul.f32 v37, v37  }
0x3df: {  	(xrf2) =	vadd.scan.msk.f32 $0xffff, v10;
	v10 =	vadd.f32 v7, v6;
	v6 =	vshrl.u32 v55, $0x3;
	v50 =	vsub.f32 $1.500000000e+00, v63  }
0x3e0: {  	v49 =	vmul.f32 v24, v24;
	v6 =	vshll.u32 v6, v62;
	(xrf2) =	vadd.scan.msk.f32 $0xffff, v1;
	v1 =	vld [tilespmem:$0x1FFB0]  }
0x3e1: {  	v0 =	vadd.f32 v11, v43;
	v57 =	vbroadcast v6, $0x0;
	v6 =	vld [tilespmem:$0x1FFD0];
	v11 =	vmul.f32 v51, v50  }
0x3e2: {  	v53 =	vmul.f32 v34, v34;
	v9 =	vmul.f32 v36, v36  }
0x3e3: {  	v5 =	vadd.f32 v49, v5;
	v8 =	vadd.s32 v8, v56;
	v33 =	vmul.f32 v11, v54  }
0x3e4: {  	v21 =	vadd.s32 v47, v8;
	v9 =	vadd.f32 v9, v44  }
0x3e5: {  	v5 =	vadd.f32 v53, v5;
	(xrf2) =	vadd.scan.msk.f32 $0xffff, v0;
	v0 =	vld [tilespmem:$0x1FFF0];
	v59 =	vadd.s32 v57, v8;
	v33 =	vmul.f32 v33, v11  }
0x3e6: {  	[tilespmem:$0x1FBB0] =	vst v2;
	v60, _, _ =	vpop (xrf2);
	v43 =	vor.u32 $0x7, v59;
	v7 =	vadd.s32 v1, v56;
	v6 =	vadd.s32 v6, v56  }
0x3e7: {  	(xrf2) =	vadd.scan.msk.f32 $0xffff, v9;
	v49 =	vbroadcast v60, $0xF;
	v2 =	vadd.s32 v57, v6;
	v1 =	vsub.f32 $1.500000000e+00, v33  }
0x3e8: {  	v58 =	vadd.s32 v57, v7;
	v55 =	vadd.s32 v48, v7;
	v60 =	vadd.s32 v47, v7  }
0x3e9: {  	v54 =	vshrl.u32 v49, $0x1;
	v33 =	vor.u32 $0x7, v58;
	v63, _, _ =	vpop (xrf2);
	v1 =	vmul.f32 v1, v11  }
0x3ea: {  	v58 =	vadd.s32 v48, v8;
	(xrf2) =	vadd.scan.msk.f32 $0xffff, v10;
	v11 =	vadd.s32 v0, v56;
	v0 =	vor.u32 $0x7, v2;
	v2, _, _ =	vpop (xrf2)  }
0x3eb: {  	v44 =	vadd.s32 v57, v11;
	v2 =	vbroadcast v2, $0xF;
	v1 =	vmin.f32 v1, $1.000000000e+08  }
0x3ec: {  	(xrf2) =	vadd.scan.msk.f32 $0xffff, v5;
	v59 =	vadd.s32 v48, v11;
	v44 =	vor.u32 $0x7, v44;
	v62 =	vmul.f32 v1, v39  }
0x3ed: {  	v39 =	vadd.s32 v48, v6;
	v9 =	vmul.f32 v1, v40;
	v40 =	vbroadcast v63, $0xF  }
0x3ee: {  	v12 =	vmul.f32 v1, v13;
	v63 =	vadd.s32 v47, v6;
	[tilespmem:v33+s18+$0x0] =	vst.idx.msk $0xffff, v62;
	v33 =	vmul.f32 $5.000000000e-01, v49  }
0x3ef: {  	v56, _, _ =	vpop (xrf2);
	v3 =	vshrl.u32 v40, $0x1;
	[tilespmem:v0+s18+$0x0] =	vst.idx.msk $0xffff, v9;
	v0 =	vmul.f32 v1, v4;
	v9 =	vmul.f32 $5.000000000e-01, v40  }
0x3f0: {  	v1 =	vsub.s32 $0x5F3759DF, v54;
	v3 =	vsub.s32 $0x5F3759DF, v3;
	v4 =	vbroadcast v56, $0xF;
	[tilespmem:v43+s18+$0x0] =	vst.idx.msk $0xffff, v12  }
0x3f1: {  	v53, _, _ =	vpop (xrf2);
	v10 =	vmul.f32 v1, v33;
	[tilespmem:v44+s18+$0x0] =	vst.idx.msk $0xffff, v0;
	v0 =	vmul.f32 v3, v9  }
0x3f2: {  	v52 =	vshrl.u32 v4, $0x1;
	v48 =	vmul.f32 $5.000000000e-01, v4;
	v4 =	vbroadcast v53, $0xF  }
0x3f3: {  	v5 =	vmul.f32 v1, v10;
	v10 =	vshrl.u32 v2, $0x1;
	v2 =	vmul.f32 $5.000000000e-01, v2  }
0x3f4: {  	v44 =	vsub.s32 $0x5F3759DF, v52;
	v56, _, _ =	vpop (xrf2);
	v0 =	vmul.f32 v3, v0;
	v10 =	vsub.s32 $0x5F3759DF, v10  }
0x3f5: {  	v54 =	vshrl.u32 v4, $0x1;
	v50 =	vmul.f32 $5.000000000e-01, v4;
	v4 =	vbroadcast v56, $0xF  }
0x3f6: {  	v56, _, _ =	vpop (xrf2);
	v5 =	vsub.f32 $1.500000000e+00, v5;
	v57 =	vmul.f32 v10, v2;
	v49 =	vsub.s32 $0x5F3759DF, v54  }
0x3f7: {  	v54 =	vbroadcast v56, $0xF;
	v0 =	vsub.f32 $1.500000000e+00, v0;
	v53 =	vmul.f32 $5.000000000e-01, v4  }
0x3f8: {  	v62 =	vshrl.u32 v4, $0x1;
	v1 =	vmul.f32 v1, v5;
	v5 =	vmul.f32 v44, v48  }
0x3f9: {  	v43 =	vmul.f32 v10, v57;
	v57 =	vmul.f32 v49, v50;
	v52 =	vsub.s32 $0x5F3759DF, v62  }
0x3fa: {  	v41 =	vshrl.u32 v54, $0x1;
	v54 =	vmul.f32 $5.000000000e-01, v54;
	v5 =	vmul.f32 v44, v5  }
0x3fb: {  	v3 =	vmul.f32 v3, v0;
	v43 =	vsub.f32 $1.500000000e+00, v43;
	v51 =	vmul.f32 v49, v57  }
0x3fc: {  	v57 =	vmul.f32 v52, v53;
	v33 =	vmul.f32 v1, v33;
	v5 =	vsub.f32 $1.500000000e+00, v5  }
0x3fd: {  	v9 =	vmul.f32 v3, v9;
	v10 =	vmul.f32 v10, v43;
	v62 =	vsub.f32 $1.500000000e+00, v51  }
0x3fe: {  	v40 =	vadd.s32 v47, v11;
	v57 =	vmul.f32 v52, v57;
	v5 =	vmul.f32 v44, v5  }
0x3ff: {  	v51 =	vsub.s32 $0x5F3759DF, v41;
	v9 =	vmul.f32 v9, v3;
	v47 =	vmul.f32 v49, v62  }
0x400: {  	v56 =	vadd.s32 v46, v8;
	v62 =	vmul.f32 v51, v54;
	v48 =	vmul.f32 v5, v48  }
0x401: {  	v43 =	vadd.s32 v46, v7;
	v33 =	vmul.f32 v33, v1;
	v41 =	vsub.f32 $1.500000000e+00, v57  }
0x402: {  	v9 =	vsub.f32 $1.500000000e+00, v9;
	v49 =	vmul.f32 v51, v62;
	v48 =	vmul.f32 v48, v5  }
0x403: {  	v2 =	vmul.f32 v10, v2;
	v44 =	vadd.s32 v46, v6;
	v52 =	vmul.f32 v52, v41  }
0x404: {  	v3 =	vmul.f32 v9, v3;
	v49 =	vsub.f32 $1.500000000e+00, v49;
	v62 =	vsub.f32 $1.500000000e+00, v48  }
0x405: {  	v33 =	vsub.f32 $1.500000000e+00, v33;
	v50 =	vmul.f32 v47, v50;
	v53 =	vmul.f32 v52, v53  }
0x406: {  	v49 =	vmul.f32 v51, v49;
	v5 =	vmul.f32 v62, v5;
	v62 =	vmin.f32 v3, $1.000000000e+08;
	v3 =	vld [tilespmem:$0x1FBA0]  }
0x407: {  	v57 =	vadd.s32 v46, v11;
	v2 =	vmul.f32 v2, v10;
	v46 =	vmul.f32 v53, v52  }
0x408: {  	v1 =	vmul.f32 v33, v1;
	v51 =	vmul.f32 v49, v54  }
0x409: {  	v50 =	vmul.f32 v50, v47;
	v9 =	vsub.f32 $1.500000000e+00, v46  }
0x40a: {  	v2 =	vsub.f32 $1.500000000e+00, v2;
	v1 =	vmin.f32 v1, $1.000000000e+08;
	v53 =	vmul.f32 v51, v49  }
0x40b: {  	v9 =	vmul.f32 v9, v52;
	v52 =	vmul.f32 v1, v3;
	v3 =	vld [tilespmem:$0x1FBB0]  }
0x40c: {  	v41 =	vsub.f32 $1.500000000e+00, v50;
	v2 =	vmul.f32 v2, v10;
	v54 =	vsub.f32 $1.500000000e+00, v53;
	_ =	sdelay $0x1  }
0x40d: {  	v10 =	vmul.f32 v41, v47;
	v47 =	vmin.f32 v2, $1.000000000e+08;
	v2 =	vmul.f32 v54, v49  }
0x40e: {  	v48 =	vmul.f32 v1, v30  }
0x40f: {  	v30 =	vmul.f32 v1, v42;
	v50 =	vmul.f32 v1, v3;
	v1 =	vmin.f32 v2, $1.000000000e+08;
	v2 =	vld [tilespmem:$0x1FBC0]  }
0x410: {  	v21 =	vor.u32 $0x2, v21  }
0x411: {  	v60 =	vor.u32 $0x2, v60;
	v13 =	vadd.s32 v45, v6;
	v29 =	vmul.f32 v62, v29  }
0x412: {  	v12 =	vmul.f32 v62, v61;
	v61 =	vmul.f32 v47, v15;
	v15 =	vadd.s32 v32, v7  }
0x413: {  	v5 =	vmin.f32 v5, $1.000000000e+08;
	v41 =	vmin.f32 v10, $1.000000000e+08;
	v10 =	vadd.s32 v45, v7  }
0x414: {  	v51 =	vmul.f32 v5, v16;
	v16 =	vadd.s32 v32, v6;
	v4 =	vmul.f32 v62, v2;
	v2 =	vld [tilespmem:$0x1FBD0]  }
0x415: {  	v46 =	vmul.f32 v41, v20;
	v42 =	vmul.f32 v41, v36;
	v0 =	vmin.f32 v9, $1.000000000e+08  }
0x416: {  	v20 =	vadd.s32 v31, v7;
	v53 =	vmul.f32 v47, v38;
	v38 =	vmul.f32 v0, v19  }
0x417: {  	v9 =	vadd.s32 v31, v6;
	v36 =	vmul.f32 v0, v35;
	v54 =	vmul.f32 v47, v28  }
0x418: {  	v19 =	vadd.s32 v31, v8;
	v49 =	vmul.f32 v5, v18;
	v28 =	vmul.f32 v5, v37  }
0x419: {  	v18 =	vadd.s32 v32, v8;
	v37 =	vmul.f32 v0, v25;
	v3 =	vmul.f32 v62, v2  }
0x41a: {  	p0 =	slt.u32 s26, $0xF8;
	v25 =	vor.u32 $0x1, v55;
	v62 =	vmul.f32 v47, v14;
	v47 =	vmul.f32 v5, v27;
	v5 =	vld [tilespmem:$0x1FBE0]  }
.Ltmp6:
0x41b: {  	v55 =	vor.u32 $0x1, v39;
	v35 =	vmul.f32 v1, v22;
	v33 =	vmul.f32 v1, v23;
	(pc) =	sbr.rel @p0 .LBB2_15-.Ltmp6, $4  }
0x41c: {  	v22 =	vadd.s32 v31, v11;
	v31 =	vmul.f32 v1, v34;
	v34 =	vor.u32 $0x1, v58  }
0x41d: {  	v23 =	vor.u32 $0x2, v63;
	v2 =	vadd.s32 v45, v8;
	v14 =	vadd.s32 v45, v11  }
0x41e: {  	v27 =	vmul.f32 v41, v17;
	v17 =	vadd.s32 v32, v11;
	v45 =	vmul.f32 v41, v26  }
0x41f: {  	s29 =	sadd.s32 $0x200, s29;
	v32 =	vmul.f32 v1, v24;
	v1 =	vor.u32 $0x1, v59;
	v41 =	vmul.f32 v0, v5  }
0x420: {  	_ =	sdelay $0x3  }
0x421: {  	[tilespmem:v25+s18+$0x0] =	vst.idx.msk $0xffff, v4  }
0x422: {  	[tilespmem:v55+s18+$0x0] =	vst.idx.msk $0xffff, v3  }
0x423: {  	v5 =	vor.u32 $0x2, v40;
	v4 =	vld [tilespmem:$0x1FBF0];
	[tilespmem:v34+s18+$0x0] =	vst.idx.msk $0xffff, v29  }
0x424: {  	v43 =	vor.u32 $0x3, v43;
	[tilespmem:v60+s18+$0x0] =	vst.idx.msk $0xffff, v62  }
0x425: {  	v44 =	vor.u32 $0x3, v44;
	[tilespmem:v1+s18+$0x0] =	vst.idx.msk $0xffff, v12  }
0x426: {  	v60 =	vor.u32 $0x6, v20;
	[tilespmem:v23+s18+$0x0] =	vst.idx.msk $0xffff, v61  }
0x427: {  	v61 =	vor.u32 $0x6, v9;
	[tilespmem:v21+s18+$0x0] =	vst.idx.msk $0xffff, v54  }
0x428: {  	v62 =	vor.u32 $0x6, v19;
	[tilespmem:v5+s18+$0x0] =	vst.idx.msk $0xffff, v53  }
0x429: {  	[tilespmem:v43+s18+$0x0] =	vst.idx.msk $0xffff, v51;
	v0 =	vadd.s32 v4, v7  }
0x42a: {  	[tilespmem:v44+s18+$0x0] =	vst.idx.msk $0xffff, v49;
	v34 =	vadd.s32 v4, v6  }
0x42b: {  	v39 =	vadd.s32 v4, v8;
	[tilespmem:v60+s18+$0x0] =	vst.idx.msk $0xffff, v35  }
0x42c: {  	v63 =	vor.u32 $0x6, v22;
	[tilespmem:v61+s18+$0x0] =	vst.idx.msk $0xffff, v33  }
0x42d: {  	v4 =	vadd.s32 v4, v11;
	[tilespmem:v62+s18+$0x0] =	vst.idx.msk $0xffff, v32  }
0x42e: {  	[tilespmem:v0+s18+$0x0] =	vst.idx.msk $0xffff, v52;
	v52 =	vor.u32 $0x4, v10  }
0x42f: {  	v53 =	vor.u32 $0x4, v13;
	[tilespmem:v34+s18+$0x0] =	vst.idx.msk $0xffff, v50  }
0x430: {  	[tilespmem:v39+s18+$0x0] =	vst.idx.msk $0xffff, v48;
	v48 =	vor.u32 $0x3, v56  }
0x431: {  	v54 =	vor.u32 $0x4, v2;
	[tilespmem:v63+s18+$0x0] =	vst.idx.msk $0xffff, v31  }
0x432: {  	v56 =	vor.u32 $0x5, v15;
	[tilespmem:v4+s18+$0x0] =	vst.idx.msk $0xffff, v30  }
0x433: {  	v50 =	vor.u32 $0x3, v57;
	[tilespmem:v52+s18+$0x0] =	vst.idx.msk $0xffff, v27  }
0x434: {  	v55 =	vor.u32 $0x4, v14;
	[tilespmem:v53+s18+$0x0] =	vst.idx.msk $0xffff, v46  }
0x435: {  	v57 =	vor.u32 $0x5, v16;
	[tilespmem:v48+s18+$0x0] =	vst.idx.msk $0xffff, v47  }
0x436: {  	v58 =	vor.u32 $0x5, v18;
	[tilespmem:v54+s18+$0x0] =	vst.idx.msk $0xffff, v45  }
0x437: {  	v59 =	vor.u32 $0x5, v17;
	[tilespmem:v56+s18+$0x0] =	vst.idx.msk $0xffff, v41  }
0x438: {  	[tilespmem:v50+s18+$0x0] =	vst.idx.msk $0xffff, v28  }
0x439: {  	s0 =	sadd.s32 s5, s25;
	[tilespmem:v55+s18+$0x0] =	vst.idx.msk $0xffff, v42  }
0x43a: {  	s0 =	sshll.u32 s0, $0x3;
	[tilespmem:v57+s18+$0x0] =	vst.idx.msk $0xffff, v38  }
0x43b: {  	s25 =	simm.s32 $0x18400;
	s0 =	sadd.s32 s1, s0;
	[tilespmem:v58+s18+$0x0] =	vst.idx.msk $0xffff, v37  }
0x43c: {  	s26 =	simm.s32 $0x10;
	s28 =	simm.s32 $0x18488;
	s29 =	sadd.s32 $0x0, s0;
	[tilespmem:v59+s18+$0x0] =	vst.idx.msk $0xffff, v36  }
.LBB2_17:
0x43d: {  	[hbm4b:s29+s3] =	stream.linear.scatter [tilespmem:s25], [sflag:$0x6], $0x80, $0x38;
	[tilespmem:$0x1C800] =	vst v63  }
0x43e: {  	s2 =	smov.u32 s26;
	s25 =	smov.u32 s28;
	p0 =	sne.s32 s26, $0x7F0  }
.Ltmp7:
0x43f: {  	s26 =	sadd.s32 $0x10, s26;
	(pc) =	sbr.rel @p0 .LBB2_17-.Ltmp7, $2  }
0x440: {  	_ =	sdelay $0x2  }
0x441: {  	s28 =	sadd.s32 $0x88, s28;
	s29 =	sadd.s32 s2, s0  }
0x442: {  	s24 =	sadd.s32 $0x1, s24  }
0x443: {  	p0 =	sne.s32 s24, $0x10  }
.Ltmp8:
0x444: {  	v19 =	vld [tilespmem:$0x1FFB0];
	(pc) =	sbr.rel @p0 .LBB2_2-.Ltmp8, $4  }
0x445: {  	v39 =	vld [tilespmem:$0x1FFC0]  }
0x446: {  	v21 =	vld [tilespmem:$0x1FFD0]  }
0x447: {  	v52 =	vld [tilespmem:$0x1FFE0]  }
0x448: {  	[hbm4b:s29+s3] =	stream.linear.scatter [tilespmem:s25], [sflag:$0x6], $0x80, $0x38;
	v59 =	vld [tilespmem:$0x1FFF0]  }
0x449: {  	s23 =	sadd.s32 $0x1, s23  }
0x44a: {  	_ =	swait.ge [sflag:s19], $0x4000;
	p0 =	sne.s32 s23, s8  }
.Ltmp9:
0x44b: {  	[sflag:s19] =	ssyncset.done $0x0;
	(pc) =	sbr.rel @p0 .LBB2_1-.Ltmp9, $4  }
0x44c: {  	[sflag:s19] =	ssyncadd.s32 $0xFFFFC000  }
0x44d: {  	_ =	swait.ge [sflag:s21], $0x4000  }
0x44e: {  	[sflag:s21] =	ssyncset.done $0x0  }
0x44f: {  	[sflag:s21] =	ssyncadd.s32 $0xFFFFC000  }
0x450: {  	_ =	sfence.sel $0x180000  }
0x451: {  	[bflag:$0x0] =	sbarrier.arrive $0xFFFF  }
0x452: {  	_ =	strace $0x9000004A  }
0x453: {  	s0 =	stileid.u32;
	[bflag:$0x2] =	sbarrier.arrive $0xFFFF  }
0x454: {  	p0 =	sne.s32 s0, $0x0;
	s0 =	rddreg [dreg:$0x3]  }
0x455: {  	s0 =	sadd.s32 @!p0 $0x100000, s0  }
0x456: {  	[sflag:s0] =	ssyncadd.tile.s32 @!p0 $0x1;
	_ =	shalt  }
.Lfunc_end2:
_tile_overlayer_lowered:
.L_overlay_start_2:
0x457: {  	(tag) =	ssettag $0x2  }
0x458: {  	s0 =	rddreg [dreg:$0x0];
	s2 =	stileid.u32  }
0x459: {  	s1 =	rddreg [dreg:$0x1];
	p0 =	sne.s32 s2, $0x0  }
0x45a: {  	s3 =	rddreg [dreg:$0x2];
	[bflag:$0x3] =	sbarrier.arrive $0xFFFF;
	s2 =	simm.s32 @!p0 $0x1C07  }
0x45b: {  	[timem:s3], [sflag:s2] =	dma.local @!p0 [hbm:s0], s1  }
0x45c: {  	s0 =	simm.s32 @!p0 $0x7  }
0x45d: {  	_ =	swait.ge @!p0 [sflag:s0], s1  }
0x45e: {  	s1 =	ssub.s32 @!p0 $0x0, s1;
	[sflag:s0] =	ssyncset.done @!p0 $0x0  }
0x45f: {  	[sflag:s0] =	ssyncadd.s32 @!p0 s1  }
0x460: {  	[bflag:$0x3] =	sbarrier.arrive $0xFFFF  }
0x461: {  	_ =	shalt  }

</sc_bundles>
